<compile_context>
chip_gen: v7x
topology: tpu7x:2x2x1
jax: 0.10.2.dev20260603
libtpu: 0.0.44.dev20260713+nightly
codegen_flags: <defaults>
</compile_context>

<pallas_src>
import functools

import jax
import jax.numpy as jnp
from jax import lax
from jax.experimental import pallas as pl
from jax.experimental.pallas import tpu as pltpu
from jax.experimental.pallas import tpu_sc as plsc

N = 10000
NFEAT = 128
NHID = 128
NCLASS = 64
E = 320000

NC = 2
NS = 16
NW = NC * NS
CHUNK = 128
NCH = 80
IB = 8
NBUF = 4
CH2 = 64
TOTCH = EPAD_CH2 = 5120
IB2 = 16
CHA = 288
CHB = 32
EPAD = NW * NCH * CHUNK
RPS = 632
NPAD = NS * RPS

_MESH = plsc.VectorSubcoreMesh(core_axis_name="c", subcore_axis_name="s")



@functools.partial(
    pl.kernel,
    out_type=jax.ShapeDtypeStruct((NC, NPAD, NHID), jnp.float32),
    mesh=_MESH,
    scratch_types=[
        pltpu.VMEM((NCH, CHUNK), jnp.int32),
        pltpu.VMEM((CHUNK, NHID), jnp.float32),
        pltpu.VMEM_SHARED((NPAD, NHID), jnp.float32),
        pltpu.SemaphoreType.DMA,
    ],
)
def _sc_degree(dst_hbm, zeros_hbm, ones_hbm, out_hbm, dst_v, ones_v, acc,
               sem):
    cid = lax.axis_index("c")
    sid = lax.axis_index("s")
    wid = cid * NS + sid
    pltpu.sync_copy(zeros_hbm, acc.at[pl.ds(sid * RPS, RPS)])
    pltpu.sync_copy(dst_hbm.at[wid], dst_v)
    pltpu.sync_copy(ones_hbm, ones_v)
    plsc.subcore_barrier()

    @pl.loop(0, NCH, step=8)
    def _(j):
        descs = [pltpu.async_copy(ones_v, acc.at[dst_v.at[j + k]], sem,
                                  add=True) for k in range(8)]
        for d in descs:
            d.wait()

    plsc.subcore_barrier()
    pltpu.sync_copy(acc.at[pl.ds(sid * RPS, RPS)],
                    out_hbm.at[cid, pl.ds(sid * RPS, RPS)])


def _make_sc_scatter(width):

    @functools.partial(
        pl.kernel,
        out_type=jax.ShapeDtypeStruct((NC, NPAD, width), jnp.float32),
        mesh=_MESH,
        scratch_types=[
            pltpu.VMEM((IB2, CH2), jnp.int32),
            pltpu.VMEM((IB2, CH2), jnp.int32),
            pltpu.VMEM_SHARED((NPAD, width), jnp.float32),
        ] + [pltpu.VMEM((CH2, width), jnp.float32)] * NBUF
          + [pltpu.SemaphoreType.DMA] * NBUF,
    )
    def scat(g_hbm, src_hbm, dst_hbm, zeros_hbm, out_hbm,
             src_v, dst_v, acc, *bufs_sems):
        bufs = bufs_sems[:NBUF]
        sems = bufs_sems[NBUF:]
        cid = lax.axis_index("c")
        sid = lax.axis_index("s")
        wid = cid * NS + sid
        pltpu.sync_copy(zeros_hbm, acc.at[pl.ds(sid * RPS, RPS)])
        plsc.subcore_barrier()

        def gather(i, k):
            return pltpu.make_async_copy(g_hbm.at[src_v.at[i]],
                                         bufs[k], sems[k])

        def prefetch(i, k):
            @pl.when(i < IB2)
            def _():
                gather(i, k).start()

        def run(nchunks, base):
            @pl.loop(0, nchunks // IB2)
            def _(b):
                off = base + b * IB2
                pltpu.sync_copy(src_hbm.at[pl.ds(off, IB2)], src_v)
                pltpu.sync_copy(dst_hbm.at[pl.ds(off, IB2)], dst_v)
                for k in range(NBUF):
                    gather(k, k).start()

                @pl.loop(0, IB2, step=NBUF)
                def _(i):
                    for k in range(NBUF):
                        gather(i + k, k).wait()
                        pltpu.sync_copy(bufs[k], acc.at[dst_v.at[i + k]],
                                        add=True)
                        prefetch(i + NBUF + k, k)

        @pl.when(cid == 0)
        def _():
            run(CHA, sid * CHA)

        if CHB:
            @pl.when(cid == 1)
            def _():
                run(CHB, NS * CHA + sid * CHB)

        plsc.subcore_barrier()
        pltpu.sync_copy(acc.at[pl.ds(sid * RPS, RPS)],
                        out_hbm.at[cid, pl.ds(sid * RPS, RPS)])

    return scat


_sc_scatter_hid = _make_sc_scatter(NHID)



def _mm_body(x_ref, w_ref, o_ref):
    o_ref[...] = jnp.dot(x_ref[...], w_ref[...],
                         preferred_element_type=jnp.float32)


def _dis(d0_ref, d1_ref):
    deg = d0_ref[...][:N, 0:1] + d1_ref[...][:N, 0:1] + 1.0
    return 1.0 / jnp.sqrt(deg)


def _scale_body(d0_ref, d1_ref, h_ref, g_ref):
    g_ref[...] = h_ref[...] * _dis(d0_ref, d1_ref)


def _mid_body(a0_ref, a1_ref, d0_ref, d1_ref, h1_ref, b1_ref,
              h1p_ref, g2_ref):
    dis = _dis(d0_ref, d1_ref)
    acc = a0_ref[...][:N, :] + a1_ref[...][:N, :]
    y = dis * acc + (dis * dis) * h1_ref[...] + b1_ref[...][None, :]
    h1p = jnp.maximum(y, 0.0)
    h1p_ref[...] = h1p
    g2_ref[...] = h1p * dis


def _final_body(a0_ref, a1_ref, d0_ref, d1_ref, h1p_ref, w2_ref, b2_ref,
                o_ref):
    dis = _dis(d0_ref, d1_ref)
    acc = a0_ref[...][:N, :] + a1_ref[...][:N, :]
    t = dis * acc + (dis * dis) * h1p_ref[...]
    z = jnp.dot(t, w2_ref[...],
                preferred_element_type=jnp.float32) + b2_ref[...][None, :]
    m = jnp.max(z, axis=1, keepdims=True)
    s = jnp.sum(jnp.exp(z - m), axis=1, keepdims=True)
    o_ref[...] = z - m - jnp.log(s)


def _f32(shape):
    return jax.ShapeDtypeStruct(shape, jnp.float32)


_tc_matmul = pl.pallas_call(_mm_body, out_shape=_f32((N, NHID)))
_tc_scale = pl.pallas_call(_scale_body, out_shape=_f32((N, NHID)))
_tc_mid = pl.pallas_call(_mid_body,
                         out_shape=(_f32((N, NHID)), _f32((N, NHID))))
_tc_final = pl.pallas_call(_final_body, out_shape=_f32((N, NCLASS)))



def kernel(x, edge_index, W1, b1, W2, b2):
    src = edge_index[0]
    dst = edge_index[1]
    pad = EPAD - E
    srcp = jnp.concatenate(
        [src, jnp.zeros((pad,), src.dtype)]).reshape(NW, NCH, CHUNK)
    dstp = jnp.concatenate(
        [dst, jnp.full((pad,), N, dst.dtype)]).reshape(NW, NCH, CHUNK)
    zh = jnp.zeros((RPS, NHID), jnp.float32)
    oh = jnp.ones((CHUNK, NHID), jnp.float32)

    srcp2 = srcp.reshape(TOTCH, CH2)
    dstp2 = dstp.reshape(TOTCH, CH2)

    degp = _sc_degree(dstp, zh, oh)
    h1 = _tc_matmul(x, W1)
    d0, d1 = degp[0], degp[1]
    g1 = _tc_scale(d0, d1, h1)
    acc1 = _sc_scatter_hid(g1, srcp2, dstp2, zh)
    h1p, g2 = _tc_mid(acc1[0], acc1[1], d0, d1, h1, b1)
    acc2 = _sc_scatter_hid(g2, srcp2, dstp2, zh)
    return _tc_final(acc2[0], acc2[1], d0, d1, h1p, W2, b2)

# --- scband reference (transcript-rebuilt; emitter-appended) ---
"""Pipeline reference for scband-gcn-84567906058949 (READ-ONLY COPY).

The authoritative reference and input builder live on the scoring server;
editing this copy changes nothing except your own understanding.
"""

import jax, jax.numpy as jnp
import numpy as np

N = 10000
E = 320000
NFEAT = 128
NHID = 128
NCLASS = 64


def setup_inputs(seed: int = 0) -> dict:
    key = jax.random.key(seed)
    ks = jax.random.split(key, 6)
    x = jax.random.normal(ks[0], (N, NFEAT), dtype=jnp.float32)
    edge_index = jax.random.randint(ks[1], (2, E), 0, N, dtype=jnp.int32)
    W1 = jax.random.normal(ks[2], (NFEAT, NHID), dtype=jnp.float32) * (1.0 / np.sqrt(NFEAT))
    b1 = jnp.zeros((NHID,), dtype=jnp.float32)
    W2 = jax.random.normal(ks[3], (NHID, NCLASS), dtype=jnp.float32) * (1.0 / np.sqrt(NHID))
    b2 = jnp.zeros((NCLASS,), dtype=jnp.float32)
    return {"x": x, "edge_index": edge_index, "W1": W1, "b1": b1, "W2": W2, "b2": b2}


def _gcn_conv(x, edge_index, W, b):
    # PyG GCNConv: x' = D^{-1/2} (A + I) D^{-1/2} (x W) + b
    n = x.shape[0]
    src = edge_index[0]
    dst = edge_index[1]
    self_idx = jnp.arange(n, dtype=edge_index.dtype)
    src_full = jnp.concatenate([src, self_idx])
    dst_full = jnp.concatenate([dst, self_idx])
    ew = jnp.ones(src_full.shape[0], dtype=x.dtype)
    deg = jnp.zeros((n,), dtype=x.dtype).at[dst_full].add(ew)
    deg_inv_sqrt = jnp.where(deg > 0, 1.0 / jnp.sqrt(deg), 0.0)
    norm = deg_inv_sqrt[src_full] * deg_inv_sqrt[dst_full]
    h = x @ W
    msg = h[src_full] * norm[:, None]
    out = jnp.zeros((n, W.shape[1]), dtype=x.dtype).at[dst_full].add(msg)
    return out + b


def reference(x, edge_index, W1, b1, W2, b2):
    h = jax.nn.relu(_gcn_conv(x, edge_index, W1, b1))
    # dropout is identity in eval mode
    out = _gcn_conv(h, edge_index, W2, b2)
    return jax.nn.log_softmax(out, axis=1)

if __name__ == "__main__":
    import jax
    _d = setup_inputs()
    print(jax.jit(kernel)(*tuple(_d.values())))

</pallas_src>

<mosaic_0001>
#map = affine_map<(d0, d1) -> (0, 0)>
#map1 = affine_map<(d0, d1) -> (0, 0, 0)>
module attributes {stable_mosaic.version = 14 : i64} {
  func.func @scat(%arg0: i32, %arg1: i32, %arg2: memref<10000x128xf32, #tpu.memory_space<hbm>>, %arg3: memref<5120x64xi32, #tpu.memory_space<hbm>>, %arg4: memref<5120x64xi32, #tpu.memory_space<hbm>>, %arg5: memref<632x128xf32, #tpu.memory_space<hbm>>, %arg6: memref<2x10112x128xf32, #tpu.memory_space<hbm>>, %arg7: memref<16x64xi32, #tpu.memory_space<vmem>>, %arg8: memref<16x64xi32, #tpu.memory_space<vmem>>, %arg9: memref<10112x128xf32, #tpu.memory_space<vmem_shared>>, %arg10: memref<64x128xf32, #tpu.memory_space<vmem>>, %arg11: memref<64x128xf32, #tpu.memory_space<vmem>>, %arg12: memref<64x128xf32, #tpu.memory_space<vmem>>, %arg13: memref<64x128xf32, #tpu.memory_space<vmem>>, %arg14: memref<!tpu.dma_semaphore, #tpu.memory_space<semaphore_mem>>, %arg15: memref<!tpu.dma_semaphore, #tpu.memory_space<semaphore_mem>>, %arg16: memref<!tpu.dma_semaphore, #tpu.memory_space<semaphore_mem>>, %arg17: memref<!tpu.dma_semaphore, #tpu.memory_space<semaphore_mem>>) attributes {dimension_semantics = [#tpu.dimension_semantics<core_parallel>, #tpu.dimension_semantics<subcore_parallel>], iteration_bounds = array<i64: 2, 16>, scalar_prefetch = 0 : i64, scratch_operands = 11 : i64, tpu.core_type = #tpu.core_type<sc_vector_subcore>, window_params = [{transform_indices = #map}, {transform_indices = #map}, {transform_indices = #map}, {transform_indices = #map}, {transform_indices = #map1}]} {
    %mul3A = arith.constant 16 : i32
    %mul3A_0 = arith.muli %arg0, %mul3A : i32
    %add3A = arith.addi %mul3A_0, %arg1 : i32
    %mul3A_1 = arith.constant 632 : i32
    %mul3A_2 = arith.muli %arg1, %mul3A_1 : i32
    "tpu.region"() ({
      %run_scoped3A = tpu.sem_alloc : memref<!tpu.dma_semaphore, #tpu.memory_space<semaphore_mem>>
      %dma_start3A = arith.constant 0 : i32
      %dma_start3A_15 = tpu.memref_slice %arg9[%mul3A_2, %dma_start3A] : memref<10112x128xf32, #tpu.memory_space<vmem_shared>> -> memref<632x128xf32, #tpu.memory_space<vmem_shared>>
      tpu.enqueue_dma source(%arg5 : memref<632x128xf32, #tpu.memory_space<hbm>>) target(%dma_start3A_15 : memref<632x128xf32, #tpu.memory_space<vmem_shared>>) target_semaphore(%run_scoped3A : memref<!tpu.dma_semaphore, #tpu.memory_space<semaphore_mem>>)
      %dma_wait3A = arith.constant 0 : i32
      %dma_wait3A_16 = tpu.memref_slice %arg9[%mul3A_2, %dma_wait3A] : memref<10112x128xf32, #tpu.memory_space<vmem_shared>> -> memref<632x128xf32, #tpu.memory_space<vmem_shared>>
      tpu.wait_dma2 semaphore(%run_scoped3A : memref<!tpu.dma_semaphore, #tpu.memory_space<semaphore_mem>>) src(%arg5 : memref<632x128xf32, #tpu.memory_space<hbm>>) dst(%dma_wait3A_16 : memref<632x128xf32, #tpu.memory_space<vmem_shared>>)
      tpu.yield
    }) : () -> ()
    %barrier3A = arith.constant 0 : index
    tpu.barrier barrier_id(%barrier3A)
    %eq3A = arith.constant 0 : i32
    %eq3A_3 = arith.cmpi eq, %arg0, %eq3A : i32
    %convert_element_type3A = arith.extui %eq3A_3 : i1 to i32
    %cond3A = arith.constant 0 : i32
    %cond3A_4 = arith.cmpi ne, %convert_element_type3A, %cond3A : i32
    scf.if %cond3A_4 {
      %mul3A_15 = arith.constant 288 : i32
      %mul3A_16 = arith.muli %arg1, %mul3A_15 : i32
      %scan3A = arith.constant 0 : i32
      %scan3A_17 = arith.constant 18 : i32
      %scan3A_18 = arith.addi %scan3A, %scan3A_17 : i32
      %scan3A_19 = arith.constant 1 : i32
      scf.for %scan3A_21 = %scan3A to %scan3A_18 step %scan3A_19  : i32 {
        %mul3A_22 = arith.constant 1 : i32
        %mul3A_23 = arith.muli %scan3A_21, %mul3A_22 : i32
        %add3A_24 = arith.constant 0 : i32
        %add3A_25 = arith.addi %add3A_24, %mul3A_23 : i32
        %mul3A_26 = arith.constant 16 : i32
        %mul3A_27 = arith.muli %add3A_25, %mul3A_26 : i32
        %add3A_28 = arith.addi %mul3A_16, %mul3A_27 : i32
        "tpu.region"() ({
          %run_scoped3A = tpu.sem_alloc : memref<!tpu.dma_semaphore, #tpu.memory_space<semaphore_mem>>
          %dma_start3A_61 = arith.constant 0 : i32
          %dma_start3A_62 = tpu.memref_slice %arg3[%add3A_28, %dma_start3A_61] : memref<5120x64xi32, #tpu.memory_space<hbm>> -> memref<16x64xi32, #tpu.memory_space<hbm>>
          %dma_start3A_63 = arith.constant 0 : i32
          %dma_start3A_64 = tpu.memref_slice %arg3[%add3A_28, %dma_start3A_63] : memref<5120x64xi32, #tpu.memory_space<hbm>> -> memref<16x64xi32, #tpu.memory_space<hbm>>
          tpu.enqueue_dma source(%dma_start3A_64 : memref<16x64xi32, #tpu.memory_space<hbm>>) target(%arg7 : memref<16x64xi32, #tpu.memory_space<vmem>>) target_semaphore(%run_scoped3A : memref<!tpu.dma_semaphore, #tpu.memory_space<semaphore_mem>>)
          %dma_wait3A = arith.constant 0 : i32
          %dma_wait3A_65 = tpu.memref_slice %arg3[%add3A_28, %dma_wait3A] : memref<5120x64xi32, #tpu.memory_space<hbm>> -> memref<16x64xi32, #tpu.memory_space<hbm>>
          %dma_wait3A_66 = arith.constant 0 : i32
          %dma_wait3A_67 = tpu.memref_slice %arg3[%add3A_28, %dma_wait3A_66] : memref<5120x64xi32, #tpu.memory_space<hbm>> -> memref<16x64xi32, #tpu.memory_space<hbm>>
          tpu.wait_dma2 semaphore(%run_scoped3A : memref<!tpu.dma_semaphore, #tpu.memory_space<semaphore_mem>>) src(%dma_wait3A_67 : memref<16x64xi32, #tpu.memory_space<hbm>>) dst(%arg7 : memref<16x64xi32, #tpu.memory_space<vmem>>)
          tpu.yield
        }) : () -> ()
        "tpu.region"() ({
          %run_scoped3A = tpu.sem_alloc : memref<!tpu.dma_semaphore, #tpu.memory_space<semaphore_mem>>
          %dma_start3A_61 = arith.constant 0 : i32
          %dma_start3A_62 = tpu.memref_slice %arg4[%add3A_28, %dma_start3A_61] : memref<5120x64xi32, #tpu.memory_space<hbm>> -> memref<16x64xi32, #tpu.memory_space<hbm>>
          %dma_start3A_63 = arith.constant 0 : i32
          %dma_start3A_64 = tpu.memref_slice %arg4[%add3A_28, %dma_start3A_63] : memref<5120x64xi32, #tpu.memory_space<hbm>> -> memref<16x64xi32, #tpu.memory_space<hbm>>
          tpu.enqueue_dma source(%dma_start3A_64 : memref<16x64xi32, #tpu.memory_space<hbm>>) target(%arg8 : memref<16x64xi32, #tpu.memory_space<vmem>>) target_semaphore(%run_scoped3A : memref<!tpu.dma_semaphore, #tpu.memory_space<semaphore_mem>>)
          %dma_wait3A = arith.constant 0 : i32
          %dma_wait3A_65 = tpu.memref_slice %arg4[%add3A_28, %dma_wait3A] : memref<5120x64xi32, #tpu.memory_space<hbm>> -> memref<16x64xi32, #tpu.memory_space<hbm>>
          %dma_wait3A_66 = arith.constant 0 : i32
          %dma_wait3A_67 = tpu.memref_slice %arg4[%add3A_28, %dma_wait3A_66] : memref<5120x64xi32, #tpu.memory_space<hbm>> -> memref<16x64xi32, #tpu.memory_space<hbm>>
          tpu.wait_dma2 semaphore(%run_scoped3A : memref<!tpu.dma_semaphore, #tpu.memory_space<semaphore_mem>>) src(%dma_wait3A_67 : memref<16x64xi32, #tpu.memory_space<hbm>>) dst(%arg8 : memref<16x64xi32, #tpu.memory_space<vmem>>)
          tpu.yield
        }) : () -> ()
        %dma_start3A = arith.constant 0 : i32
        %dma_start3A_29 = arith.constant 0 : i32
        %dma_start3A_30 = tpu.memref_slice %arg7[%dma_start3A, %dma_start3A_29] : memref<16x64xi32, #tpu.memory_space<vmem>> -> memref<1x64xi32, #tpu.memory_space<vmem>>
        %dma_start3A_31 = tpu.memref_squeeze %dma_start3A_30 : memref<1x64xi32, #tpu.memory_space<vmem>> -> memref<64xi32, #tpu.memory_space<vmem>>
        %dma_start3A_32 = arith.constant 0 : i32
        %dma_start3A_33 = arith.constant 0 : i32
        %dma_start3A_34 = tpu.memref_slice %arg2[%dma_start3A_32, %dma_start3A_33] : memref<10000x128xf32, #tpu.memory_space<hbm>> -> memref<10000x128xf32, #tpu.memory_space<hbm>>
        tpu.enqueue_indirect_dma source(%dma_start3A_34 : memref<10000x128xf32, #tpu.memory_space<hbm>>) target(%arg10 : memref<64x128xf32, #tpu.memory_space<vmem>>) offsets(%dma_start3A_31 : memref<64xi32, #tpu.memory_space<vmem>>) semaphore(%arg14 : memref<!tpu.dma_semaphore, #tpu.memory_space<semaphore_mem>>)
        %dma_start3A_35 = arith.constant 1 : i32
        %dma_start3A_36 = arith.constant 0 : i32
        %dma_start3A_37 = tpu.memref_slice %arg7[%dma_start3A_35, %dma_start3A_36] : memref<16x64xi32, #tpu.memory_space<vmem>> -> memref<1x64xi32, #tpu.memory_space<vmem>>
        %dma_start3A_38 = tpu.memref_squeeze %dma_start3A_37 : memref<1x64xi32, #tpu.memory_space<vmem>> -> memref<64xi32, #tpu.memory_space<vmem>>
        %dma_start3A_39 = arith.constant 0 : i32
        %dma_start3A_40 = arith.constant 0 : i32
        %dma_start3A_41 = tpu.memref_slice %arg2[%dma_start3A_39, %dma_start3A_40] : memref<10000x128xf32, #tpu.memory_space<hbm>> -> memref<10000x128xf32, #tpu.memory_space<hbm>>
        tpu.enqueue_indirect_dma source(%dma_start3A_41 : memref<10000x128xf32, #tpu.memory_space<hbm>>) target(%arg11 : memref<64x128xf32, #tpu.memory_space<vmem>>) offsets(%dma_start3A_38 : memref<64xi32, #tpu.memory_space<vmem>>) semaphore(%arg15 : memref<!tpu.dma_semaphore, #tpu.memory_space<semaphore_mem>>)
        %dma_start3A_42 = arith.constant 2 : i32
        %dma_start3A_43 = arith.constant 0 : i32
        %dma_start3A_44 = tpu.memref_slice %arg7[%dma_start3A_42, %dma_start3A_43] : memref<16x64xi32, #tpu.memory_space<vmem>> -> memref<1x64xi32, #tpu.memory_space<vmem>>
        %dma_start3A_45 = tpu.memref_squeeze %dma_start3A_44 : memref<1x64xi32, #tpu.memory_space<vmem>> -> memref<64xi32, #tpu.memory_space<vmem>>
        %dma_start3A_46 = arith.constant 0 : i32
        %dma_start3A_47 = arith.constant 0 : i32
        %dma_start3A_48 = tpu.memref_slice %arg2[%dma_start3A_46, %dma_start3A_47] : memref<10000x128xf32, #tpu.memory_space<hbm>> -> memref<10000x128xf32, #tpu.memory_space<hbm>>
        tpu.enqueue_indirect_dma source(%dma_start3A_48 : memref<10000x128xf32, #tpu.memory_space<hbm>>) target(%arg12 : memref<64x128xf32, #tpu.memory_space<vmem>>) offsets(%dma_start3A_45 : memref<64xi32, #tpu.memory_space<vmem>>) semaphore(%arg16 : memref<!tpu.dma_semaphore, #tpu.memory_space<semaphore_mem>>)
        %dma_start3A_49 = arith.constant 3 : i32
        %dma_start3A_50 = arith.constant 0 : i32
        %dma_start3A_51 = tpu.memref_slice %arg7[%dma_start3A_49, %dma_start3A_50] : memref<16x64xi32, #tpu.memory_space<vmem>> -> memref<1x64xi32, #tpu.memory_space<vmem>>
        %dma_start3A_52 = tpu.memref_squeeze %dma_start3A_51 : memref<1x64xi32, #tpu.memory_space<vmem>> -> memref<64xi32, #tpu.memory_space<vmem>>
        %dma_start3A_53 = arith.constant 0 : i32
        %dma_start3A_54 = arith.constant 0 : i32
        %dma_start3A_55 = tpu.memref_slice %arg2[%dma_start3A_53, %dma_start3A_54] : memref<10000x128xf32, #tpu.memory_space<hbm>> -> memref<10000x128xf32, #tpu.memory_space<hbm>>
        tpu.enqueue_indirect_dma source(%dma_start3A_55 : memref<10000x128xf32, #tpu.memory_space<hbm>>) target(%arg13 : memref<64x128xf32, #tpu.memory_space<vmem>>) offsets(%dma_start3A_52 : memref<64xi32, #tpu.memory_space<vmem>>) semaphore(%arg17 : memref<!tpu.dma_semaphore, #tpu.memory_space<semaphore_mem>>)
        %scan3A_56 = arith.constant 0 : i32
        %scan3A_57 = arith.constant 4 : i32
        %scan3A_58 = arith.addi %scan3A_56, %scan3A_57 : i32
        %scan3A_59 = arith.constant 1 : i32
        scf.for %scan3A_61 = %scan3A_56 to %scan3A_58 step %scan3A_59  : i32 {
          %mul3A_62 = arith.constant 4 : i32
          %mul3A_63 = arith.muli %scan3A_61, %mul3A_62 : i32
          %add3A_64 = arith.constant 0 : i32
          %add3A_65 = arith.addi %add3A_64, %mul3A_63 : i32
          %add3A_66 = arith.constant 0 : i32
          %add3A_67 = arith.addi %add3A_65, %add3A_66 : i32
          %dma_wait3A = arith.constant 0 : i32
          %dma_wait3A_68 = tpu.memref_slice %arg7[%add3A_67, %dma_wait3A] : memref<16x64xi32, #tpu.memory_space<vmem>> -> memref<1x64xi32, #tpu.memory_space<vmem>>
          %dma_wait3A_69 = tpu.memref_squeeze %dma_wait3A_68 : memref<1x64xi32, #tpu.memory_space<vmem>> -> memref<64xi32, #tpu.memory_space<vmem>>
          %dma_wait3A_70 = arith.constant 0 : i32
          %dma_wait3A_71 = arith.constant 0 : i32
          %dma_wait3A_72 = tpu.memref_slice %arg2[%dma_wait3A_70, %dma_wait3A_71] : memref<10000x128xf32, #tpu.memory_space<hbm>> -> memref<10000x128xf32, #tpu.memory_space<hbm>>
          tpu.wait_indirect_dma semaphore(%arg14 : memref<!tpu.dma_semaphore, #tpu.memory_space<semaphore_mem>>) src(%dma_wait3A_72 : memref<10000x128xf32, #tpu.memory_space<hbm>>) dst(%arg10 : memref<64x128xf32, #tpu.memory_space<vmem>>)
          %add3A_73 = arith.constant 0 : i32
          %add3A_74 = arith.addi %add3A_65, %add3A_73 : i32
          "tpu.region"() ({
            %run_scoped3A = tpu.sem_alloc : memref<!tpu.dma_semaphore, #tpu.memory_space<semaphore_mem>>
            %dma_start3A_140 = arith.constant 0 : i32
            %dma_start3A_141 = tpu.memref_slice %arg8[%add3A_74, %dma_start3A_140] : memref<16x64xi32, #tpu.memory_space<vmem>> -> memref<1x64xi32, #tpu.memory_space<vmem>>
            %dma_start3A_142 = tpu.memref_squeeze %dma_start3A_141 : memref<1x64xi32, #tpu.memory_space<vmem>> -> memref<64xi32, #tpu.memory_space<vmem>>
            %dma_start3A_143 = arith.constant 0 : i32
            %dma_start3A_144 = arith.constant 0 : i32
            %dma_start3A_145 = tpu.memref_slice %arg9[%dma_start3A_143, %dma_start3A_144] : memref<10112x128xf32, #tpu.memory_space<vmem_shared>> -> memref<10112x128xf32, #tpu.memory_space<vmem_shared>>
            tpu.enqueue_indirect_dma source(%arg10 : memref<64x128xf32, #tpu.memory_space<vmem>>) target(%dma_start3A_145 : memref<10112x128xf32, #tpu.memory_space<vmem_shared>>) offsets(%dma_start3A_142 : memref<64xi32, #tpu.memory_space<vmem>>) semaphore(%run_scoped3A : memref<!tpu.dma_semaphore, #tpu.memory_space<semaphore_mem>>) {add = true}
            %dma_wait3A_146 = arith.constant 0 : i32
            %dma_wait3A_147 = tpu.memref_slice %arg8[%add3A_74, %dma_wait3A_146] : memref<16x64xi32, #tpu.memory_space<vmem>> -> memref<1x64xi32, #tpu.memory_space<vmem>>
            %dma_wait3A_148 = tpu.memref_squeeze %dma_wait3A_147 : memref<1x64xi32, #tpu.memory_space<vmem>> -> memref<64xi32, #tpu.memory_space<vmem>>
            %dma_wait3A_149 = arith.constant 0 : i32
            %dma_wait3A_150 = arith.constant 0 : i32
            %dma_wait3A_151 = tpu.memref_slice %arg9[%dma_wait3A_149, %dma_wait3A_150] : memref<10112x128xf32, #tpu.memory_space<vmem_shared>> -> memref<10112x128xf32, #tpu.memory_space<vmem_shared>>
            tpu.wait_indirect_dma semaphore(%run_scoped3A : memref<!tpu.dma_semaphore, #tpu.memory_space<semaphore_mem>>) src(%arg10 : memref<64x128xf32, #tpu.memory_space<vmem>>) dst(%dma_wait3A_151 : memref<10112x128xf32, #tpu.memory_space<vmem_shared>>)
            tpu.yield
          }) : () -> ()
          %add3A_75 = arith.constant 4 : i32
          %add3A_76 = arith.addi %add3A_65, %add3A_75 : i32
          %add3A_77 = arith.constant 0 : i32
          %add3A_78 = arith.addi %add3A_76, %add3A_77 : i32
          %lt3A = arith.constant 16 : i32
          %lt3A_79 = arith.cmpi slt, %add3A_78, %lt3A : i32
          %convert_element_type3A_80 = arith.extui %lt3A_79 : i1 to i32
          %cond3A_81 = arith.constant 0 : i32
          %cond3A_82 = arith.cmpi ne, %convert_element_type3A_80, %cond3A_81 : i32
          scf.if %cond3A_82 {
            %dma_start3A_140 = arith.constant 0 : i32
            %dma_start3A_141 = tpu.memref_slice %arg7[%add3A_78, %dma_start3A_140] : memref<16x64xi32, #tpu.memory_space<vmem>> -> memref<1x64xi32, #tpu.memory_space<vmem>>
            %dma_start3A_142 = tpu.memref_squeeze %dma_start3A_141 : memref<1x64xi32, #tpu.memory_space<vmem>> -> memref<64xi32, #tpu.memory_space<vmem>>
            %dma_start3A_143 = arith.constant 0 : i32
            %dma_start3A_144 = arith.constant 0 : i32
            %dma_start3A_145 = tpu.memref_slice %arg2[%dma_start3A_143, %dma_start3A_144] : memref<10000x128xf32, #tpu.memory_space<hbm>> -> memref<10000x128xf32, #tpu.memory_space<hbm>>
            tpu.enqueue_indirect_dma source(%dma_start3A_145 : memref<10000x128xf32, #tpu.memory_space<hbm>>) target(%arg10 : memref<64x128xf32, #tpu.memory_space<vmem>>) offsets(%dma_start3A_142 : memref<64xi32, #tpu.memory_space<vmem>>) semaphore(%arg14 : memref<!tpu.dma_semaphore, #tpu.memory_space<semaphore_mem>>)
          } else {
          }
          %add3A_83 = arith.constant 1 : i32
          %add3A_84 = arith.addi %add3A_65, %add3A_83 : i32
          %dma_wait3A_85 = arith.constant 0 : i32
          %dma_wait3A_86 = tpu.memref_slice %arg7[%add3A_84, %dma_wait3A_85] : memref<16x64xi32, #tpu.memory_space<vmem>> -> memref<1x64xi32, #tpu.memory_space<vmem>>
          %dma_wait3A_87 = tpu.memref_squeeze %dma_wait3A_86 : memref<1x64xi32, #tpu.memory_space<vmem>> -> memref<64xi32, #tpu.memory_space<vmem>>
          %dma_wait3A_88 = arith.constant 0 : i32
          %dma_wait3A_89 = arith.constant 0 : i32
          %dma_wait3A_90 = tpu.memref_slice %arg2[%dma_wait3A_88, %dma_wait3A_89] : memref<10000x128xf32, #tpu.memory_space<hbm>> -> memref<10000x128xf32, #tpu.memory_space<hbm>>
          tpu.wait_indirect_dma semaphore(%arg15 : memref<!tpu.dma_semaphore, #tpu.memory_space<semaphore_mem>>) src(%dma_wait3A_90 : memref<10000x128xf32, #tpu.memory_space<hbm>>) dst(%arg11 : memref<64x128xf32, #tpu.memory_space<vmem>>)
          %add3A_91 = arith.constant 1 : i32
          %add3A_92 = arith.addi %add3A_65, %add3A_91 : i32
          "tpu.region"() ({
            %run_scoped3A = tpu.sem_alloc : memref<!tpu.dma_semaphore, #tpu.memory_space<semaphore_mem>>
            %dma_start3A_140 = arith.constant 0 : i32
            %dma_start3A_141 = tpu.memref_slice %arg8[%add3A_92, %dma_start3A_140] : memref<16x64xi32, #tpu.memory_space<vmem>> -> memref<1x64xi32, #tpu.memory_space<vmem>>
            %dma_start3A_142 = tpu.memref_squeeze %dma_start3A_141 : memref<1x64xi32, #tpu.memory_space<vmem>> -> memref<64xi32, #tpu.memory_space<vmem>>
            %dma_start3A_143 = arith.constant 0 : i32
            %dma_start3A_144 = arith.constant 0 : i32
            %dma_start3A_145 = tpu.memref_slice %arg9[%dma_start3A_143, %dma_start3A_144] : memref<10112x128xf32, #tpu.memory_space<vmem_shared>> -> memref<10112x128xf32, #tpu.memory_space<vmem_shared>>
            tpu.enqueue_indirect_dma source(%arg11 : memref<64x128xf32, #tpu.memory_space<vmem>>) target(%dma_start3A_145 : memref<10112x128xf32, #tpu.memory_space<vmem_shared>>) offsets(%dma_start3A_142 : memref<64xi32, #tpu.memory_space<vmem>>) semaphore(%run_scoped3A : memref<!tpu.dma_semaphore, #tpu.memory_space<semaphore_mem>>) {add = true}
            %dma_wait3A_146 = arith.constant 0 : i32
            %dma_wait3A_147 = tpu.memref_slice %arg8[%add3A_92, %dma_wait3A_146] : memref<16x64xi32, #tpu.memory_space<vmem>> -> memref<1x64xi32, #tpu.memory_space<vmem>>
            %dma_wait3A_148 = tpu.memref_squeeze %dma_wait3A_147 : memref<1x64xi32, #tpu.memory_space<vmem>> -> memref<64xi32, #tpu.memory_space<vmem>>
            %dma_wait3A_149 = arith.constant 0 : i32
            %dma_wait3A_150 = arith.constant 0 : i32
            %dma_wait3A_151 = tpu.memref_slice %arg9[%dma_wait3A_149, %dma_wait3A_150] : memref<10112x128xf32, #tpu.memory_space<vmem_shared>> -> memref<10112x128xf32, #tpu.memory_space<vmem_shared>>
            tpu.wait_indirect_dma semaphore(%run_scoped3A : memref<!tpu.dma_semaphore, #tpu.memory_space<semaphore_mem>>) src(%arg11 : memref<64x128xf32, #tpu.memory_space<vmem>>) dst(%dma_wait3A_151 : memref<10112x128xf32, #tpu.memory_space<vmem_shared>>)
            tpu.yield
          }) : () -> ()
          %add3A_93 = arith.constant 4 : i32
          %add3A_94 = arith.addi %add3A_65, %add3A_93 : i32
          %add3A_95 = arith.constant 1 : i32
          %add3A_96 = arith.addi %add3A_94, %add3A_95 : i32
          %lt3A_97 = arith.constant 16 : i32
          %lt3A_98 = arith.cmpi slt, %add3A_96, %lt3A_97 : i32
          %convert_element_type3A_99 = arith.extui %lt3A_98 : i1 to i32
          %cond3A_100 = arith.constant 0 : i32
          %cond3A_101 = arith.cmpi ne, %convert_element_type3A_99, %cond3A_100 : i32
          scf.if %cond3A_101 {
            %dma_start3A_140 = arith.constant 0 : i32
            %dma_start3A_141 = tpu.memref_slice %arg7[%add3A_96, %dma_start3A_140] : memref<16x64xi32, #tpu.memory_space<vmem>> -> memref<1x64xi32, #tpu.memory_space<vmem>>
            %dma_start3A_142 = tpu.memref_squeeze %dma_start3A_141 : memref<1x64xi32, #tpu.memory_space<vmem>> -> memref<64xi32, #tpu.memory_space<vmem>>
            %dma_start3A_143 = arith.constant 0 : i32
            %dma_start3A_144 = arith.constant 0 : i32
            %dma_start3A_145 = tpu.memref_slice %arg2[%dma_start3A_143, %dma_start3A_144] : memref<10000x128xf32, #tpu.memory_space<hbm>> -> memref<10000x128xf32, #tpu.memory_space<hbm>>
            tpu.enqueue_indirect_dma source(%dma_start3A_145 : memref<10000x128xf32, #tpu.memory_space<hbm>>) target(%arg11 : memref<64x128xf32, #tpu.memory_space<vmem>>) offsets(%dma_start3A_142 : memref<64xi32, #tpu.memory_space<vmem>>) semaphore(%arg15 : memref<!tpu.dma_semaphore, #tpu.memory_space<semaphore_mem>>)
          } else {
          }
          %add3A_102 = arith.constant 2 : i32
          %add3A_103 = arith.addi %add3A_65, %add3A_102 : i32
          %dma_wait3A_104 = arith.constant 0 : i32
          %dma_wait3A_105 = tpu.memref_slice %arg7[%add3A_103, %dma_wait3A_104] : memref<16x64xi32, #tpu.memory_space<vmem>> -> memref<1x64xi32, #tpu.memory_space<vmem>>
          %dma_wait3A_106 = tpu.memref_squeeze %dma_wait3A_105 : memref<1x64xi32, #tpu.memory_space<vmem>> -> memref<64xi32, #tpu.memory_space<vmem>>
          %dma_wait3A_107 = arith.constant 0 : i32
          %dma_wait3A_108 = arith.constant 0 : i32
          %dma_wait3A_109 = tpu.memref_slice %arg2[%dma_wait3A_107, %dma_wait3A_108] : memref<10000x128xf32, #tpu.memory_space<hbm>> -> memref<10000x128xf32, #tpu.memory_space<hbm>>
          tpu.wait_indirect_dma semaphore(%arg16 : memref<!tpu.dma_semaphore, #tpu.memory_space<semaphore_mem>>) src(%dma_wait3A_109 : memref<10000x128xf32, #tpu.memory_space<hbm>>) dst(%arg12 : memref<64x128xf32, #tpu.memory_space<vmem>>)
          %add3A_110 = arith.constant 2 : i32
          %add3A_111 = arith.addi %add3A_65, %add3A_110 : i32
          "tpu.region"() ({
            %run_scoped3A = tpu.sem_alloc : memref<!tpu.dma_semaphore, #tpu.memory_space<semaphore_mem>>
            %dma_start3A_140 = arith.constant 0 : i32
            %dma_start3A_141 = tpu.memref_slice %arg8[%add3A_111, %dma_start3A_140] : memref<16x64xi32, #tpu.memory_space<vmem>> -> memref<1x64xi32, #tpu.memory_space<vmem>>
            %dma_start3A_142 = tpu.memref_squeeze %dma_start3A_141 : memref<1x64xi32, #tpu.memory_space<vmem>> -> memref<64xi32, #tpu.memory_space<vmem>>
            %dma_start3A_143 = arith.constant 0 : i32
            %dma_start3A_144 = arith.constant 0 : i32
            %dma_start3A_145 = tpu.memref_slice %arg9[%dma_start3A_143, %dma_start3A_144] : memref<10112x128xf32, #tpu.memory_space<vmem_shared>> -> memref<10112x128xf32, #tpu.memory_space<vmem_shared>>
            tpu.enqueue_indirect_dma source(%arg12 : memref<64x128xf32, #tpu.memory_space<vmem>>) target(%dma_start3A_145 : memref<10112x128xf32, #tpu.memory_space<vmem_shared>>) offsets(%dma_start3A_142 : memref<64xi32, #tpu.memory_space<vmem>>) semaphore(%run_scoped3A : memref<!tpu.dma_semaphore, #tpu.memory_space<semaphore_mem>>) {add = true}
            %dma_wait3A_146 = arith.constant 0 : i32
            %dma_wait3A_147 = tpu.memref_slice %arg8[%add3A_111, %dma_wait3A_146] : memref<16x64xi32, #tpu.memory_space<vmem>> -> memref<1x64xi32, #tpu.memory_space<vmem>>
            %dma_wait3A_148 = tpu.memref_squeeze %dma_wait3A_147 : memref<1x64xi32, #tpu.memory_space<vmem>> -> memref<64xi32, #tpu.memory_space<vmem>>
            %dma_wait3A_149 = arith.constant 0 : i32
            %dma_wait3A_150 = arith.constant 0 : i32
            %dma_wait3A_151 = tpu.memref_slice %arg9[%dma_wait3A_149, %dma_wait3A_150] : memref<10112x128xf32, #tpu.memory_space<vmem_shared>> -> memref<10112x128xf32, #tpu.memory_space<vmem_shared>>
            tpu.wait_indirect_dma semaphore(%run_scoped3A : memref<!tpu.dma_semaphore, #tpu.memory_space<semaphore_mem>>) src(%arg12 : memref<64x128xf32, #tpu.memory_space<vmem>>) dst(%dma_wait3A_151 : memref<10112x128xf32, #tpu.memory_space<vmem_shared>>)
            tpu.yield
          }) : () -> ()
          %add3A_112 = arith.constant 4 : i32
          %add3A_113 = arith.addi %add3A_65, %add3A_112 : i32
          %add3A_114 = arith.constant 2 : i32
          %add3A_115 = arith.addi %add3A_113, %add3A_114 : i32
          %lt3A_116 = arith.constant 16 : i32
          %lt3A_117 = arith.cmpi slt, %add3A_115, %lt3A_116 : i32
          %convert_element_type3A_118 = arith.extui %lt3A_117 : i1 to i32
          %cond3A_119 = arith.constant 0 : i32
          %cond3A_120 = arith.cmpi ne, %convert_element_type3A_118, %cond3A_119 : i32
          scf.if %cond3A_120 {
            %dma_start3A_140 = arith.constant 0 : i32
            %dma_start3A_141 = tpu.memref_slice %arg7[%add3A_115, %dma_start3A_140] : memref<16x64xi32, #tpu.memory_space<vmem>> -> memref<1x64xi32, #tpu.memory_space<vmem>>
            %dma_start3A_142 = tpu.memref_squeeze %dma_start3A_141 : memref<1x64xi32, #tpu.memory_space<vmem>> -> memref<64xi32, #tpu.memory_space<vmem>>
            %dma_start3A_143 = arith.constant 0 : i32
            %dma_start3A_144 = arith.constant 0 : i32
            %dma_start3A_145 = tpu.memref_slice %arg2[%dma_start3A_143, %dma_start3A_144] : memref<10000x128xf32, #tpu.memory_space<hbm>> -> memref<10000x128xf32, #tpu.memory_space<hbm>>
            tpu.enqueue_indirect_dma source(%dma_start3A_145 : memref<10000x128xf32, #tpu.memory_space<hbm>>) target(%arg12 : memref<64x128xf32, #tpu.memory_space<vmem>>) offsets(%dma_start3A_142 : memref<64xi32, #tpu.memory_space<vmem>>) semaphore(%arg16 : memref<!tpu.dma_semaphore, #tpu.memory_space<semaphore_mem>>)
          } else {
          }
          %add3A_121 = arith.constant 3 : i32
          %add3A_122 = arith.addi %add3A_65, %add3A_121 : i32
          %dma_wait3A_123 = arith.constant 0 : i32
          %dma_wait3A_124 = tpu.memref_slice %arg7[%add3A_122, %dma_wait3A_123] : memref<16x64xi32, #tpu.memory_space<vmem>> -> memref<1x64xi32, #tpu.memory_space<vmem>>
          %dma_wait3A_125 = tpu.memref_squeeze %dma_wait3A_124 : memref<1x64xi32, #tpu.memory_space<vmem>> -> memref<64xi32, #tpu.memory_space<vmem>>
          %dma_wait3A_126 = arith.constant 0 : i32
          %dma_wait3A_127 = arith.constant 0 : i32
          %dma_wait3A_128 = tpu.memref_slice %arg2[%dma_wait3A_126, %dma_wait3A_127] : memref<10000x128xf32, #tpu.memory_space<hbm>> -> memref<10000x128xf32, #tpu.memory_space<hbm>>
          tpu.wait_indirect_dma semaphore(%arg17 : memref<!tpu.dma_semaphore, #tpu.memory_space<semaphore_mem>>) src(%dma_wait3A_128 : memref<10000x128xf32, #tpu.memory_space<hbm>>) dst(%arg13 : memref<64x128xf32, #tpu.memory_space<vmem>>)
          %add3A_129 = arith.constant 3 : i32
          %add3A_130 = arith.addi %add3A_65, %add3A_129 : i32
          "tpu.region"() ({
            %run_scoped3A = tpu.sem_alloc : memref<!tpu.dma_semaphore, #tpu.memory_space<semaphore_mem>>
            %dma_start3A_140 = arith.constant 0 : i32
            %dma_start3A_141 = tpu.memref_slice %arg8[%add3A_130, %dma_start3A_140] : memref<16x64xi32, #tpu.memory_space<vmem>> -> memref<1x64xi32, #tpu.memory_space<vmem>>
            %dma_start3A_142 = tpu.memref_squeeze %dma_start3A_141 : memref<1x64xi32, #tpu.memory_space<vmem>> -> memref<64xi32, #tpu.memory_space<vmem>>
            %dma_start3A_143 = arith.constant 0 : i32
            %dma_start3A_144 = arith.constant 0 : i32
            %dma_start3A_145 = tpu.memref_slice %arg9[%dma_start3A_143, %dma_start3A_144] : memref<10112x128xf32, #tpu.memory_space<vmem_shared>> -> memref<10112x128xf32, #tpu.memory_space<vmem_shared>>
            tpu.enqueue_indirect_dma source(%arg13 : memref<64x128xf32, #tpu.memory_space<vmem>>) target(%dma_start3A_145 : memref<10112x128xf32, #tpu.memory_space<vmem_shared>>) offsets(%dma_start3A_142 : memref<64xi32, #tpu.memory_space<vmem>>) semaphore(%run_scoped3A : memref<!tpu.dma_semaphore, #tpu.memory_space<semaphore_mem>>) {add = true}
            %dma_wait3A_146 = arith.constant 0 : i32
            %dma_wait3A_147 = tpu.memref_slice %arg8[%add3A_130, %dma_wait3A_146] : memref<16x64xi32, #tpu.memory_space<vmem>> -> memref<1x64xi32, #tpu.memory_space<vmem>>
            %dma_wait3A_148 = tpu.memref_squeeze %dma_wait3A_147 : memref<1x64xi32, #tpu.memory_space<vmem>> -> memref<64xi32, #tpu.memory_space<vmem>>
            %dma_wait3A_149 = arith.constant 0 : i32
            %dma_wait3A_150 = arith.constant 0 : i32
            %dma_wait3A_151 = tpu.memref_slice %arg9[%dma_wait3A_149, %dma_wait3A_150] : memref<10112x128xf32, #tpu.memory_space<vmem_shared>> -> memref<10112x128xf32, #tpu.memory_space<vmem_shared>>
            tpu.wait_indirect_dma semaphore(%run_scoped3A : memref<!tpu.dma_semaphore, #tpu.memory_space<semaphore_mem>>) src(%arg13 : memref<64x128xf32, #tpu.memory_space<vmem>>) dst(%dma_wait3A_151 : memref<10112x128xf32, #tpu.memory_space<vmem_shared>>)
            tpu.yield
          }) : () -> ()
          %add3A_131 = arith.constant 4 : i32
          %add3A_132 = arith.addi %add3A_65, %add3A_131 : i32
          %add3A_133 = arith.constant 3 : i32
          %add3A_134 = arith.addi %add3A_132, %add3A_133 : i32
          %lt3A_135 = arith.constant 16 : i32
          %lt3A_136 = arith.cmpi slt, %add3A_134, %lt3A_135 : i32
          %convert_element_type3A_137 = arith.extui %lt3A_136 : i1 to i32
          %cond3A_138 = arith.constant 0 : i32
          %cond3A_139 = arith.cmpi ne, %convert_element_type3A_137, %cond3A_138 : i32
          scf.if %cond3A_139 {
            %dma_start3A_140 = arith.constant 0 : i32
            %dma_start3A_141 = tpu.memref_slice %arg7[%add3A_134, %dma_start3A_140] : memref<16x64xi32, #tpu.memory_space<vmem>> -> memref<1x64xi32, #tpu.memory_space<vmem>>
            %dma_start3A_142 = tpu.memref_squeeze %dma_start3A_141 : memref<1x64xi32, #tpu.memory_space<vmem>> -> memref<64xi32, #tpu.memory_space<vmem>>
            %dma_start3A_143 = arith.constant 0 : i32
            %dma_start3A_144 = arith.constant 0 : i32
            %dma_start3A_145 = tpu.memref_slice %arg2[%dma_start3A_143, %dma_start3A_144] : memref<10000x128xf32, #tpu.memory_space<hbm>> -> memref<10000x128xf32, #tpu.memory_space<hbm>>
            tpu.enqueue_indirect_dma source(%dma_start3A_145 : memref<10000x128xf32, #tpu.memory_space<hbm>>) target(%arg13 : memref<64x128xf32, #tpu.memory_space<vmem>>) offsets(%dma_start3A_142 : memref<64xi32, #tpu.memory_space<vmem>>) semaphore(%arg17 : memref<!tpu.dma_semaphore, #tpu.memory_space<semaphore_mem>>)
          } else {
          }
        }
        %scan3A_60 = arith.constant 4 : i32
      }
      %scan3A_20 = arith.constant 18 : i32
    } else {
    }
    %eq3A_5 = arith.constant 1 : i32
    %eq3A_6 = arith.cmpi eq, %arg0, %eq3A_5 : i32
    %convert_element_type3A_7 = arith.extui %eq3A_6 : i1 to i32
    %cond3A_8 = arith.constant 0 : i32
    %cond3A_9 = arith.cmpi ne, %convert_element_type3A_7, %cond3A_8 : i32
    scf.if %cond3A_9 {
      %mul3A_15 = arith.constant 32 : i32
      %mul3A_16 = arith.muli %arg1, %mul3A_15 : i32
      %add3A_17 = arith.constant 4608 : i32
      %add3A_18 = arith.addi %add3A_17, %mul3A_16 : i32
      %scan3A = arith.constant 0 : i32
      %scan3A_19 = arith.constant 2 : i32
      %scan3A_20 = arith.addi %scan3A, %scan3A_19 : i32
      %scan3A_21 = arith.constant 1 : i32
      scf.for %scan3A_23 = %scan3A to %scan3A_20 step %scan3A_21  : i32 {
        %mul3A_24 = arith.constant 1 : i32
        %mul3A_25 = arith.muli %scan3A_23, %mul3A_24 : i32
        %add3A_26 = arith.constant 0 : i32
        %add3A_27 = arith.addi %add3A_26, %mul3A_25 : i32
        %mul3A_28 = arith.constant 16 : i32
        %mul3A_29 = arith.muli %add3A_27, %mul3A_28 : i32
        %add3A_30 = arith.addi %add3A_18, %mul3A_29 : i32
        "tpu.region"() ({
          %run_scoped3A = tpu.sem_alloc : memref<!tpu.dma_semaphore, #tpu.memory_space<semaphore_mem>>
          %dma_start3A_63 = arith.constant 0 : i32
          %dma_start3A_64 = tpu.memref_slice %arg3[%add3A_30, %dma_start3A_63] : memref<5120x64xi32, #tpu.memory_space<hbm>> -> memref<16x64xi32, #tpu.memory_space<hbm>>
          %dma_start3A_65 = arith.constant 0 : i32
          %dma_start3A_66 = tpu.memref_slice %arg3[%add3A_30, %dma_start3A_65] : memref<5120x64xi32, #tpu.memory_space<hbm>> -> memref<16x64xi32, #tpu.memory_space<hbm>>
          tpu.enqueue_dma source(%dma_start3A_66 : memref<16x64xi32, #tpu.memory_space<hbm>>) target(%arg7 : memref<16x64xi32, #tpu.memory_space<vmem>>) target_semaphore(%run_scoped3A : memref<!tpu.dma_semaphore, #tpu.memory_space<semaphore_mem>>)
          %dma_wait3A = arith.constant 0 : i32
          %dma_wait3A_67 = tpu.memref_slice %arg3[%add3A_30, %dma_wait3A] : memref<5120x64xi32, #tpu.memory_space<hbm>> -> memref<16x64xi32, #tpu.memory_space<hbm>>
          %dma_wait3A_68 = arith.constant 0 : i32
          %dma_wait3A_69 = tpu.memref_slice %arg3[%add3A_30, %dma_wait3A_68] : memref<5120x64xi32, #tpu.memory_space<hbm>> -> memref<16x64xi32, #tpu.memory_space<hbm>>
          tpu.wait_dma2 semaphore(%run_scoped3A : memref<!tpu.dma_semaphore, #tpu.memory_space<semaphore_mem>>) src(%dma_wait3A_69 : memref<16x64xi32, #tpu.memory_space<hbm>>) dst(%arg7 : memref<16x64xi32, #tpu.memory_space<vmem>>)
          tpu.yield
        }) : () -> ()
        "tpu.region"() ({
          %run_scoped3A = tpu.sem_alloc : memref<!tpu.dma_semaphore, #tpu.memory_space<semaphore_mem>>
          %dma_start3A_63 = arith.constant 0 : i32
          %dma_start3A_64 = tpu.memref_slice %arg4[%add3A_30, %dma_start3A_63] : memref<5120x64xi32, #tpu.memory_space<hbm>> -> memref<16x64xi32, #tpu.memory_space<hbm>>
          %dma_start3A_65 = arith.constant 0 : i32
          %dma_start3A_66 = tpu.memref_slice %arg4[%add3A_30, %dma_start3A_65] : memref<5120x64xi32, #tpu.memory_space<hbm>> -> memref<16x64xi32, #tpu.memory_space<hbm>>
          tpu.enqueue_dma source(%dma_start3A_66 : memref<16x64xi32, #tpu.memory_space<hbm>>) target(%arg8 : memref<16x64xi32, #tpu.memory_space<vmem>>) target_semaphore(%run_scoped3A : memref<!tpu.dma_semaphore, #tpu.memory_space<semaphore_mem>>)
          %dma_wait3A = arith.constant 0 : i32
          %dma_wait3A_67 = tpu.memref_slice %arg4[%add3A_30, %dma_wait3A] : memref<5120x64xi32, #tpu.memory_space<hbm>> -> memref<16x64xi32, #tpu.memory_space<hbm>>
          %dma_wait3A_68 = arith.constant 0 : i32
          %dma_wait3A_69 = tpu.memref_slice %arg4[%add3A_30, %dma_wait3A_68] : memref<5120x64xi32, #tpu.memory_space<hbm>> -> memref<16x64xi32, #tpu.memory_space<hbm>>
          tpu.wait_dma2 semaphore(%run_scoped3A : memref<!tpu.dma_semaphore, #tpu.memory_space<semaphore_mem>>) src(%dma_wait3A_69 : memref<16x64xi32, #tpu.memory_space<hbm>>) dst(%arg8 : memref<16x64xi32, #tpu.memory_space<vmem>>)
          tpu.yield
        }) : () -> ()
        %dma_start3A = arith.constant 0 : i32
        %dma_start3A_31 = arith.constant 0 : i32
        %dma_start3A_32 = tpu.memref_slice %arg7[%dma_start3A, %dma_start3A_31] : memref<16x64xi32, #tpu.memory_space<vmem>> -> memref<1x64xi32, #tpu.memory_space<vmem>>
        %dma_start3A_33 = tpu.memref_squeeze %dma_start3A_32 : memref<1x64xi32, #tpu.memory_space<vmem>> -> memref<64xi32, #tpu.memory_space<vmem>>
        %dma_start3A_34 = arith.constant 0 : i32
        %dma_start3A_35 = arith.constant 0 : i32
        %dma_start3A_36 = tpu.memref_slice %arg2[%dma_start3A_34, %dma_start3A_35] : memref<10000x128xf32, #tpu.memory_space<hbm>> -> memref<10000x128xf32, #tpu.memory_space<hbm>>
        tpu.enqueue_indirect_dma source(%dma_start3A_36 : memref<10000x128xf32, #tpu.memory_space<hbm>>) target(%arg10 : memref<64x128xf32, #tpu.memory_space<vmem>>) offsets(%dma_start3A_33 : memref<64xi32, #tpu.memory_space<vmem>>) semaphore(%arg14 : memref<!tpu.dma_semaphore, #tpu.memory_space<semaphore_mem>>)
        %dma_start3A_37 = arith.constant 1 : i32
        %dma_start3A_38 = arith.constant 0 : i32
        %dma_start3A_39 = tpu.memref_slice %arg7[%dma_start3A_37, %dma_start3A_38] : memref<16x64xi32, #tpu.memory_space<vmem>> -> memref<1x64xi32, #tpu.memory_space<vmem>>
        %dma_start3A_40 = tpu.memref_squeeze %dma_start3A_39 : memref<1x64xi32, #tpu.memory_space<vmem>> -> memref<64xi32, #tpu.memory_space<vmem>>
        %dma_start3A_41 = arith.constant 0 : i32
        %dma_start3A_42 = arith.constant 0 : i32
        %dma_start3A_43 = tpu.memref_slice %arg2[%dma_start3A_41, %dma_start3A_42] : memref<10000x128xf32, #tpu.memory_space<hbm>> -> memref<10000x128xf32, #tpu.memory_space<hbm>>
        tpu.enqueue_indirect_dma source(%dma_start3A_43 : memref<10000x128xf32, #tpu.memory_space<hbm>>) target(%arg11 : memref<64x128xf32, #tpu.memory_space<vmem>>) offsets(%dma_start3A_40 : memref<64xi32, #tpu.memory_space<vmem>>) semaphore(%arg15 : memref<!tpu.dma_semaphore, #tpu.memory_space<semaphore_mem>>)
        %dma_start3A_44 = arith.constant 2 : i32
        %dma_start3A_45 = arith.constant 0 : i32
        %dma_start3A_46 = tpu.memref_slice %arg7[%dma_start3A_44, %dma_start3A_45] : memref<16x64xi32, #tpu.memory_space<vmem>> -> memref<1x64xi32, #tpu.memory_space<vmem>>
        %dma_start3A_47 = tpu.memref_squeeze %dma_start3A_46 : memref<1x64xi32, #tpu.memory_space<vmem>> -> memref<64xi32, #tpu.memory_space<vmem>>
        %dma_start3A_48 = arith.constant 0 : i32
        %dma_start3A_49 = arith.constant 0 : i32
        %dma_start3A_50 = tpu.memref_slice %arg2[%dma_start3A_48, %dma_start3A_49] : memref<10000x128xf32, #tpu.memory_space<hbm>> -> memref<10000x128xf32, #tpu.memory_space<hbm>>
        tpu.enqueue_indirect_dma source(%dma_start3A_50 : memref<10000x128xf32, #tpu.memory_space<hbm>>) target(%arg12 : memref<64x128xf32, #tpu.memory_space<vmem>>) offsets(%dma_start3A_47 : memref<64xi32, #tpu.memory_space<vmem>>) semaphore(%arg16 : memref<!tpu.dma_semaphore, #tpu.memory_space<semaphore_mem>>)
        %dma_start3A_51 = arith.constant 3 : i32
        %dma_start3A_52 = arith.constant 0 : i32
        %dma_start3A_53 = tpu.memref_slice %arg7[%dma_start3A_51, %dma_start3A_52] : memref<16x64xi32, #tpu.memory_space<vmem>> -> memref<1x64xi32, #tpu.memory_space<vmem>>
        %dma_start3A_54 = tpu.memref_squeeze %dma_start3A_53 : memref<1x64xi32, #tpu.memory_space<vmem>> -> memref<64xi32, #tpu.memory_space<vmem>>
        %dma_start3A_55 = arith.constant 0 : i32
        %dma_start3A_56 = arith.constant 0 : i32
        %dma_start3A_57 = tpu.memref_slice %arg2[%dma_start3A_55, %dma_start3A_56] : memref<10000x128xf32, #tpu.memory_space<hbm>> -> memref<10000x128xf32, #tpu.memory_space<hbm>>
        tpu.enqueue_indirect_dma source(%dma_start3A_57 : memref<10000x128xf32, #tpu.memory_space<hbm>>) target(%arg13 : memref<64x128xf32, #tpu.memory_space<vmem>>) offsets(%dma_start3A_54 : memref<64xi32, #tpu.memory_space<vmem>>) semaphore(%arg17 : memref<!tpu.dma_semaphore, #tpu.memory_space<semaphore_mem>>)
        %scan3A_58 = arith.constant 0 : i32
        %scan3A_59 = arith.constant 4 : i32
        %scan3A_60 = arith.addi %scan3A_58, %scan3A_59 : i32
        %scan3A_61 = arith.constant 1 : i32
        scf.for %scan3A_63 = %scan3A_58 to %scan3A_60 step %scan3A_61  : i32 {
          %mul3A_64 = arith.constant 4 : i32
          %mul3A_65 = arith.muli %scan3A_63, %mul3A_64 : i32
          %add3A_66 = arith.constant 0 : i32
          %add3A_67 = arith.addi %add3A_66, %mul3A_65 : i32
          %add3A_68 = arith.constant 0 : i32
          %add3A_69 = arith.addi %add3A_67, %add3A_68 : i32
          %dma_wait3A = arith.constant 0 : i32
          %dma_wait3A_70 = tpu.memref_slice %arg7[%add3A_69, %dma_wait3A] : memref<16x64xi32, #tpu.memory_space<vmem>> -> memref<1x64xi32, #tpu.memory_space<vmem>>
          %dma_wait3A_71 = tpu.memref_squeeze %dma_wait3A_70 : memref<1x64xi32, #tpu.memory_space<vmem>> -> memref<64xi32, #tpu.memory_space<vmem>>
          %dma_wait3A_72 = arith.constant 0 : i32
          %dma_wait3A_73 = arith.constant 0 : i32
          %dma_wait3A_74 = tpu.memref_slice %arg2[%dma_wait3A_72, %dma_wait3A_73] : memref<10000x128xf32, #tpu.memory_space<hbm>> -> memref<10000x128xf32, #tpu.memory_space<hbm>>
          tpu.wait_indirect_dma semaphore(%arg14 : memref<!tpu.dma_semaphore, #tpu.memory_space<semaphore_mem>>) src(%dma_wait3A_74 : memref<10000x128xf32, #tpu.memory_space<hbm>>) dst(%arg10 : memref<64x128xf32, #tpu.memory_space<vmem>>)
          %add3A_75 = arith.constant 0 : i32
          %add3A_76 = arith.addi %add3A_67, %add3A_75 : i32
          "tpu.region"() ({
            %run_scoped3A = tpu.sem_alloc : memref<!tpu.dma_semaphore, #tpu.memory_space<semaphore_mem>>
            %dma_start3A_142 = arith.constant 0 : i32
            %dma_start3A_143 = tpu.memref_slice %arg8[%add3A_76, %dma_start3A_142] : memref<16x64xi32, #tpu.memory_space<vmem>> -> memref<1x64xi32, #tpu.memory_space<vmem>>
            %dma_start3A_144 = tpu.memref_squeeze %dma_start3A_143 : memref<1x64xi32, #tpu.memory_space<vmem>> -> memref<64xi32, #tpu.memory_space<vmem>>
            %dma_start3A_145 = arith.constant 0 : i32
            %dma_start3A_146 = arith.constant 0 : i32
            %dma_start3A_147 = tpu.memref_slice %arg9[%dma_start3A_145, %dma_start3A_146] : memref<10112x128xf32, #tpu.memory_space<vmem_shared>> -> memref<10112x128xf32, #tpu.memory_space<vmem_shared>>
            tpu.enqueue_indirect_dma source(%arg10 : memref<64x128xf32, #tpu.memory_space<vmem>>) target(%dma_start3A_147 : memref<10112x128xf32, #tpu.memory_space<vmem_shared>>) offsets(%dma_start3A_144 : memref<64xi32, #tpu.memory_space<vmem>>) semaphore(%run_scoped3A : memref<!tpu.dma_semaphore, #tpu.memory_space<semaphore_mem>>) {add = true}
            %dma_wait3A_148 = arith.constant 0 : i32
            %dma_wait3A_149 = tpu.memref_slice %arg8[%add3A_76, %dma_wait3A_148] : memref<16x64xi32, #tpu.memory_space<vmem>> -> memref<1x64xi32, #tpu.memory_space<vmem>>
            %dma_wait3A_150 = tpu.memref_squeeze %dma_wait3A_149 : memref<1x64xi32, #tpu.memory_space<vmem>> -> memref<64xi32, #tpu.memory_space<vmem>>
            %dma_wait3A_151 = arith.constant 0 : i32
            %dma_wait3A_152 = arith.constant 0 : i32
            %dma_wait3A_153 = tpu.memref_slice %arg9[%dma_wait3A_151, %dma_wait3A_152] : memref<10112x128xf32, #tpu.memory_space<vmem_shared>> -> memref<10112x128xf32, #tpu.memory_space<vmem_shared>>
            tpu.wait_indirect_dma semaphore(%run_scoped3A : memref<!tpu.dma_semaphore, #tpu.memory_space<semaphore_mem>>) src(%arg10 : memref<64x128xf32, #tpu.memory_space<vmem>>) dst(%dma_wait3A_153 : memref<10112x128xf32, #tpu.memory_space<vmem_shared>>)
            tpu.yield
          }) : () -> ()
          %add3A_77 = arith.constant 4 : i32
          %add3A_78 = arith.addi %add3A_67, %add3A_77 : i32
          %add3A_79 = arith.constant 0 : i32
          %add3A_80 = arith.addi %add3A_78, %add3A_79 : i32
          %lt3A = arith.constant 16 : i32
          %lt3A_81 = arith.cmpi slt, %add3A_80, %lt3A : i32
          %convert_element_type3A_82 = arith.extui %lt3A_81 : i1 to i32
          %cond3A_83 = arith.constant 0 : i32
          %cond3A_84 = arith.cmpi ne, %convert_element_type3A_82, %cond3A_83 : i32
          scf.if %cond3A_84 {
            %dma_start3A_142 = arith.constant 0 : i32
            %dma_start3A_143 = tpu.memref_slice %arg7[%add3A_80, %dma_start3A_142] : memref<16x64xi32, #tpu.memory_space<vmem>> -> memref<1x64xi32, #tpu.memory_space<vmem>>
            %dma_start3A_144 = tpu.memref_squeeze %dma_start3A_143 : memref<1x64xi32, #tpu.memory_space<vmem>> -> memref<64xi32, #tpu.memory_space<vmem>>
            %dma_start3A_145 = arith.constant 0 : i32
            %dma_start3A_146 = arith.constant 0 : i32
            %dma_start3A_147 = tpu.memref_slice %arg2[%dma_start3A_145, %dma_start3A_146] : memref<10000x128xf32, #tpu.memory_space<hbm>> -> memref<10000x128xf32, #tpu.memory_space<hbm>>
            tpu.enqueue_indirect_dma source(%dma_start3A_147 : memref<10000x128xf32, #tpu.memory_space<hbm>>) target(%arg10 : memref<64x128xf32, #tpu.memory_space<vmem>>) offsets(%dma_start3A_144 : memref<64xi32, #tpu.memory_space<vmem>>) semaphore(%arg14 : memref<!tpu.dma_semaphore, #tpu.memory_space<semaphore_mem>>)
          } else {
          }
          %add3A_85 = arith.constant 1 : i32
          %add3A_86 = arith.addi %add3A_67, %add3A_85 : i32
          %dma_wait3A_87 = arith.constant 0 : i32
          %dma_wait3A_88 = tpu.memref_slice %arg7[%add3A_86, %dma_wait3A_87] : memref<16x64xi32, #tpu.memory_space<vmem>> -> memref<1x64xi32, #tpu.memory_space<vmem>>
          %dma_wait3A_89 = tpu.memref_squeeze %dma_wait3A_88 : memref<1x64xi32, #tpu.memory_space<vmem>> -> memref<64xi32, #tpu.memory_space<vmem>>
          %dma_wait3A_90 = arith.constant 0 : i32
          %dma_wait3A_91 = arith.constant 0 : i32
          %dma_wait3A_92 = tpu.memref_slice %arg2[%dma_wait3A_90, %dma_wait3A_91] : memref<10000x128xf32, #tpu.memory_space<hbm>> -> memref<10000x128xf32, #tpu.memory_space<hbm>>
          tpu.wait_indirect_dma semaphore(%arg15 : memref<!tpu.dma_semaphore, #tpu.memory_space<semaphore_mem>>) src(%dma_wait3A_92 : memref<10000x128xf32, #tpu.memory_space<hbm>>) dst(%arg11 : memref<64x128xf32, #tpu.memory_space<vmem>>)
          %add3A_93 = arith.constant 1 : i32
          %add3A_94 = arith.addi %add3A_67, %add3A_93 : i32
          "tpu.region"() ({
            %run_scoped3A = tpu.sem_alloc : memref<!tpu.dma_semaphore, #tpu.memory_space<semaphore_mem>>
            %dma_start3A_142 = arith.constant 0 : i32
            %dma_start3A_143 = tpu.memref_slice %arg8[%add3A_94, %dma_start3A_142] : memref<16x64xi32, #tpu.memory_space<vmem>> -> memref<1x64xi32, #tpu.memory_space<vmem>>
            %dma_start3A_144 = tpu.memref_squeeze %dma_start3A_143 : memref<1x64xi32, #tpu.memory_space<vmem>> -> memref<64xi32, #tpu.memory_space<vmem>>
            %dma_start3A_145 = arith.constant 0 : i32
            %dma_start3A_146 = arith.constant 0 : i32
            %dma_start3A_147 = tpu.memref_slice %arg9[%dma_start3A_145, %dma_start3A_146] : memref<10112x128xf32, #tpu.memory_space<vmem_shared>> -> memref<10112x128xf32, #tpu.memory_space<vmem_shared>>
            tpu.enqueue_indirect_dma source(%arg11 : memref<64x128xf32, #tpu.memory_space<vmem>>) target(%dma_start3A_147 : memref<10112x128xf32, #tpu.memory_space<vmem_shared>>) offsets(%dma_start3A_144 : memref<64xi32, #tpu.memory_space<vmem>>) semaphore(%run_scoped3A : memref<!tpu.dma_semaphore, #tpu.memory_space<semaphore_mem>>) {add = true}
            %dma_wait3A_148 = arith.constant 0 : i32
            %dma_wait3A_149 = tpu.memref_slice %arg8[%add3A_94, %dma_wait3A_148] : memref<16x64xi32, #tpu.memory_space<vmem>> -> memref<1x64xi32, #tpu.memory_space<vmem>>
            %dma_wait3A_150 = tpu.memref_squeeze %dma_wait3A_149 : memref<1x64xi32, #tpu.memory_space<vmem>> -> memref<64xi32, #tpu.memory_space<vmem>>
            %dma_wait3A_151 = arith.constant 0 : i32
            %dma_wait3A_152 = arith.constant 0 : i32
            %dma_wait3A_153 = tpu.memref_slice %arg9[%dma_wait3A_151, %dma_wait3A_152] : memref<10112x128xf32, #tpu.memory_space<vmem_shared>> -> memref<10112x128xf32, #tpu.memory_space<vmem_shared>>
            tpu.wait_indirect_dma semaphore(%run_scoped3A : memref<!tpu.dma_semaphore, #tpu.memory_space<semaphore_mem>>) src(%arg11 : memref<64x128xf32, #tpu.memory_space<vmem>>) dst(%dma_wait3A_153 : memref<10112x128xf32, #tpu.memory_space<vmem_shared>>)
            tpu.yield
          }) : () -> ()
          %add3A_95 = arith.constant 4 : i32
          %add3A_96 = arith.addi %add3A_67, %add3A_95 : i32
          %add3A_97 = arith.constant 1 : i32
          %add3A_98 = arith.addi %add3A_96, %add3A_97 : i32
          %lt3A_99 = arith.constant 16 : i32
          %lt3A_100 = arith.cmpi slt, %add3A_98, %lt3A_99 : i32
          %convert_element_type3A_101 = arith.extui %lt3A_100 : i1 to i32
          %cond3A_102 = arith.constant 0 : i32
          %cond3A_103 = arith.cmpi ne, %convert_element_type3A_101, %cond3A_102 : i32
          scf.if %cond3A_103 {
            %dma_start3A_142 = arith.constant 0 : i32
            %dma_start3A_143 = tpu.memref_slice %arg7[%add3A_98, %dma_start3A_142] : memref<16x64xi32, #tpu.memory_space<vmem>> -> memref<1x64xi32, #tpu.memory_space<vmem>>
            %dma_start3A_144 = tpu.memref_squeeze %dma_start3A_143 : memref<1x64xi32, #tpu.memory_space<vmem>> -> memref<64xi32, #tpu.memory_space<vmem>>
            %dma_start3A_145 = arith.constant 0 : i32
            %dma_start3A_146 = arith.constant 0 : i32
            %dma_start3A_147 = tpu.memref_slice %arg2[%dma_start3A_145, %dma_start3A_146] : memref<10000x128xf32, #tpu.memory_space<hbm>> -> memref<10000x128xf32, #tpu.memory_space<hbm>>
            tpu.enqueue_indirect_dma source(%dma_start3A_147 : memref<10000x128xf32, #tpu.memory_space<hbm>>) target(%arg11 : memref<64x128xf32, #tpu.memory_space<vmem>>) offsets(%dma_start3A_144 : memref<64xi32, #tpu.memory_space<vmem>>) semaphore(%arg15 : memref<!tpu.dma_semaphore, #tpu.memory_space<semaphore_mem>>)
          } else {
          }
          %add3A_104 = arith.constant 2 : i32
          %add3A_105 = arith.addi %add3A_67, %add3A_104 : i32
          %dma_wait3A_106 = arith.constant 0 : i32
          %dma_wait3A_107 = tpu.memref_slice %arg7[%add3A_105, %dma_wait3A_106] : memref<16x64xi32, #tpu.memory_space<vmem>> -> memref<1x64xi32, #tpu.memory_space<vmem>>
          %dma_wait3A_108 = tpu.memref_squeeze %dma_wait3A_107 : memref<1x64xi32, #tpu.memory_space<vmem>> -> memref<64xi32, #tpu.memory_space<vmem>>
          %dma_wait3A_109 = arith.constant 0 : i32
          %dma_wait3A_110 = arith.constant 0 : i32
          %dma_wait3A_111 = tpu.memref_slice %arg2[%dma_wait3A_109, %dma_wait3A_110] : memref<10000x128xf32, #tpu.memory_space<hbm>> -> memref<10000x128xf32, #tpu.memory_space<hbm>>
          tpu.wait_indirect_dma semaphore(%arg16 : memref<!tpu.dma_semaphore, #tpu.memory_space<semaphore_mem>>) src(%dma_wait3A_111 : memref<10000x128xf32, #tpu.memory_space<hbm>>) dst(%arg12 : memref<64x128xf32, #tpu.memory_space<vmem>>)
          %add3A_112 = arith.constant 2 : i32
          %add3A_113 = arith.addi %add3A_67, %add3A_112 : i32
          "tpu.region"() ({
            %run_scoped3A = tpu.sem_alloc : memref<!tpu.dma_semaphore, #tpu.memory_space<semaphore_mem>>
            %dma_start3A_142 = arith.constant 0 : i32
            %dma_start3A_143 = tpu.memref_slice %arg8[%add3A_113, %dma_start3A_142] : memref<16x64xi32, #tpu.memory_space<vmem>> -> memref<1x64xi32, #tpu.memory_space<vmem>>
            %dma_start3A_144 = tpu.memref_squeeze %dma_start3A_143 : memref<1x64xi32, #tpu.memory_space<vmem>> -> memref<64xi32, #tpu.memory_space<vmem>>
            %dma_start3A_145 = arith.constant 0 : i32
            %dma_start3A_146 = arith.constant 0 : i32
            %dma_start3A_147 = tpu.memref_slice %arg9[%dma_start3A_145, %dma_start3A_146] : memref<10112x128xf32, #tpu.memory_space<vmem_shared>> -> memref<10112x128xf32, #tpu.memory_space<vmem_shared>>
            tpu.enqueue_indirect_dma source(%arg12 : memref<64x128xf32, #tpu.memory_space<vmem>>) target(%dma_start3A_147 : memref<10112x128xf32, #tpu.memory_space<vmem_shared>>) offsets(%dma_start3A_144 : memref<64xi32, #tpu.memory_space<vmem>>) semaphore(%run_scoped3A : memref<!tpu.dma_semaphore, #tpu.memory_space<semaphore_mem>>) {add = true}
            %dma_wait3A_148 = arith.constant 0 : i32
            %dma_wait3A_149 = tpu.memref_slice %arg8[%add3A_113, %dma_wait3A_148] : memref<16x64xi32, #tpu.memory_space<vmem>> -> memref<1x64xi32, #tpu.memory_space<vmem>>
            %dma_wait3A_150 = tpu.memref_squeeze %dma_wait3A_149 : memref<1x64xi32, #tpu.memory_space<vmem>> -> memref<64xi32, #tpu.memory_space<vmem>>
            %dma_wait3A_151 = arith.constant 0 : i32
            %dma_wait3A_152 = arith.constant 0 : i32
            %dma_wait3A_153 = tpu.memref_slice %arg9[%dma_wait3A_151, %dma_wait3A_152] : memref<10112x128xf32, #tpu.memory_space<vmem_shared>> -> memref<10112x128xf32, #tpu.memory_space<vmem_shared>>
            tpu.wait_indirect_dma semaphore(%run_scoped3A : memref<!tpu.dma_semaphore, #tpu.memory_space<semaphore_mem>>) src(%arg12 : memref<64x128xf32, #tpu.memory_space<vmem>>) dst(%dma_wait3A_153 : memref<10112x128xf32, #tpu.memory_space<vmem_shared>>)
            tpu.yield
          }) : () -> ()
          %add3A_114 = arith.constant 4 : i32
          %add3A_115 = arith.addi %add3A_67, %add3A_114 : i32
          %add3A_116 = arith.constant 2 : i32
          %add3A_117 = arith.addi %add3A_115, %add3A_116 : i32
          %lt3A_118 = arith.constant 16 : i32
          %lt3A_119 = arith.cmpi slt, %add3A_117, %lt3A_118 : i32
          %convert_element_type3A_120 = arith.extui %lt3A_119 : i1 to i32
          %cond3A_121 = arith.constant 0 : i32
          %cond3A_122 = arith.cmpi ne, %convert_element_type3A_120, %cond3A_121 : i32
          scf.if %cond3A_122 {
            %dma_start3A_142 = arith.constant 0 : i32
            %dma_start3A_143 = tpu.memref_slice %arg7[%add3A_117, %dma_start3A_142] : memref<16x64xi32, #tpu.memory_space<vmem>> -> memref<1x64xi32, #tpu.memory_space<vmem>>
            %dma_start3A_144 = tpu.memref_squeeze %dma_start3A_143 : memref<1x64xi32, #tpu.memory_space<vmem>> -> memref<64xi32, #tpu.memory_space<vmem>>
            %dma_start3A_145 = arith.constant 0 : i32
            %dma_start3A_146 = arith.constant 0 : i32
            %dma_start3A_147 = tpu.memref_slice %arg2[%dma_start3A_145, %dma_start3A_146] : memref<10000x128xf32, #tpu.memory_space<hbm>> -> memref<10000x128xf32, #tpu.memory_space<hbm>>
            tpu.enqueue_indirect_dma source(%dma_start3A_147 : memref<10000x128xf32, #tpu.memory_space<hbm>>) target(%arg12 : memref<64x128xf32, #tpu.memory_space<vmem>>) offsets(%dma_start3A_144 : memref<64xi32, #tpu.memory_space<vmem>>) semaphore(%arg16 : memref<!tpu.dma_semaphore, #tpu.memory_space<semaphore_mem>>)
          } else {
          }
          %add3A_123 = arith.constant 3 : i32
          %add3A_124 = arith.addi %add3A_67, %add3A_123 : i32
          %dma_wait3A_125 = arith.constant 0 : i32
          %dma_wait3A_126 = tpu.memref_slice %arg7[%add3A_124, %dma_wait3A_125] : memref<16x64xi32, #tpu.memory_space<vmem>> -> memref<1x64xi32, #tpu.memory_space<vmem>>
          %dma_wait3A_127 = tpu.memref_squeeze %dma_wait3A_126 : memref<1x64xi32, #tpu.memory_space<vmem>> -> memref<64xi32, #tpu.memory_space<vmem>>
          %dma_wait3A_128 = arith.constant 0 : i32
          %dma_wait3A_129 = arith.constant 0 : i32
          %dma_wait3A_130 = tpu.memref_slice %arg2[%dma_wait3A_128, %dma_wait3A_129] : memref<10000x128xf32, #tpu.memory_space<hbm>> -> memref<10000x128xf32, #tpu.memory_space<hbm>>
          tpu.wait_indirect_dma semaphore(%arg17 : memref<!tpu.dma_semaphore, #tpu.memory_space<semaphore_mem>>) src(%dma_wait3A_130 : memref<10000x128xf32, #tpu.memory_space<hbm>>) dst(%arg13 : memref<64x128xf32, #tpu.memory_space<vmem>>)
          %add3A_131 = arith.constant 3 : i32
          %add3A_132 = arith.addi %add3A_67, %add3A_131 : i32
          "tpu.region"() ({
            %run_scoped3A = tpu.sem_alloc : memref<!tpu.dma_semaphore, #tpu.memory_space<semaphore_mem>>
            %dma_start3A_142 = arith.constant 0 : i32
            %dma_start3A_143 = tpu.memref_slice %arg8[%add3A_132, %dma_start3A_142] : memref<16x64xi32, #tpu.memory_space<vmem>> -> memref<1x64xi32, #tpu.memory_space<vmem>>
            %dma_start3A_144 = tpu.memref_squeeze %dma_start3A_143 : memref<1x64xi32, #tpu.memory_space<vmem>> -> memref<64xi32, #tpu.memory_space<vmem>>
            %dma_start3A_145 = arith.constant 0 : i32
            %dma_start3A_146 = arith.constant 0 : i32
            %dma_start3A_147 = tpu.memref_slice %arg9[%dma_start3A_145, %dma_start3A_146] : memref<10112x128xf32, #tpu.memory_space<vmem_shared>> -> memref<10112x128xf32, #tpu.memory_space<vmem_shared>>
            tpu.enqueue_indirect_dma source(%arg13 : memref<64x128xf32, #tpu.memory_space<vmem>>) target(%dma_start3A_147 : memref<10112x128xf32, #tpu.memory_space<vmem_shared>>) offsets(%dma_start3A_144 : memref<64xi32, #tpu.memory_space<vmem>>) semaphore(%run_scoped3A : memref<!tpu.dma_semaphore, #tpu.memory_space<semaphore_mem>>) {add = true}
            %dma_wait3A_148 = arith.constant 0 : i32
            %dma_wait3A_149 = tpu.memref_slice %arg8[%add3A_132, %dma_wait3A_148] : memref<16x64xi32, #tpu.memory_space<vmem>> -> memref<1x64xi32, #tpu.memory_space<vmem>>
            %dma_wait3A_150 = tpu.memref_squeeze %dma_wait3A_149 : memref<1x64xi32, #tpu.memory_space<vmem>> -> memref<64xi32, #tpu.memory_space<vmem>>
            %dma_wait3A_151 = arith.constant 0 : i32
            %dma_wait3A_152 = arith.constant 0 : i32
            %dma_wait3A_153 = tpu.memref_slice %arg9[%dma_wait3A_151, %dma_wait3A_152] : memref<10112x128xf32, #tpu.memory_space<vmem_shared>> -> memref<10112x128xf32, #tpu.memory_space<vmem_shared>>
            tpu.wait_indirect_dma semaphore(%run_scoped3A : memref<!tpu.dma_semaphore, #tpu.memory_space<semaphore_mem>>) src(%arg13 : memref<64x128xf32, #tpu.memory_space<vmem>>) dst(%dma_wait3A_153 : memref<10112x128xf32, #tpu.memory_space<vmem_shared>>)
            tpu.yield
          }) : () -> ()
          %add3A_133 = arith.constant 4 : i32
          %add3A_134 = arith.addi %add3A_67, %add3A_133 : i32
          %add3A_135 = arith.constant 3 : i32
          %add3A_136 = arith.addi %add3A_134, %add3A_135 : i32
          %lt3A_137 = arith.constant 16 : i32
          %lt3A_138 = arith.cmpi slt, %add3A_136, %lt3A_137 : i32
          %convert_element_type3A_139 = arith.extui %lt3A_138 : i1 to i32
          %cond3A_140 = arith.constant 0 : i32
          %cond3A_141 = arith.cmpi ne, %convert_element_type3A_139, %cond3A_140 : i32
          scf.if %cond3A_141 {
            %dma_start3A_142 = arith.constant 0 : i32
            %dma_start3A_143 = tpu.memref_slice %arg7[%add3A_136, %dma_start3A_142] : memref<16x64xi32, #tpu.memory_space<vmem>> -> memref<1x64xi32, #tpu.memory_space<vmem>>
            %dma_start3A_144 = tpu.memref_squeeze %dma_start3A_143 : memref<1x64xi32, #tpu.memory_space<vmem>> -> memref<64xi32, #tpu.memory_space<vmem>>
            %dma_start3A_145 = arith.constant 0 : i32
            %dma_start3A_146 = arith.constant 0 : i32
            %dma_start3A_147 = tpu.memref_slice %arg2[%dma_start3A_145, %dma_start3A_146] : memref<10000x128xf32, #tpu.memory_space<hbm>> -> memref<10000x128xf32, #tpu.memory_space<hbm>>
            tpu.enqueue_indirect_dma source(%dma_start3A_147 : memref<10000x128xf32, #tpu.memory_space<hbm>>) target(%arg13 : memref<64x128xf32, #tpu.memory_space<vmem>>) offsets(%dma_start3A_144 : memref<64xi32, #tpu.memory_space<vmem>>) semaphore(%arg17 : memref<!tpu.dma_semaphore, #tpu.memory_space<semaphore_mem>>)
          } else {
          }
        }
        %scan3A_62 = arith.constant 4 : i32
      }
      %scan3A_22 = arith.constant 2 : i32
    } else {
    }
    %barrier3A_10 = arith.constant 0 : index
    tpu.barrier barrier_id(%barrier3A_10)
    %mul3A_11 = arith.constant 632 : i32
    %mul3A_12 = arith.muli %arg1, %mul3A_11 : i32
    %mul3A_13 = arith.constant 632 : i32
    %mul3A_14 = arith.muli %arg1, %mul3A_13 : i32
    "tpu.region"() ({
      %run_scoped3A = tpu.sem_alloc : memref<!tpu.dma_semaphore, #tpu.memory_space<semaphore_mem>>
      %dma_start3A = arith.constant 0 : i32
      %dma_start3A_15 = tpu.memref_slice %arg6[%arg0, %mul3A_14, %dma_start3A] : memref<2x10112x128xf32, #tpu.memory_space<hbm>> -> memref<1x632x128xf32, #tpu.memory_space<hbm>>
      %dma_start3A_16 = tpu.memref_squeeze %dma_start3A_15 : memref<1x632x128xf32, #tpu.memory_space<hbm>> -> memref<632x128xf32, #tpu.memory_space<hbm>>
      %dma_start3A_17 = arith.constant 0 : i32
      %dma_start3A_18 = tpu.memref_slice %arg9[%mul3A_12, %dma_start3A_17] : memref<10112x128xf32, #tpu.memory_space<vmem_shared>> -> memref<632x128xf32, #tpu.memory_space<vmem_shared>>
      tpu.enqueue_dma source(%dma_start3A_18 : memref<632x128xf32, #tpu.memory_space<vmem_shared>>) target(%dma_start3A_16 : memref<632x128xf32, #tpu.memory_space<hbm>>) target_semaphore(%run_scoped3A : memref<!tpu.dma_semaphore, #tpu.memory_space<semaphore_mem>>)
      %dma_wait3A = arith.constant 0 : i32
      %dma_wait3A_19 = tpu.memref_slice %arg6[%arg0, %mul3A_14, %dma_wait3A] : memref<2x10112x128xf32, #tpu.memory_space<hbm>> -> memref<1x632x128xf32, #tpu.memory_space<hbm>>
      %dma_wait3A_20 = tpu.memref_squeeze %dma_wait3A_19 : memref<1x632x128xf32, #tpu.memory_space<hbm>> -> memref<632x128xf32, #tpu.memory_space<hbm>>
      %dma_wait3A_21 = arith.constant 0 : i32
      %dma_wait3A_22 = tpu.memref_slice %arg9[%mul3A_12, %dma_wait3A_21] : memref<10112x128xf32, #tpu.memory_space<vmem_shared>> -> memref<632x128xf32, #tpu.memory_space<vmem_shared>>
      tpu.wait_dma2 semaphore(%run_scoped3A : memref<!tpu.dma_semaphore, #tpu.memory_space<semaphore_mem>>) src(%dma_wait3A_22 : memref<632x128xf32, #tpu.memory_space<vmem_shared>>) dst(%dma_wait3A_20 : memref<632x128xf32, #tpu.memory_space<hbm>>)
      tpu.yield
    }) : () -> ()
    return
  }
}

#map = affine_map<(d0, d1) -> (0, 0, 0)>
#map1 = affine_map<(d0, d1) -> (0, 0)>
module attributes {stable_mosaic.version = 14 : i64} {
  func.func @_sc_degree(%arg0: i32, %arg1: i32, %arg2: memref<32x80x128xi32, #tpu.memory_space<hbm>>, %arg3: memref<632x128xf32, #tpu.memory_space<hbm>>, %arg4: memref<128x128xf32, #tpu.memory_space<hbm>>, %arg5: memref<2x10112x128xf32, #tpu.memory_space<hbm>>, %arg6: memref<80x128xi32, #tpu.memory_space<vmem>>, %arg7: memref<128x128xf32, #tpu.memory_space<vmem>>, %arg8: memref<10112x128xf32, #tpu.memory_space<vmem_shared>>, %arg9: memref<!tpu.dma_semaphore, #tpu.memory_space<semaphore_mem>>) attributes {dimension_semantics = [#tpu.dimension_semantics<core_parallel>, #tpu.dimension_semantics<subcore_parallel>], iteration_bounds = array<i64: 2, 16>, scalar_prefetch = 0 : i64, scratch_operands = 4 : i64, tpu.core_type = #tpu.core_type<sc_vector_subcore>, window_params = [{transform_indices = #map}, {transform_indices = #map1}, {transform_indices = #map1}, {transform_indices = #map}]} {
    %mul3A = arith.constant 16 : i32
    %mul3A_0 = arith.muli %arg0, %mul3A : i32
    %add3A = arith.addi %mul3A_0, %arg1 : i32
    %mul3A_1 = arith.constant 632 : i32
    %mul3A_2 = arith.muli %arg1, %mul3A_1 : i32
    "tpu.region"() ({
      %run_scoped3A = tpu.sem_alloc : memref<!tpu.dma_semaphore, #tpu.memory_space<semaphore_mem>>
      %dma_start3A = arith.constant 0 : i32
      %dma_start3A_12 = tpu.memref_slice %arg8[%mul3A_2, %dma_start3A] : memref<10112x128xf32, #tpu.memory_space<vmem_shared>> -> memref<632x128xf32, #tpu.memory_space<vmem_shared>>
      tpu.enqueue_dma source(%arg3 : memref<632x128xf32, #tpu.memory_space<hbm>>) target(%dma_start3A_12 : memref<632x128xf32, #tpu.memory_space<vmem_shared>>) target_semaphore(%run_scoped3A : memref<!tpu.dma_semaphore, #tpu.memory_space<semaphore_mem>>)
      %dma_wait3A = arith.constant 0 : i32
      %dma_wait3A_13 = tpu.memref_slice %arg8[%mul3A_2, %dma_wait3A] : memref<10112x128xf32, #tpu.memory_space<vmem_shared>> -> memref<632x128xf32, #tpu.memory_space<vmem_shared>>
      tpu.wait_dma2 semaphore(%run_scoped3A : memref<!tpu.dma_semaphore, #tpu.memory_space<semaphore_mem>>) src(%arg3 : memref<632x128xf32, #tpu.memory_space<hbm>>) dst(%dma_wait3A_13 : memref<632x128xf32, #tpu.memory_space<vmem_shared>>)
      tpu.yield
    }) : () -> ()
    "tpu.region"() ({
      %run_scoped3A = tpu.sem_alloc : memref<!tpu.dma_semaphore, #tpu.memory_space<semaphore_mem>>
      %dma_start3A = arith.constant 0 : i32
      %dma_start3A_12 = arith.constant 0 : i32
      %dma_start3A_13 = tpu.memref_slice %arg2[%add3A, %dma_start3A, %dma_start3A_12] : memref<32x80x128xi32, #tpu.memory_space<hbm>> -> memref<1x80x128xi32, #tpu.memory_space<hbm>>
      %dma_start3A_14 = tpu.memref_squeeze %dma_start3A_13 : memref<1x80x128xi32, #tpu.memory_space<hbm>> -> memref<80x128xi32, #tpu.memory_space<hbm>>
      %dma_start3A_15 = arith.constant 0 : i32
      %dma_start3A_16 = arith.constant 0 : i32
      %dma_start3A_17 = tpu.memref_slice %arg2[%add3A, %dma_start3A_15, %dma_start3A_16] : memref<32x80x128xi32, #tpu.memory_space<hbm>> -> memref<1x80x128xi32, #tpu.memory_space<hbm>>
      %dma_start3A_18 = tpu.memref_squeeze %dma_start3A_17 : memref<1x80x128xi32, #tpu.memory_space<hbm>> -> memref<80x128xi32, #tpu.memory_space<hbm>>
      tpu.enqueue_dma source(%dma_start3A_18 : memref<80x128xi32, #tpu.memory_space<hbm>>) target(%arg6 : memref<80x128xi32, #tpu.memory_space<vmem>>) target_semaphore(%run_scoped3A : memref<!tpu.dma_semaphore, #tpu.memory_space<semaphore_mem>>)
      %dma_wait3A = arith.constant 0 : i32
      %dma_wait3A_19 = arith.constant 0 : i32
      %dma_wait3A_20 = tpu.memref_slice %arg2[%add3A, %dma_wait3A, %dma_wait3A_19] : memref<32x80x128xi32, #tpu.memory_space<hbm>> -> memref<1x80x128xi32, #tpu.memory_space<hbm>>
      %dma_wait3A_21 = tpu.memref_squeeze %dma_wait3A_20 : memref<1x80x128xi32, #tpu.memory_space<hbm>> -> memref<80x128xi32, #tpu.memory_space<hbm>>
      %dma_wait3A_22 = arith.constant 0 : i32
      %dma_wait3A_23 = arith.constant 0 : i32
      %dma_wait3A_24 = tpu.memref_slice %arg2[%add3A, %dma_wait3A_22, %dma_wait3A_23] : memref<32x80x128xi32, #tpu.memory_space<hbm>> -> memref<1x80x128xi32, #tpu.memory_space<hbm>>
      %dma_wait3A_25 = tpu.memref_squeeze %dma_wait3A_24 : memref<1x80x128xi32, #tpu.memory_space<hbm>> -> memref<80x128xi32, #tpu.memory_space<hbm>>
      tpu.wait_dma2 semaphore(%run_scoped3A : memref<!tpu.dma_semaphore, #tpu.memory_space<semaphore_mem>>) src(%dma_wait3A_25 : memref<80x128xi32, #tpu.memory_space<hbm>>) dst(%arg6 : memref<80x128xi32, #tpu.memory_space<vmem>>)
      tpu.yield
    }) : () -> ()
    "tpu.region"() ({
      %run_scoped3A = tpu.sem_alloc : memref<!tpu.dma_semaphore, #tpu.memory_space<semaphore_mem>>
      tpu.enqueue_dma source(%arg4 : memref<128x128xf32, #tpu.memory_space<hbm>>) target(%arg7 : memref<128x128xf32, #tpu.memory_space<vmem>>) target_semaphore(%run_scoped3A : memref<!tpu.dma_semaphore, #tpu.memory_space<semaphore_mem>>)
      tpu.wait_dma2 semaphore(%run_scoped3A : memref<!tpu.dma_semaphore, #tpu.memory_space<semaphore_mem>>) src(%arg4 : memref<128x128xf32, #tpu.memory_space<hbm>>) dst(%arg7 : memref<128x128xf32, #tpu.memory_space<vmem>>)
      tpu.yield
    }) : () -> ()
    %barrier3A = arith.constant 0 : index
    tpu.barrier barrier_id(%barrier3A)
    %scan3A = arith.constant 0 : i32
    %scan3A_3 = arith.constant 10 : i32
    %scan3A_4 = arith.addi %scan3A, %scan3A_3 : i32
    %scan3A_5 = arith.constant 1 : i32
    scf.for %scan3A_12 = %scan3A to %scan3A_4 step %scan3A_5  : i32 {
      %mul3A_13 = arith.constant 8 : i32
      %mul3A_14 = arith.muli %scan3A_12, %mul3A_13 : i32
      %add3A_15 = arith.constant 0 : i32
      %add3A_16 = arith.addi %add3A_15, %mul3A_14 : i32
      %add3A_17 = arith.constant 0 : i32
      %add3A_18 = arith.addi %add3A_16, %add3A_17 : i32
      %dma_start3A = arith.constant 0 : i32
      %dma_start3A_19 = tpu.memref_slice %arg6[%add3A_18, %dma_start3A] : memref<80x128xi32, #tpu.memory_space<vmem>> -> memref<1x128xi32, #tpu.memory_space<vmem>>
      %dma_start3A_20 = tpu.memref_squeeze %dma_start3A_19 : memref<1x128xi32, #tpu.memory_space<vmem>> -> memref<128xi32, #tpu.memory_space<vmem>>
      %dma_start3A_21 = arith.constant 0 : i32
      %dma_start3A_22 = arith.constant 0 : i32
      %dma_start3A_23 = tpu.memref_slice %arg8[%dma_start3A_21, %dma_start3A_22] : memref<10112x128xf32, #tpu.memory_space<vmem_shared>> -> memref<10112x128xf32, #tpu.memory_space<vmem_shared>>
      tpu.enqueue_indirect_dma source(%arg7 : memref<128x128xf32, #tpu.memory_space<vmem>>) target(%dma_start3A_23 : memref<10112x128xf32, #tpu.memory_space<vmem_shared>>) offsets(%dma_start3A_20 : memref<128xi32, #tpu.memory_space<vmem>>) semaphore(%arg9 : memref<!tpu.dma_semaphore, #tpu.memory_space<semaphore_mem>>) {add = true}
      %add3A_24 = arith.constant 1 : i32
      %add3A_25 = arith.addi %add3A_16, %add3A_24 : i32
      %dma_start3A_26 = arith.constant 0 : i32
      %dma_start3A_27 = tpu.memref_slice %arg6[%add3A_25, %dma_start3A_26] : memref<80x128xi32, #tpu.memory_space<vmem>> -> memref<1x128xi32, #tpu.memory_space<vmem>>
      %dma_start3A_28 = tpu.memref_squeeze %dma_start3A_27 : memref<1x128xi32, #tpu.memory_space<vmem>> -> memref<128xi32, #tpu.memory_space<vmem>>
      %dma_start3A_29 = arith.constant 0 : i32
      %dma_start3A_30 = arith.constant 0 : i32
      %dma_start3A_31 = tpu.memref_slice %arg8[%dma_start3A_29, %dma_start3A_30] : memref<10112x128xf32, #tpu.memory_space<vmem_shared>> -> memref<10112x128xf32, #tpu.memory_space<vmem_shared>>
      tpu.enqueue_indirect_dma source(%arg7 : memref<128x128xf32, #tpu.memory_space<vmem>>) target(%dma_start3A_31 : memref<10112x128xf32, #tpu.memory_space<vmem_shared>>) offsets(%dma_start3A_28 : memref<128xi32, #tpu.memory_space<vmem>>) semaphore(%arg9 : memref<!tpu.dma_semaphore, #tpu.memory_space<semaphore_mem>>) {add = true}
      %add3A_32 = arith.constant 2 : i32
      %add3A_33 = arith.addi %add3A_16, %add3A_32 : i32
      %dma_start3A_34 = arith.constant 0 : i32
      %dma_start3A_35 = tpu.memref_slice %arg6[%add3A_33, %dma_start3A_34] : memref<80x128xi32, #tpu.memory_space<vmem>> -> memref<1x128xi32, #tpu.memory_space<vmem>>
      %dma_start3A_36 = tpu.memref_squeeze %dma_start3A_35 : memref<1x128xi32, #tpu.memory_space<vmem>> -> memref<128xi32, #tpu.memory_space<vmem>>
      %dma_start3A_37 = arith.constant 0 : i32
      %dma_start3A_38 = arith.constant 0 : i32
      %dma_start3A_39 = tpu.memref_slice %arg8[%dma_start3A_37, %dma_start3A_38] : memref<10112x128xf32, #tpu.memory_space<vmem_shared>> -> memref<10112x128xf32, #tpu.memory_space<vmem_shared>>
      tpu.enqueue_indirect_dma source(%arg7 : memref<128x128xf32, #tpu.memory_space<vmem>>) target(%dma_start3A_39 : memref<10112x128xf32, #tpu.memory_space<vmem_shared>>) offsets(%dma_start3A_36 : memref<128xi32, #tpu.memory_space<vmem>>) semaphore(%arg9 : memref<!tpu.dma_semaphore, #tpu.memory_space<semaphore_mem>>) {add = true}
      %add3A_40 = arith.constant 3 : i32
      %add3A_41 = arith.addi %add3A_16, %add3A_40 : i32
      %dma_start3A_42 = arith.constant 0 : i32
      %dma_start3A_43 = tpu.memref_slice %arg6[%add3A_41, %dma_start3A_42] : memref<80x128xi32, #tpu.memory_space<vmem>> -> memref<1x128xi32, #tpu.memory_space<vmem>>
      %dma_start3A_44 = tpu.memref_squeeze %dma_start3A_43 : memref<1x128xi32, #tpu.memory_space<vmem>> -> memref<128xi32, #tpu.memory_space<vmem>>
      %dma_start3A_45 = arith.constant 0 : i32
      %dma_start3A_46 = arith.constant 0 : i32
      %dma_start3A_47 = tpu.memref_slice %arg8[%dma_start3A_45, %dma_start3A_46] : memref<10112x128xf32, #tpu.memory_space<vmem_shared>> -> memref<10112x128xf32, #tpu.memory_space<vmem_shared>>
      tpu.enqueue_indirect_dma source(%arg7 : memref<128x128xf32, #tpu.memory_space<vmem>>) target(%dma_start3A_47 : memref<10112x128xf32, #tpu.memory_space<vmem_shared>>) offsets(%dma_start3A_44 : memref<128xi32, #tpu.memory_space<vmem>>) semaphore(%arg9 : memref<!tpu.dma_semaphore, #tpu.memory_space<semaphore_mem>>) {add = true}
      %add3A_48 = arith.constant 4 : i32
      %add3A_49 = arith.addi %add3A_16, %add3A_48 : i32
      %dma_start3A_50 = arith.constant 0 : i32
      %dma_start3A_51 = tpu.memref_slice %arg6[%add3A_49, %dma_start3A_50] : memref<80x128xi32, #tpu.memory_space<vmem>> -> memref<1x128xi32, #tpu.memory_space<vmem>>
      %dma_start3A_52 = tpu.memref_squeeze %dma_start3A_51 : memref<1x128xi32, #tpu.memory_space<vmem>> -> memref<128xi32, #tpu.memory_space<vmem>>
      %dma_start3A_53 = arith.constant 0 : i32
      %dma_start3A_54 = arith.constant 0 : i32
      %dma_start3A_55 = tpu.memref_slice %arg8[%dma_start3A_53, %dma_start3A_54] : memref<10112x128xf32, #tpu.memory_space<vmem_shared>> -> memref<10112x128xf32, #tpu.memory_space<vmem_shared>>
      tpu.enqueue_indirect_dma source(%arg7 : memref<128x128xf32, #tpu.memory_space<vmem>>) target(%dma_start3A_55 : memref<10112x128xf32, #tpu.memory_space<vmem_shared>>) offsets(%dma_start3A_52 : memref<128xi32, #tpu.memory_space<vmem>>) semaphore(%arg9 : memref<!tpu.dma_semaphore, #tpu.memory_space<semaphore_mem>>) {add = true}
      %add3A_56 = arith.constant 5 : i32
      %add3A_57 = arith.addi %add3A_16, %add3A_56 : i32
      %dma_start3A_58 = arith.constant 0 : i32
      %dma_start3A_59 = tpu.memref_slice %arg6[%add3A_57, %dma_start3A_58] : memref<80x128xi32, #tpu.memory_space<vmem>> -> memref<1x128xi32, #tpu.memory_space<vmem>>
      %dma_start3A_60 = tpu.memref_squeeze %dma_start3A_59 : memref<1x128xi32, #tpu.memory_space<vmem>> -> memref<128xi32, #tpu.memory_space<vmem>>
      %dma_start3A_61 = arith.constant 0 : i32
      %dma_start3A_62 = arith.constant 0 : i32
      %dma_start3A_63 = tpu.memref_slice %arg8[%dma_start3A_61, %dma_start3A_62] : memref<10112x128xf32, #tpu.memory_space<vmem_shared>> -> memref<10112x128xf32, #tpu.memory_space<vmem_shared>>
      tpu.enqueue_indirect_dma source(%arg7 : memref<128x128xf32, #tpu.memory_space<vmem>>) target(%dma_start3A_63 : memref<10112x128xf32, #tpu.memory_space<vmem_shared>>) offsets(%dma_start3A_60 : memref<128xi32, #tpu.memory_space<vmem>>) semaphore(%arg9 : memref<!tpu.dma_semaphore, #tpu.memory_space<semaphore_mem>>) {add = true}
      %add3A_64 = arith.constant 6 : i32
      %add3A_65 = arith.addi %add3A_16, %add3A_64 : i32
      %dma_start3A_66 = arith.constant 0 : i32
      %dma_start3A_67 = tpu.memref_slice %arg6[%add3A_65, %dma_start3A_66] : memref<80x128xi32, #tpu.memory_space<vmem>> -> memref<1x128xi32, #tpu.memory_space<vmem>>
      %dma_start3A_68 = tpu.memref_squeeze %dma_start3A_67 : memref<1x128xi32, #tpu.memory_space<vmem>> -> memref<128xi32, #tpu.memory_space<vmem>>
      %dma_start3A_69 = arith.constant 0 : i32
      %dma_start3A_70 = arith.constant 0 : i32
      %dma_start3A_71 = tpu.memref_slice %arg8[%dma_start3A_69, %dma_start3A_70] : memref<10112x128xf32, #tpu.memory_space<vmem_shared>> -> memref<10112x128xf32, #tpu.memory_space<vmem_shared>>
      tpu.enqueue_indirect_dma source(%arg7 : memref<128x128xf32, #tpu.memory_space<vmem>>) target(%dma_start3A_71 : memref<10112x128xf32, #tpu.memory_space<vmem_shared>>) offsets(%dma_start3A_68 : memref<128xi32, #tpu.memory_space<vmem>>) semaphore(%arg9 : memref<!tpu.dma_semaphore, #tpu.memory_space<semaphore_mem>>) {add = true}
      %add3A_72 = arith.constant 7 : i32
      %add3A_73 = arith.addi %add3A_16, %add3A_72 : i32
      %dma_start3A_74 = arith.constant 0 : i32
      %dma_start3A_75 = tpu.memref_slice %arg6[%add3A_73, %dma_start3A_74] : memref<80x128xi32, #tpu.memory_space<vmem>> -> memref<1x128xi32, #tpu.memory_space<vmem>>
      %dma_start3A_76 = tpu.memref_squeeze %dma_start3A_75 : memref<1x128xi32, #tpu.memory_space<vmem>> -> memref<128xi32, #tpu.memory_space<vmem>>
      %dma_start3A_77 = arith.constant 0 : i32
      %dma_start3A_78 = arith.constant 0 : i32
      %dma_start3A_79 = tpu.memref_slice %arg8[%dma_start3A_77, %dma_start3A_78] : memref<10112x128xf32, #tpu.memory_space<vmem_shared>> -> memref<10112x128xf32, #tpu.memory_space<vmem_shared>>
      tpu.enqueue_indirect_dma source(%arg7 : memref<128x128xf32, #tpu.memory_space<vmem>>) target(%dma_start3A_79 : memref<10112x128xf32, #tpu.memory_space<vmem_shared>>) offsets(%dma_start3A_76 : memref<128xi32, #tpu.memory_space<vmem>>) semaphore(%arg9 : memref<!tpu.dma_semaphore, #tpu.memory_space<semaphore_mem>>) {add = true}
      %dma_wait3A = arith.constant 0 : i32
      %dma_wait3A_80 = tpu.memref_slice %arg6[%add3A_18, %dma_wait3A] : memref<80x128xi32, #tpu.memory_space<vmem>> -> memref<1x128xi32, #tpu.memory_space<vmem>>
      %dma_wait3A_81 = tpu.memref_squeeze %dma_wait3A_80 : memref<1x128xi32, #tpu.memory_space<vmem>> -> memref<128xi32, #tpu.memory_space<vmem>>
      %dma_wait3A_82 = arith.constant 0 : i32
      %dma_wait3A_83 = arith.constant 0 : i32
      %dma_wait3A_84 = tpu.memref_slice %arg8[%dma_wait3A_82, %dma_wait3A_83] : memref<10112x128xf32, #tpu.memory_space<vmem_shared>> -> memref<10112x128xf32, #tpu.memory_space<vmem_shared>>
      tpu.wait_indirect_dma semaphore(%arg9 : memref<!tpu.dma_semaphore, #tpu.memory_space<semaphore_mem>>) src(%arg7 : memref<128x128xf32, #tpu.memory_space<vmem>>) dst(%dma_wait3A_84 : memref<10112x128xf32, #tpu.memory_space<vmem_shared>>)
      %dma_wait3A_85 = arith.constant 0 : i32
      %dma_wait3A_86 = tpu.memref_slice %arg6[%add3A_25, %dma_wait3A_85] : memref<80x128xi32, #tpu.memory_space<vmem>> -> memref<1x128xi32, #tpu.memory_space<vmem>>
      %dma_wait3A_87 = tpu.memref_squeeze %dma_wait3A_86 : memref<1x128xi32, #tpu.memory_space<vmem>> -> memref<128xi32, #tpu.memory_space<vmem>>
      %dma_wait3A_88 = arith.constant 0 : i32
      %dma_wait3A_89 = arith.constant 0 : i32
      %dma_wait3A_90 = tpu.memref_slice %arg8[%dma_wait3A_88, %dma_wait3A_89] : memref<10112x128xf32, #tpu.memory_space<vmem_shared>> -> memref<10112x128xf32, #tpu.memory_space<vmem_shared>>
      tpu.wait_indirect_dma semaphore(%arg9 : memref<!tpu.dma_semaphore, #tpu.memory_space<semaphore_mem>>) src(%arg7 : memref<128x128xf32, #tpu.memory_space<vmem>>) dst(%dma_wait3A_90 : memref<10112x128xf32, #tpu.memory_space<vmem_shared>>)
      %dma_wait3A_91 = arith.constant 0 : i32
      %dma_wait3A_92 = tpu.memref_slice %arg6[%add3A_33, %dma_wait3A_91] : memref<80x128xi32, #tpu.memory_space<vmem>> -> memref<1x128xi32, #tpu.memory_space<vmem>>
      %dma_wait3A_93 = tpu.memref_squeeze %dma_wait3A_92 : memref<1x128xi32, #tpu.memory_space<vmem>> -> memref<128xi32, #tpu.memory_space<vmem>>
      %dma_wait3A_94 = arith.constant 0 : i32
      %dma_wait3A_95 = arith.constant 0 : i32
      %dma_wait3A_96 = tpu.memref_slice %arg8[%dma_wait3A_94, %dma_wait3A_95] : memref<10112x128xf32, #tpu.memory_space<vmem_shared>> -> memref<10112x128xf32, #tpu.memory_space<vmem_shared>>
      tpu.wait_indirect_dma semaphore(%arg9 : memref<!tpu.dma_semaphore, #tpu.memory_space<semaphore_mem>>) src(%arg7 : memref<128x128xf32, #tpu.memory_space<vmem>>) dst(%dma_wait3A_96 : memref<10112x128xf32, #tpu.memory_space<vmem_shared>>)
      %dma_wait3A_97 = arith.constant 0 : i32
      %dma_wait3A_98 = tpu.memref_slice %arg6[%add3A_41, %dma_wait3A_97] : memref<80x128xi32, #tpu.memory_space<vmem>> -> memref<1x128xi32, #tpu.memory_space<vmem>>
      %dma_wait3A_99 = tpu.memref_squeeze %dma_wait3A_98 : memref<1x128xi32, #tpu.memory_space<vmem>> -> memref<128xi32, #tpu.memory_space<vmem>>
      %dma_wait3A_100 = arith.constant 0 : i32
      %dma_wait3A_101 = arith.constant 0 : i32
      %dma_wait3A_102 = tpu.memref_slice %arg8[%dma_wait3A_100, %dma_wait3A_101] : memref<10112x128xf32, #tpu.memory_space<vmem_shared>> -> memref<10112x128xf32, #tpu.memory_space<vmem_shared>>
      tpu.wait_indirect_dma semaphore(%arg9 : memref<!tpu.dma_semaphore, #tpu.memory_space<semaphore_mem>>) src(%arg7 : memref<128x128xf32, #tpu.memory_space<vmem>>) dst(%dma_wait3A_102 : memref<10112x128xf32, #tpu.memory_space<vmem_shared>>)
      %dma_wait3A_103 = arith.constant 0 : i32
      %dma_wait3A_104 = tpu.memref_slice %arg6[%add3A_49, %dma_wait3A_103] : memref<80x128xi32, #tpu.memory_space<vmem>> -> memref<1x128xi32, #tpu.memory_space<vmem>>
      %dma_wait3A_105 = tpu.memref_squeeze %dma_wait3A_104 : memref<1x128xi32, #tpu.memory_space<vmem>> -> memref<128xi32, #tpu.memory_space<vmem>>
      %dma_wait3A_106 = arith.constant 0 : i32
      %dma_wait3A_107 = arith.constant 0 : i32
      %dma_wait3A_108 = tpu.memref_slice %arg8[%dma_wait3A_106, %dma_wait3A_107] : memref<10112x128xf32, #tpu.memory_space<vmem_shared>> -> memref<10112x128xf32, #tpu.memory_space<vmem_shared>>
      tpu.wait_indirect_dma semaphore(%arg9 : memref<!tpu.dma_semaphore, #tpu.memory_space<semaphore_mem>>) src(%arg7 : memref<128x128xf32, #tpu.memory_space<vmem>>) dst(%dma_wait3A_108 : memref<10112x128xf32, #tpu.memory_space<vmem_shared>>)
      %dma_wait3A_109 = arith.constant 0 : i32
      %dma_wait3A_110 = tpu.memref_slice %arg6[%add3A_57, %dma_wait3A_109] : memref<80x128xi32, #tpu.memory_space<vmem>> -> memref<1x128xi32, #tpu.memory_space<vmem>>
      %dma_wait3A_111 = tpu.memref_squeeze %dma_wait3A_110 : memref<1x128xi32, #tpu.memory_space<vmem>> -> memref<128xi32, #tpu.memory_space<vmem>>
      %dma_wait3A_112 = arith.constant 0 : i32
      %dma_wait3A_113 = arith.constant 0 : i32
      %dma_wait3A_114 = tpu.memref_slice %arg8[%dma_wait3A_112, %dma_wait3A_113] : memref<10112x128xf32, #tpu.memory_space<vmem_shared>> -> memref<10112x128xf32, #tpu.memory_space<vmem_shared>>
      tpu.wait_indirect_dma semaphore(%arg9 : memref<!tpu.dma_semaphore, #tpu.memory_space<semaphore_mem>>) src(%arg7 : memref<128x128xf32, #tpu.memory_space<vmem>>) dst(%dma_wait3A_114 : memref<10112x128xf32, #tpu.memory_space<vmem_shared>>)
      %dma_wait3A_115 = arith.constant 0 : i32
      %dma_wait3A_116 = tpu.memref_slice %arg6[%add3A_65, %dma_wait3A_115] : memref<80x128xi32, #tpu.memory_space<vmem>> -> memref<1x128xi32, #tpu.memory_space<vmem>>
      %dma_wait3A_117 = tpu.memref_squeeze %dma_wait3A_116 : memref<1x128xi32, #tpu.memory_space<vmem>> -> memref<128xi32, #tpu.memory_space<vmem>>
      %dma_wait3A_118 = arith.constant 0 : i32
      %dma_wait3A_119 = arith.constant 0 : i32
      %dma_wait3A_120 = tpu.memref_slice %arg8[%dma_wait3A_118, %dma_wait3A_119] : memref<10112x128xf32, #tpu.memory_space<vmem_shared>> -> memref<10112x128xf32, #tpu.memory_space<vmem_shared>>
      tpu.wait_indirect_dma semaphore(%arg9 : memref<!tpu.dma_semaphore, #tpu.memory_space<semaphore_mem>>) src(%arg7 : memref<128x128xf32, #tpu.memory_space<vmem>>) dst(%dma_wait3A_120 : memref<10112x128xf32, #tpu.memory_space<vmem_shared>>)
      %dma_wait3A_121 = arith.constant 0 : i32
      %dma_wait3A_122 = tpu.memref_slice %arg6[%add3A_73, %dma_wait3A_121] : memref<80x128xi32, #tpu.memory_space<vmem>> -> memref<1x128xi32, #tpu.memory_space<vmem>>
      %dma_wait3A_123 = tpu.memref_squeeze %dma_wait3A_122 : memref<1x128xi32, #tpu.memory_space<vmem>> -> memref<128xi32, #tpu.memory_space<vmem>>
      %dma_wait3A_124 = arith.constant 0 : i32
      %dma_wait3A_125 = arith.constant 0 : i32
      %dma_wait3A_126 = tpu.memref_slice %arg8[%dma_wait3A_124, %dma_wait3A_125] : memref<10112x128xf32, #tpu.memory_space<vmem_shared>> -> memref<10112x128xf32, #tpu.memory_space<vmem_shared>>
      tpu.wait_indirect_dma semaphore(%arg9 : memref<!tpu.dma_semaphore, #tpu.memory_space<semaphore_mem>>) src(%arg7 : memref<128x128xf32, #tpu.memory_space<vmem>>) dst(%dma_wait3A_126 : memref<10112x128xf32, #tpu.memory_space<vmem_shared>>)
    }
    %scan3A_6 = arith.constant 10 : i32
    %barrier3A_7 = arith.constant 0 : index
    tpu.barrier barrier_id(%barrier3A_7)
    %mul3A_8 = arith.constant 632 : i32
    %mul3A_9 = arith.muli %arg1, %mul3A_8 : i32
    %mul3A_10 = arith.constant 632 : i32
    %mul3A_11 = arith.muli %arg1, %mul3A_10 : i32
    "tpu.region"() ({
      %run_scoped3A = tpu.sem_alloc : memref<!tpu.dma_semaphore, #tpu.memory_space<semaphore_mem>>
      %dma_start3A = arith.constant 0 : i32
      %dma_start3A_12 = tpu.memref_slice %arg5[%arg0, %mul3A_11, %dma_start3A] : memref<2x10112x128xf32, #tpu.memory_space<hbm>> -> memref<1x632x128xf32, #tpu.memory_space<hbm>>
      %dma_start3A_13 = tpu.memref_squeeze %dma_start3A_12 : memref<1x632x128xf32, #tpu.memory_space<hbm>> -> memref<632x128xf32, #tpu.memory_space<hbm>>
      %dma_start3A_14 = arith.constant 0 : i32
      %dma_start3A_15 = tpu.memref_slice %arg8[%mul3A_9, %dma_start3A_14] : memref<10112x128xf32, #tpu.memory_space<vmem_shared>> -> memref<632x128xf32, #tpu.memory_space<vmem_shared>>
      tpu.enqueue_dma source(%dma_start3A_15 : memref<632x128xf32, #tpu.memory_space<vmem_shared>>) target(%dma_start3A_13 : memref<632x128xf32, #tpu.memory_space<hbm>>) target_semaphore(%run_scoped3A : memref<!tpu.dma_semaphore, #tpu.memory_space<semaphore_mem>>)
      %dma_wait3A = arith.constant 0 : i32
      %dma_wait3A_16 = tpu.memref_slice %arg5[%arg0, %mul3A_11, %dma_wait3A] : memref<2x10112x128xf32, #tpu.memory_space<hbm>> -> memref<1x632x128xf32, #tpu.memory_space<hbm>>
      %dma_wait3A_17 = tpu.memref_squeeze %dma_wait3A_16 : memref<1x632x128xf32, #tpu.memory_space<hbm>> -> memref<632x128xf32, #tpu.memory_space<hbm>>
      %dma_wait3A_18 = arith.constant 0 : i32
      %dma_wait3A_19 = tpu.memref_slice %arg8[%mul3A_9, %dma_wait3A_18] : memref<10112x128xf32, #tpu.memory_space<vmem_shared>> -> memref<632x128xf32, #tpu.memory_space<vmem_shared>>
      tpu.wait_dma2 semaphore(%run_scoped3A : memref<!tpu.dma_semaphore, #tpu.memory_space<semaphore_mem>>) src(%dma_wait3A_19 : memref<632x128xf32, #tpu.memory_space<vmem_shared>>) dst(%dma_wait3A_17 : memref<632x128xf32, #tpu.memory_space<hbm>>)
      tpu.yield
    }) : () -> ()
    return
  }
}

#map = affine_map<(d0, d1) -> (0, 0)>
#map1 = affine_map<(d0, d1) -> (0, 0, 0)>
module attributes {stable_mosaic.version = 14 : i64} {
  func.func @scat(%arg0: i32, %arg1: i32, %arg2: memref<10000x128xf32, #tpu.memory_space<hbm>>, %arg3: memref<5120x64xi32, #tpu.memory_space<hbm>>, %arg4: memref<5120x64xi32, #tpu.memory_space<hbm>>, %arg5: memref<632x128xf32, #tpu.memory_space<hbm>>, %arg6: memref<2x10112x128xf32, #tpu.memory_space<hbm>>, %arg7: memref<16x64xi32, #tpu.memory_space<vmem>>, %arg8: memref<16x64xi32, #tpu.memory_space<vmem>>, %arg9: memref<10112x128xf32, #tpu.memory_space<vmem_shared>>, %arg10: memref<64x128xf32, #tpu.memory_space<vmem>>, %arg11: memref<64x128xf32, #tpu.memory_space<vmem>>, %arg12: memref<64x128xf32, #tpu.memory_space<vmem>>, %arg13: memref<64x128xf32, #tpu.memory_space<vmem>>, %arg14: memref<!tpu.dma_semaphore, #tpu.memory_space<semaphore_mem>>, %arg15: memref<!tpu.dma_semaphore, #tpu.memory_space<semaphore_mem>>, %arg16: memref<!tpu.dma_semaphore, #tpu.memory_space<semaphore_mem>>, %arg17: memref<!tpu.dma_semaphore, #tpu.memory_space<semaphore_mem>>) attributes {dimension_semantics = [#tpu.dimension_semantics<core_parallel>, #tpu.dimension_semantics<subcore_parallel>], iteration_bounds = array<i64: 2, 16>, scalar_prefetch = 0 : i64, scratch_operands = 11 : i64, tpu.core_type = #tpu.core_type<sc_vector_subcore>, window_params = [{transform_indices = #map}, {transform_indices = #map}, {transform_indices = #map}, {transform_indices = #map}, {transform_indices = #map1}]} {
    %mul3A = arith.constant 16 : i32
    %mul3A_0 = arith.muli %arg0, %mul3A : i32
    %add3A = arith.addi %mul3A_0, %arg1 : i32
    %mul3A_1 = arith.constant 632 : i32
    %mul3A_2 = arith.muli %arg1, %mul3A_1 : i32
    "tpu.region"() ({
      %run_scoped3A = tpu.sem_alloc : memref<!tpu.dma_semaphore, #tpu.memory_space<semaphore_mem>>
      %dma_start3A = arith.constant 0 : i32
      %dma_start3A_15 = tpu.memref_slice %arg9[%mul3A_2, %dma_start3A] : memref<10112x128xf32, #tpu.memory_space<vmem_shared>> -> memref<632x128xf32, #tpu.memory_space<vmem_shared>>
      tpu.enqueue_dma source(%arg5 : memref<632x128xf32, #tpu.memory_space<hbm>>) target(%dma_start3A_15 : memref<632x128xf32, #tpu.memory_space<vmem_shared>>) target_semaphore(%run_scoped3A : memref<!tpu.dma_semaphore, #tpu.memory_space<semaphore_mem>>)
      %dma_wait3A = arith.constant 0 : i32
      %dma_wait3A_16 = tpu.memref_slice %arg9[%mul3A_2, %dma_wait3A] : memref<10112x128xf32, #tpu.memory_space<vmem_shared>> -> memref<632x128xf32, #tpu.memory_space<vmem_shared>>
      tpu.wait_dma2 semaphore(%run_scoped3A : memref<!tpu.dma_semaphore, #tpu.memory_space<semaphore_mem>>) src(%arg5 : memref<632x128xf32, #tpu.memory_space<hbm>>) dst(%dma_wait3A_16 : memref<632x128xf32, #tpu.memory_space<vmem_shared>>)
      tpu.yield
    }) : () -> ()
    %barrier3A = arith.constant 0 : index
    tpu.barrier barrier_id(%barrier3A)
    %eq3A = arith.constant 0 : i32
    %eq3A_3 = arith.cmpi eq, %arg0, %eq3A : i32
    %convert_element_type3A = arith.extui %eq3A_3 : i1 to i32
    %cond3A = arith.constant 0 : i32
    %cond3A_4 = arith.cmpi ne, %convert_element_type3A, %cond3A : i32
    scf.if %cond3A_4 {
      %mul3A_15 = arith.constant 288 : i32
      %mul3A_16 = arith.muli %arg1, %mul3A_15 : i32
      %scan3A = arith.constant 0 : i32
      %scan3A_17 = arith.constant 18 : i32
      %scan3A_18 = arith.addi %scan3A, %scan3A_17 : i32
      %scan3A_19 = arith.constant 1 : i32
      scf.for %scan3A_21 = %scan3A to %scan3A_18 step %scan3A_19  : i32 {
        %mul3A_22 = arith.constant 1 : i32
        %mul3A_23 = arith.muli %scan3A_21, %mul3A_22 : i32
        %add3A_24 = arith.constant 0 : i32
        %add3A_25 = arith.addi %add3A_24, %mul3A_23 : i32
        %mul3A_26 = arith.constant 16 : i32
        %mul3A_27 = arith.muli %add3A_25, %mul3A_26 : i32
        %add3A_28 = arith.addi %mul3A_16, %mul3A_27 : i32
        "tpu.region"() ({
          %run_scoped3A = tpu.sem_alloc : memref<!tpu.dma_semaphore, #tpu.memory_space<semaphore_mem>>
          %dma_start3A_61 = arith.constant 0 : i32
          %dma_start3A_62 = tpu.memref_slice %arg3[%add3A_28, %dma_start3A_61] : memref<5120x64xi32, #tpu.memory_space<hbm>> -> memref<16x64xi32, #tpu.memory_space<hbm>>
          %dma_start3A_63 = arith.constant 0 : i32
          %dma_start3A_64 = tpu.memref_slice %arg3[%add3A_28, %dma_start3A_63] : memref<5120x64xi32, #tpu.memory_space<hbm>> -> memref<16x64xi32, #tpu.memory_space<hbm>>
          tpu.enqueue_dma source(%dma_start3A_64 : memref<16x64xi32, #tpu.memory_space<hbm>>) target(%arg7 : memref<16x64xi32, #tpu.memory_space<vmem>>) target_semaphore(%run_scoped3A : memref<!tpu.dma_semaphore, #tpu.memory_space<semaphore_mem>>)
          %dma_wait3A = arith.constant 0 : i32
          %dma_wait3A_65 = tpu.memref_slice %arg3[%add3A_28, %dma_wait3A] : memref<5120x64xi32, #tpu.memory_space<hbm>> -> memref<16x64xi32, #tpu.memory_space<hbm>>
          %dma_wait3A_66 = arith.constant 0 : i32
          %dma_wait3A_67 = tpu.memref_slice %arg3[%add3A_28, %dma_wait3A_66] : memref<5120x64xi32, #tpu.memory_space<hbm>> -> memref<16x64xi32, #tpu.memory_space<hbm>>
          tpu.wait_dma2 semaphore(%run_scoped3A : memref<!tpu.dma_semaphore, #tpu.memory_space<semaphore_mem>>) src(%dma_wait3A_67 : memref<16x64xi32, #tpu.memory_space<hbm>>) dst(%arg7 : memref<16x64xi32, #tpu.memory_space<vmem>>)
          tpu.yield
        }) : () -> ()
        "tpu.region"() ({
          %run_scoped3A = tpu.sem_alloc : memref<!tpu.dma_semaphore, #tpu.memory_space<semaphore_mem>>
          %dma_start3A_61 = arith.constant 0 : i32
          %dma_start3A_62 = tpu.memref_slice %arg4[%add3A_28, %dma_start3A_61] : memref<5120x64xi32, #tpu.memory_space<hbm>> -> memref<16x64xi32, #tpu.memory_space<hbm>>
          %dma_start3A_63 = arith.constant 0 : i32
          %dma_start3A_64 = tpu.memref_slice %arg4[%add3A_28, %dma_start3A_63] : memref<5120x64xi32, #tpu.memory_space<hbm>> -> memref<16x64xi32, #tpu.memory_space<hbm>>
          tpu.enqueue_dma source(%dma_start3A_64 : memref<16x64xi32, #tpu.memory_space<hbm>>) target(%arg8 : memref<16x64xi32, #tpu.memory_space<vmem>>) target_semaphore(%run_scoped3A : memref<!tpu.dma_semaphore, #tpu.memory_space<semaphore_mem>>)
          %dma_wait3A = arith.constant 0 : i32
          %dma_wait3A_65 = tpu.memref_slice %arg4[%add3A_28, %dma_wait3A] : memref<5120x64xi32, #tpu.memory_space<hbm>> -> memref<16x64xi32, #tpu.memory_space<hbm>>
          %dma_wait3A_66 = arith.constant 0 : i32
          %dma_wait3A_67 = tpu.memref_slice %arg4[%add3A_28, %dma_wait3A_66] : memref<5120x64xi32, #tpu.memory_space<hbm>> -> memref<16x64xi32, #tpu.memory_space<hbm>>
          tpu.wait_dma2 semaphore(%run_scoped3A : memref<!tpu.dma_semaphore, #tpu.memory_space<semaphore_mem>>) src(%dma_wait3A_67 : memref<16x64xi32, #tpu.memory_space<hbm>>) dst(%arg8 : memref<16x64xi32, #tpu.memory_space<vmem>>)
          tpu.yield
        }) : () -> ()
        %dma_start3A = arith.constant 0 : i32
        %dma_start3A_29 = arith.constant 0 : i32
        %dma_start3A_30 = tpu.memref_slice %arg7[%dma_start3A, %dma_start3A_29] : memref<16x64xi32, #tpu.memory_space<vmem>> -> memref<1x64xi32, #tpu.memory_space<vmem>>
        %dma_start3A_31 = tpu.memref_squeeze %dma_start3A_30 : memref<1x64xi32, #tpu.memory_space<vmem>> -> memref<64xi32, #tpu.memory_space<vmem>>
        %dma_start3A_32 = arith.constant 0 : i32
        %dma_start3A_33 = arith.constant 0 : i32
        %dma_start3A_34 = tpu.memref_slice %arg2[%dma_start3A_32, %dma_start3A_33] : memref<10000x128xf32, #tpu.memory_space<hbm>> -> memref<10000x128xf32, #tpu.memory_space<hbm>>
        tpu.enqueue_indirect_dma source(%dma_start3A_34 : memref<10000x128xf32, #tpu.memory_space<hbm>>) target(%arg10 : memref<64x128xf32, #tpu.memory_space<vmem>>) offsets(%dma_start3A_31 : memref<64xi32, #tpu.memory_space<vmem>>) semaphore(%arg14 : memref<!tpu.dma_semaphore, #tpu.memory_space<semaphore_mem>>)
        %dma_start3A_35 = arith.constant 1 : i32
        %dma_start3A_36 = arith.constant 0 : i32
        %dma_start3A_37 = tpu.memref_slice %arg7[%dma_start3A_35, %dma_start3A_36] : memref<16x64xi32, #tpu.memory_space<vmem>> -> memref<1x64xi32, #tpu.memory_space<vmem>>
        %dma_start3A_38 = tpu.memref_squeeze %dma_start3A_37 : memref<1x64xi32, #tpu.memory_space<vmem>> -> memref<64xi32, #tpu.memory_space<vmem>>
        %dma_start3A_39 = arith.constant 0 : i32
        %dma_start3A_40 = arith.constant 0 : i32
        %dma_start3A_41 = tpu.memref_slice %arg2[%dma_start3A_39, %dma_start3A_40] : memref<10000x128xf32, #tpu.memory_space<hbm>> -> memref<10000x128xf32, #tpu.memory_space<hbm>>
        tpu.enqueue_indirect_dma source(%dma_start3A_41 : memref<10000x128xf32, #tpu.memory_space<hbm>>) target(%arg11 : memref<64x128xf32, #tpu.memory_space<vmem>>) offsets(%dma_start3A_38 : memref<64xi32, #tpu.memory_space<vmem>>) semaphore(%arg15 : memref<!tpu.dma_semaphore, #tpu.memory_space<semaphore_mem>>)
        %dma_start3A_42 = arith.constant 2 : i32
        %dma_start3A_43 = arith.constant 0 : i32
        %dma_start3A_44 = tpu.memref_slice %arg7[%dma_start3A_42, %dma_start3A_43] : memref<16x64xi32, #tpu.memory_space<vmem>> -> memref<1x64xi32, #tpu.memory_space<vmem>>
        %dma_start3A_45 = tpu.memref_squeeze %dma_start3A_44 : memref<1x64xi32, #tpu.memory_space<vmem>> -> memref<64xi32, #tpu.memory_space<vmem>>
        %dma_start3A_46 = arith.constant 0 : i32
        %dma_start3A_47 = arith.constant 0 : i32
        %dma_start3A_48 = tpu.memref_slice %arg2[%dma_start3A_46, %dma_start3A_47] : memref<10000x128xf32, #tpu.memory_space<hbm>> -> memref<10000x128xf32, #tpu.memory_space<hbm>>
        tpu.enqueue_indirect_dma source(%dma_start3A_48 : memref<10000x128xf32, #tpu.memory_space<hbm>>) target(%arg12 : memref<64x128xf32, #tpu.memory_space<vmem>>) offsets(%dma_start3A_45 : memref<64xi32, #tpu.memory_space<vmem>>) semaphore(%arg16 : memref<!tpu.dma_semaphore, #tpu.memory_space<semaphore_mem>>)
        %dma_start3A_49 = arith.constant 3 : i32
        %dma_start3A_50 = arith.constant 0 : i32
        %dma_start3A_51 = tpu.memref_slice %arg7[%dma_start3A_49, %dma_start3A_50] : memref<16x64xi32, #tpu.memory_space<vmem>> -> memref<1x64xi32, #tpu.memory_space<vmem>>
        %dma_start3A_52 = tpu.memref_squeeze %dma_start3A_51 : memref<1x64xi32, #tpu.memory_space<vmem>> -> memref<64xi32, #tpu.memory_space<vmem>>
        %dma_start3A_53 = arith.constant 0 : i32
        %dma_start3A_54 = arith.constant 0 : i32
        %dma_start3A_55 = tpu.memref_slice %arg2[%dma_start3A_53, %dma_start3A_54] : memref<10000x128xf32, #tpu.memory_space<hbm>> -> memref<10000x128xf32, #tpu.memory_space<hbm>>
        tpu.enqueue_indirect_dma source(%dma_start3A_55 : memref<10000x128xf32, #tpu.memory_space<hbm>>) target(%arg13 : memref<64x128xf32, #tpu.memory_space<vmem>>) offsets(%dma_start3A_52 : memref<64xi32, #tpu.memory_space<vmem>>) semaphore(%arg17 : memref<!tpu.dma_semaphore, #tpu.memory_space<semaphore_mem>>)
        %scan3A_56 = arith.constant 0 : i32
        %scan3A_57 = arith.constant 4 : i32
        %scan3A_58 = arith.addi %scan3A_56, %scan3A_57 : i32
        %scan3A_59 = arith.constant 1 : i32
        scf.for %scan3A_61 = %scan3A_56 to %scan3A_58 step %scan3A_59  : i32 {
          %mul3A_62 = arith.constant 4 : i32
          %mul3A_63 = arith.muli %scan3A_61, %mul3A_62 : i32
          %add3A_64 = arith.constant 0 : i32
          %add3A_65 = arith.addi %add3A_64, %mul3A_63 : i32
          %add3A_66 = arith.constant 0 : i32
          %add3A_67 = arith.addi %add3A_65, %add3A_66 : i32
          %dma_wait3A = arith.constant 0 : i32
          %dma_wait3A_68 = tpu.memref_slice %arg7[%add3A_67, %dma_wait3A] : memref<16x64xi32, #tpu.memory_space<vmem>> -> memref<1x64xi32, #tpu.memory_space<vmem>>
          %dma_wait3A_69 = tpu.memref_squeeze %dma_wait3A_68 : memref<1x64xi32, #tpu.memory_space<vmem>> -> memref<64xi32, #tpu.memory_space<vmem>>
          %dma_wait3A_70 = arith.constant 0 : i32
          %dma_wait3A_71 = arith.constant 0 : i32
          %dma_wait3A_72 = tpu.memref_slice %arg2[%dma_wait3A_70, %dma_wait3A_71] : memref<10000x128xf32, #tpu.memory_space<hbm>> -> memref<10000x128xf32, #tpu.memory_space<hbm>>
          tpu.wait_indirect_dma semaphore(%arg14 : memref<!tpu.dma_semaphore, #tpu.memory_space<semaphore_mem>>) src(%dma_wait3A_72 : memref<10000x128xf32, #tpu.memory_space<hbm>>) dst(%arg10 : memref<64x128xf32, #tpu.memory_space<vmem>>)
          %add3A_73 = arith.constant 0 : i32
          %add3A_74 = arith.addi %add3A_65, %add3A_73 : i32
          "tpu.region"() ({
            %run_scoped3A = tpu.sem_alloc : memref<!tpu.dma_semaphore, #tpu.memory_space<semaphore_mem>>
            %dma_start3A_140 = arith.constant 0 : i32
            %dma_start3A_141 = tpu.memref_slice %arg8[%add3A_74, %dma_start3A_140] : memref<16x64xi32, #tpu.memory_space<vmem>> -> memref<1x64xi32, #tpu.memory_space<vmem>>
            %dma_start3A_142 = tpu.memref_squeeze %dma_start3A_141 : memref<1x64xi32, #tpu.memory_space<vmem>> -> memref<64xi32, #tpu.memory_space<vmem>>
            %dma_start3A_143 = arith.constant 0 : i32
            %dma_start3A_144 = arith.constant 0 : i32
            %dma_start3A_145 = tpu.memref_slice %arg9[%dma_start3A_143, %dma_start3A_144] : memref<10112x128xf32, #tpu.memory_space<vmem_shared>> -> memref<10112x128xf32, #tpu.memory_space<vmem_shared>>
            tpu.enqueue_indirect_dma source(%arg10 : memref<64x128xf32, #tpu.memory_space<vmem>>) target(%dma_start3A_145 : memref<10112x128xf32, #tpu.memory_space<vmem_shared>>) offsets(%dma_start3A_142 : memref<64xi32, #tpu.memory_space<vmem>>) semaphore(%run_scoped3A : memref<!tpu.dma_semaphore, #tpu.memory_space<semaphore_mem>>) {add = true}
            %dma_wait3A_146 = arith.constant 0 : i32
            %dma_wait3A_147 = tpu.memref_slice %arg8[%add3A_74, %dma_wait3A_146] : memref<16x64xi32, #tpu.memory_space<vmem>> -> memref<1x64xi32, #tpu.memory_space<vmem>>
            %dma_wait3A_148 = tpu.memref_squeeze %dma_wait3A_147 : memref<1x64xi32, #tpu.memory_space<vmem>> -> memref<64xi32, #tpu.memory_space<vmem>>
            %dma_wait3A_149 = arith.constant 0 : i32
            %dma_wait3A_150 = arith.constant 0 : i32
            %dma_wait3A_151 = tpu.memref_slice %arg9[%dma_wait3A_149, %dma_wait3A_150] : memref<10112x128xf32, #tpu.memory_space<vmem_shared>> -> memref<10112x128xf32, #tpu.memory_space<vmem_shared>>
            tpu.wait_indirect_dma semaphore(%run_scoped3A : memref<!tpu.dma_semaphore, #tpu.memory_space<semaphore_mem>>) src(%arg10 : memref<64x128xf32, #tpu.memory_space<vmem>>) dst(%dma_wait3A_151 : memref<10112x128xf32, #tpu.memory_space<vmem_shared>>)
            tpu.yield
          }) : () -> ()
          %add3A_75 = arith.constant 4 : i32
          %add3A_76 = arith.addi %add3A_65, %add3A_75 : i32
          %add3A_77 = arith.constant 0 : i32
          %add3A_78 = arith.addi %add3A_76, %add3A_77 : i32
          %lt3A = arith.constant 16 : i32
          %lt3A_79 = arith.cmpi slt, %add3A_78, %lt3A : i32
          %convert_element_type3A_80 = arith.extui %lt3A_79 : i1 to i32
          %cond3A_81 = arith.constant 0 : i32
          %cond3A_82 = arith.cmpi ne, %convert_element_type3A_80, %cond3A_81 : i32
          scf.if %cond3A_82 {
            %dma_start3A_140 = arith.constant 0 : i32
            %dma_start3A_141 = tpu.memref_slice %arg7[%add3A_78, %dma_start3A_140] : memref<16x64xi32, #tpu.memory_space<vmem>> -> memref<1x64xi32, #tpu.memory_space<vmem>>
            %dma_start3A_142 = tpu.memref_squeeze %dma_start3A_141 : memref<1x64xi32, #tpu.memory_space<vmem>> -> memref<64xi32, #tpu.memory_space<vmem>>
            %dma_start3A_143 = arith.constant 0 : i32
            %dma_start3A_144 = arith.constant 0 : i32
            %dma_start3A_145 = tpu.memref_slice %arg2[%dma_start3A_143, %dma_start3A_144] : memref<10000x128xf32, #tpu.memory_space<hbm>> -> memref<10000x128xf32, #tpu.memory_space<hbm>>
            tpu.enqueue_indirect_dma source(%dma_start3A_145 : memref<10000x128xf32, #tpu.memory_space<hbm>>) target(%arg10 : memref<64x128xf32, #tpu.memory_space<vmem>>) offsets(%dma_start3A_142 : memref<64xi32, #tpu.memory_space<vmem>>) semaphore(%arg14 : memref<!tpu.dma_semaphore, #tpu.memory_space<semaphore_mem>>)
          } else {
          }
          %add3A_83 = arith.constant 1 : i32
          %add3A_84 = arith.addi %add3A_65, %add3A_83 : i32
          %dma_wait3A_85 = arith.constant 0 : i32
          %dma_wait3A_86 = tpu.memref_slice %arg7[%add3A_84, %dma_wait3A_85] : memref<16x64xi32, #tpu.memory_space<vmem>> -> memref<1x64xi32, #tpu.memory_space<vmem>>
          %dma_wait3A_87 = tpu.memref_squeeze %dma_wait3A_86 : memref<1x64xi32, #tpu.memory_space<vmem>> -> memref<64xi32, #tpu.memory_space<vmem>>
          %dma_wait3A_88 = arith.constant 0 : i32
          %dma_wait3A_89 = arith.constant 0 : i32
          %dma_wait3A_90 = tpu.memref_slice %arg2[%dma_wait3A_88, %dma_wait3A_89] : memref<10000x128xf32, #tpu.memory_space<hbm>> -> memref<10000x128xf32, #tpu.memory_space<hbm>>
          tpu.wait_indirect_dma semaphore(%arg15 : memref<!tpu.dma_semaphore, #tpu.memory_space<semaphore_mem>>) src(%dma_wait3A_90 : memref<10000x128xf32, #tpu.memory_space<hbm>>) dst(%arg11 : memref<64x128xf32, #tpu.memory_space<vmem>>)
          %add3A_91 = arith.constant 1 : i32
          %add3A_92 = arith.addi %add3A_65, %add3A_91 : i32
          "tpu.region"() ({
            %run_scoped3A = tpu.sem_alloc : memref<!tpu.dma_semaphore, #tpu.memory_space<semaphore_mem>>
            %dma_start3A_140 = arith.constant 0 : i32
            %dma_start3A_141 = tpu.memref_slice %arg8[%add3A_92, %dma_start3A_140] : memref<16x64xi32, #tpu.memory_space<vmem>> -> memref<1x64xi32, #tpu.memory_space<vmem>>
            %dma_start3A_142 = tpu.memref_squeeze %dma_start3A_141 : memref<1x64xi32, #tpu.memory_space<vmem>> -> memref<64xi32, #tpu.memory_space<vmem>>
            %dma_start3A_143 = arith.constant 0 : i32
            %dma_start3A_144 = arith.constant 0 : i32
            %dma_start3A_145 = tpu.memref_slice %arg9[%dma_start3A_143, %dma_start3A_144] : memref<10112x128xf32, #tpu.memory_space<vmem_shared>> -> memref<10112x128xf32, #tpu.memory_space<vmem_shared>>
            tpu.enqueue_indirect_dma source(%arg11 : memref<64x128xf32, #tpu.memory_space<vmem>>) target(%dma_start3A_145 : memref<10112x128xf32, #tpu.memory_space<vmem_shared>>) offsets(%dma_start3A_142 : memref<64xi32, #tpu.memory_space<vmem>>) semaphore(%run_scoped3A : memref<!tpu.dma_semaphore, #tpu.memory_space<semaphore_mem>>) {add = true}
            %dma_wait3A_146 = arith.constant 0 : i32
            %dma_wait3A_147 = tpu.memref_slice %arg8[%add3A_92, %dma_wait3A_146] : memref<16x64xi32, #tpu.memory_space<vmem>> -> memref<1x64xi32, #tpu.memory_space<vmem>>
            %dma_wait3A_148 = tpu.memref_squeeze %dma_wait3A_147 : memref<1x64xi32, #tpu.memory_space<vmem>> -> memref<64xi32, #tpu.memory_space<vmem>>
            %dma_wait3A_149 = arith.constant 0 : i32
            %dma_wait3A_150 = arith.constant 0 : i32
            %dma_wait3A_151 = tpu.memref_slice %arg9[%dma_wait3A_149, %dma_wait3A_150] : memref<10112x128xf32, #tpu.memory_space<vmem_shared>> -> memref<10112x128xf32, #tpu.memory_space<vmem_shared>>
            tpu.wait_indirect_dma semaphore(%run_scoped3A : memref<!tpu.dma_semaphore, #tpu.memory_space<semaphore_mem>>) src(%arg11 : memref<64x128xf32, #tpu.memory_space<vmem>>) dst(%dma_wait3A_151 : memref<10112x128xf32, #tpu.memory_space<vmem_shared>>)
            tpu.yield
          }) : () -> ()
          %add3A_93 = arith.constant 4 : i32
          %add3A_94 = arith.addi %add3A_65, %add3A_93 : i32
          %add3A_95 = arith.constant 1 : i32
          %add3A_96 = arith.addi %add3A_94, %add3A_95 : i32
          %lt3A_97 = arith.constant 16 : i32
          %lt3A_98 = arith.cmpi slt, %add3A_96, %lt3A_97 : i32
          %convert_element_type3A_99 = arith.extui %lt3A_98 : i1 to i32
          %cond3A_100 = arith.constant 0 : i32
          %cond3A_101 = arith.cmpi ne, %convert_element_type3A_99, %cond3A_100 : i32
          scf.if %cond3A_101 {
            %dma_start3A_140 = arith.constant 0 : i32
            %dma_start3A_141 = tpu.memref_slice %arg7[%add3A_96, %dma_start3A_140] : memref<16x64xi32, #tpu.memory_space<vmem>> -> memref<1x64xi32, #tpu.memory_space<vmem>>
            %dma_start3A_142 = tpu.memref_squeeze %dma_start3A_141 : memref<1x64xi32, #tpu.memory_space<vmem>> -> memref<64xi32, #tpu.memory_space<vmem>>
            %dma_start3A_143 = arith.constant 0 : i32
            %dma_start3A_144 = arith.constant 0 : i32
            %dma_start3A_145 = tpu.memref_slice %arg2[%dma_start3A_143, %dma_start3A_144] : memref<10000x128xf32, #tpu.memory_space<hbm>> -> memref<10000x128xf32, #tpu.memory_space<hbm>>
            tpu.enqueue_indirect_dma source(%dma_start3A_145 : memref<10000x128xf32, #tpu.memory_space<hbm>>) target(%arg11 : memref<64x128xf32, #tpu.memory_space<vmem>>) offsets(%dma_start3A_142 : memref<64xi32, #tpu.memory_space<vmem>>) semaphore(%arg15 : memref<!tpu.dma_semaphore, #tpu.memory_space<semaphore_mem>>)
          } else {
          }
          %add3A_102 = arith.constant 2 : i32
          %add3A_103 = arith.addi %add3A_65, %add3A_102 : i32
          %dma_wait3A_104 = arith.constant 0 : i32
          %dma_wait3A_105 = tpu.memref_slice %arg7[%add3A_103, %dma_wait3A_104] : memref<16x64xi32, #tpu.memory_space<vmem>> -> memref<1x64xi32, #tpu.memory_space<vmem>>
          %dma_wait3A_106 = tpu.memref_squeeze %dma_wait3A_105 : memref<1x64xi32, #tpu.memory_space<vmem>> -> memref<64xi32, #tpu.memory_space<vmem>>
          %dma_wait3A_107 = arith.constant 0 : i32
          %dma_wait3A_108 = arith.constant 0 : i32
          %dma_wait3A_109 = tpu.memref_slice %arg2[%dma_wait3A_107, %dma_wait3A_108] : memref<10000x128xf32, #tpu.memory_space<hbm>> -> memref<10000x128xf32, #tpu.memory_space<hbm>>
          tpu.wait_indirect_dma semaphore(%arg16 : memref<!tpu.dma_semaphore, #tpu.memory_space<semaphore_mem>>) src(%dma_wait3A_109 : memref<10000x128xf32, #tpu.memory_space<hbm>>) dst(%arg12 : memref<64x128xf32, #tpu.memory_space<vmem>>)
          %add3A_110 = arith.constant 2 : i32
          %add3A_111 = arith.addi %add3A_65, %add3A_110 : i32
          "tpu.region"() ({
            %run_scoped3A = tpu.sem_alloc : memref<!tpu.dma_semaphore, #tpu.memory_space<semaphore_mem>>
            %dma_start3A_140 = arith.constant 0 : i32
            %dma_start3A_141 = tpu.memref_slice %arg8[%add3A_111, %dma_start3A_140] : memref<16x64xi32, #tpu.memory_space<vmem>> -> memref<1x64xi32, #tpu.memory_space<vmem>>
            %dma_start3A_142 = tpu.memref_squeeze %dma_start3A_141 : memref<1x64xi32, #tpu.memory_space<vmem>> -> memref<64xi32, #tpu.memory_space<vmem>>
            %dma_start3A_143 = arith.constant 0 : i32
            %dma_start3A_144 = arith.constant 0 : i32
            %dma_start3A_145 = tpu.memref_slice %arg9[%dma_start3A_143, %dma_start3A_144] : memref<10112x128xf32, #tpu.memory_space<vmem_shared>> -> memref<10112x128xf32, #tpu.memory_space<vmem_shared>>
            tpu.enqueue_indirect_dma source(%arg12 : memref<64x128xf32, #tpu.memory_space<vmem>>) target(%dma_start3A_145 : memref<10112x128xf32, #tpu.memory_space<vmem_shared>>) offsets(%dma_start3A_142 : memref<64xi32, #tpu.memory_space<vmem>>) semaphore(%run_scoped3A : memref<!tpu.dma_semaphore, #tpu.memory_space<semaphore_mem>>) {add = true}
            %dma_wait3A_146 = arith.constant 0 : i32
            %dma_wait3A_147 = tpu.memref_slice %arg8[%add3A_111, %dma_wait3A_146] : memref<16x64xi32, #tpu.memory_space<vmem>> -> memref<1x64xi32, #tpu.memory_space<vmem>>
            %dma_wait3A_148 = tpu.memref_squeeze %dma_wait3A_147 : memref<1x64xi32, #tpu.memory_space<vmem>> -> memref<64xi32, #tpu.memory_space<vmem>>
            %dma_wait3A_149 = arith.constant 0 : i32
            %dma_wait3A_150 = arith.constant 0 : i32
            %dma_wait3A_151 = tpu.memref_slice %arg9[%dma_wait3A_149, %dma_wait3A_150] : memref<10112x128xf32, #tpu.memory_space<vmem_shared>> -> memref<10112x128xf32, #tpu.memory_space<vmem_shared>>
            tpu.wait_indirect_dma semaphore(%run_scoped3A : memref<!tpu.dma_semaphore, #tpu.memory_space<semaphore_mem>>) src(%arg12 : memref<64x128xf32, #tpu.memory_space<vmem>>) dst(%dma_wait3A_151 : memref<10112x128xf32, #tpu.memory_space<vmem_shared>>)
            tpu.yield
          }) : () -> ()
          %add3A_112 = arith.constant 4 : i32
          %add3A_113 = arith.addi %add3A_65, %add3A_112 : i32
          %add3A_114 = arith.constant 2 : i32
          %add3A_115 = arith.addi %add3A_113, %add3A_114 : i32
          %lt3A_116 = arith.constant 16 : i32
          %lt3A_117 = arith.cmpi slt, %add3A_115, %lt3A_116 : i32
          %convert_element_type3A_118 = arith.extui %lt3A_117 : i1 to i32
          %cond3A_119 = arith.constant 0 : i32
          %cond3A_120 = arith.cmpi ne, %convert_element_type3A_118, %cond3A_119 : i32
          scf.if %cond3A_120 {
            %dma_start3A_140 = arith.constant 0 : i32
            %dma_start3A_141 = tpu.memref_slice %arg7[%add3A_115, %dma_start3A_140] : memref<16x64xi32, #tpu.memory_space<vmem>> -> memref<1x64xi32, #tpu.memory_space<vmem>>
            %dma_start3A_142 = tpu.memref_squeeze %dma_start3A_141 : memref<1x64xi32, #tpu.memory_space<vmem>> -> memref<64xi32, #tpu.memory_space<vmem>>
            %dma_start3A_143 = arith.constant 0 : i32
            %dma_start3A_144 = arith.constant 0 : i32
            %dma_start3A_145 = tpu.memref_slice %arg2[%dma_start3A_143, %dma_start3A_144] : memref<10000x128xf32, #tpu.memory_space<hbm>> -> memref<10000x128xf32, #tpu.memory_space<hbm>>
            tpu.enqueue_indirect_dma source(%dma_start3A_145 : memref<10000x128xf32, #tpu.memory_space<hbm>>) target(%arg12 : memref<64x128xf32, #tpu.memory_space<vmem>>) offsets(%dma_start3A_142 : memref<64xi32, #tpu.memory_space<vmem>>) semaphore(%arg16 : memref<!tpu.dma_semaphore, #tpu.memory_space<semaphore_mem>>)
          } else {
          }
          %add3A_121 = arith.constant 3 : i32
          %add3A_122 = arith.addi %add3A_65, %add3A_121 : i32
          %dma_wait3A_123 = arith.constant 0 : i32
          %dma_wait3A_124 = tpu.memref_slice %arg7[%add3A_122, %dma_wait3A_123] : memref<16x64xi32, #tpu.memory_space<vmem>> -> memref<1x64xi32, #tpu.memory_space<vmem>>
          %dma_wait3A_125 = tpu.memref_squeeze %dma_wait3A_124 : memref<1x64xi32, #tpu.memory_space<vmem>> -> memref<64xi32, #tpu.memory_space<vmem>>
          %dma_wait3A_126 = arith.constant 0 : i32
          %dma_wait3A_127 = arith.constant 0 : i32
          %dma_wait3A_128 = tpu.memref_slice %arg2[%dma_wait3A_126, %dma_wait3A_127] : memref<10000x128xf32, #tpu.memory_space<hbm>> -> memref<10000x128xf32, #tpu.memory_space<hbm>>
          tpu.wait_indirect_dma semaphore(%arg17 : memref<!tpu.dma_semaphore, #tpu.memory_space<semaphore_mem>>) src(%dma_wait3A_128 : memref<10000x128xf32, #tpu.memory_space<hbm>>) dst(%arg13 : memref<64x128xf32, #tpu.memory_space<vmem>>)
          %add3A_129 = arith.constant 3 : i32
          %add3A_130 = arith.addi %add3A_65, %add3A_129 : i32
          "tpu.region"() ({
            %run_scoped3A = tpu.sem_alloc : memref<!tpu.dma_semaphore, #tpu.memory_space<semaphore_mem>>
            %dma_start3A_140 = arith.constant 0 : i32
            %dma_start3A_141 = tpu.memref_slice %arg8[%add3A_130, %dma_start3A_140] : memref<16x64xi32, #tpu.memory_space<vmem>> -> memref<1x64xi32, #tpu.memory_space<vmem>>
            %dma_start3A_142 = tpu.memref_squeeze %dma_start3A_141 : memref<1x64xi32, #tpu.memory_space<vmem>> -> memref<64xi32, #tpu.memory_space<vmem>>
            %dma_start3A_143 = arith.constant 0 : i32
            %dma_start3A_144 = arith.constant 0 : i32
            %dma_start3A_145 = tpu.memref_slice %arg9[%dma_start3A_143, %dma_start3A_144] : memref<10112x128xf32, #tpu.memory_space<vmem_shared>> -> memref<10112x128xf32, #tpu.memory_space<vmem_shared>>
            tpu.enqueue_indirect_dma source(%arg13 : memref<64x128xf32, #tpu.memory_space<vmem>>) target(%dma_start3A_145 : memref<10112x128xf32, #tpu.memory_space<vmem_shared>>) offsets(%dma_start3A_142 : memref<64xi32, #tpu.memory_space<vmem>>) semaphore(%run_scoped3A : memref<!tpu.dma_semaphore, #tpu.memory_space<semaphore_mem>>) {add = true}
            %dma_wait3A_146 = arith.constant 0 : i32
            %dma_wait3A_147 = tpu.memref_slice %arg8[%add3A_130, %dma_wait3A_146] : memref<16x64xi32, #tpu.memory_space<vmem>> -> memref<1x64xi32, #tpu.memory_space<vmem>>
            %dma_wait3A_148 = tpu.memref_squeeze %dma_wait3A_147 : memref<1x64xi32, #tpu.memory_space<vmem>> -> memref<64xi32, #tpu.memory_space<vmem>>
            %dma_wait3A_149 = arith.constant 0 : i32
            %dma_wait3A_150 = arith.constant 0 : i32
            %dma_wait3A_151 = tpu.memref_slice %arg9[%dma_wait3A_149, %dma_wait3A_150] : memref<10112x128xf32, #tpu.memory_space<vmem_shared>> -> memref<10112x128xf32, #tpu.memory_space<vmem_shared>>
            tpu.wait_indirect_dma semaphore(%run_scoped3A : memref<!tpu.dma_semaphore, #tpu.memory_space<semaphore_mem>>) src(%arg13 : memref<64x128xf32, #tpu.memory_space<vmem>>) dst(%dma_wait3A_151 : memref<10112x128xf32, #tpu.memory_space<vmem_shared>>)
            tpu.yield
          }) : () -> ()
          %add3A_131 = arith.constant 4 : i32
          %add3A_132 = arith.addi %add3A_65, %add3A_131 : i32
          %add3A_133 = arith.constant 3 : i32
          %add3A_134 = arith.addi %add3A_132, %add3A_133 : i32
          %lt3A_135 = arith.constant 16 : i32
          %lt3A_136 = arith.cmpi slt, %add3A_134, %lt3A_135 : i32
          %convert_element_type3A_137 = arith.extui %lt3A_136 : i1 to i32
          %cond3A_138 = arith.constant 0 : i32
          %cond3A_139 = arith.cmpi ne, %convert_element_type3A_137, %cond3A_138 : i32
          scf.if %cond3A_139 {
            %dma_start3A_140 = arith.constant 0 : i32
            %dma_start3A_141 = tpu.memref_slice %arg7[%add3A_134, %dma_start3A_140] : memref<16x64xi32, #tpu.memory_space<vmem>> -> memref<1x64xi32, #tpu.memory_space<vmem>>
            %dma_start3A_142 = tpu.memref_squeeze %dma_start3A_141 : memref<1x64xi32, #tpu.memory_space<vmem>> -> memref<64xi32, #tpu.memory_space<vmem>>
            %dma_start3A_143 = arith.constant 0 : i32
            %dma_start3A_144 = arith.constant 0 : i32
            %dma_start3A_145 = tpu.memref_slice %arg2[%dma_start3A_143, %dma_start3A_144] : memref<10000x128xf32, #tpu.memory_space<hbm>> -> memref<10000x128xf32, #tpu.memory_space<hbm>>
            tpu.enqueue_indirect_dma source(%dma_start3A_145 : memref<10000x128xf32, #tpu.memory_space<hbm>>) target(%arg13 : memref<64x128xf32, #tpu.memory_space<vmem>>) offsets(%dma_start3A_142 : memref<64xi32, #tpu.memory_space<vmem>>) semaphore(%arg17 : memref<!tpu.dma_semaphore, #tpu.memory_space<semaphore_mem>>)
          } else {
          }
        }
        %scan3A_60 = arith.constant 4 : i32
      }
      %scan3A_20 = arith.constant 18 : i32
    } else {
    }
    %eq3A_5 = arith.constant 1 : i32
    %eq3A_6 = arith.cmpi eq, %arg0, %eq3A_5 : i32
    %convert_element_type3A_7 = arith.extui %eq3A_6 : i1 to i32
    %cond3A_8 = arith.constant 0 : i32
    %cond3A_9 = arith.cmpi ne, %convert_element_type3A_7, %cond3A_8 : i32
    scf.if %cond3A_9 {
      %mul3A_15 = arith.constant 32 : i32
      %mul3A_16 = arith.muli %arg1, %mul3A_15 : i32
      %add3A_17 = arith.constant 4608 : i32
      %add3A_18 = arith.addi %add3A_17, %mul3A_16 : i32
      %scan3A = arith.constant 0 : i32
      %scan3A_19 = arith.constant 2 : i32
      %scan3A_20 = arith.addi %scan3A, %scan3A_19 : i32
      %scan3A_21 = arith.constant 1 : i32
      scf.for %scan3A_23 = %scan3A to %scan3A_20 step %scan3A_21  : i32 {
        %mul3A_24 = arith.constant 1 : i32
        %mul3A_25 = arith.muli %scan3A_23, %mul3A_24 : i32
        %add3A_26 = arith.constant 0 : i32
        %add3A_27 = arith.addi %add3A_26, %mul3A_25 : i32
        %mul3A_28 = arith.constant 16 : i32
        %mul3A_29 = arith.muli %add3A_27, %mul3A_28 : i32
        %add3A_30 = arith.addi %add3A_18, %mul3A_29 : i32
        "tpu.region"() ({
          %run_scoped3A = tpu.sem_alloc : memref<!tpu.dma_semaphore, #tpu.memory_space<semaphore_mem>>
          %dma_start3A_63 = arith.constant 0 : i32
          %dma_start3A_64 = tpu.memref_slice %arg3[%add3A_30, %dma_start3A_63] : memref<5120x64xi32, #tpu.memory_space<hbm>> -> memref<16x64xi32, #tpu.memory_space<hbm>>
          %dma_start3A_65 = arith.constant 0 : i32
          %dma_start3A_66 = tpu.memref_slice %arg3[%add3A_30, %dma_start3A_65] : memref<5120x64xi32, #tpu.memory_space<hbm>> -> memref<16x64xi32, #tpu.memory_space<hbm>>
          tpu.enqueue_dma source(%dma_start3A_66 : memref<16x64xi32, #tpu.memory_space<hbm>>) target(%arg7 : memref<16x64xi32, #tpu.memory_space<vmem>>) target_semaphore(%run_scoped3A : memref<!tpu.dma_semaphore, #tpu.memory_space<semaphore_mem>>)
          %dma_wait3A = arith.constant 0 : i32
          %dma_wait3A_67 = tpu.memref_slice %arg3[%add3A_30, %dma_wait3A] : memref<5120x64xi32, #tpu.memory_space<hbm>> -> memref<16x64xi32, #tpu.memory_space<hbm>>
          %dma_wait3A_68 = arith.constant 0 : i32
          %dma_wait3A_69 = tpu.memref_slice %arg3[%add3A_30, %dma_wait3A_68] : memref<5120x64xi32, #tpu.memory_space<hbm>> -> memref<16x64xi32, #tpu.memory_space<hbm>>
          tpu.wait_dma2 semaphore(%run_scoped3A : memref<!tpu.dma_semaphore, #tpu.memory_space<semaphore_mem>>) src(%dma_wait3A_69 : memref<16x64xi32, #tpu.memory_space<hbm>>) dst(%arg7 : memref<16x64xi32, #tpu.memory_space<vmem>>)
          tpu.yield
        }) : () -> ()
        "tpu.region"() ({
          %run_scoped3A = tpu.sem_alloc : memref<!tpu.dma_semaphore, #tpu.memory_space<semaphore_mem>>
          %dma_start3A_63 = arith.constant 0 : i32
          %dma_start3A_64 = tpu.memref_slice %arg4[%add3A_30, %dma_start3A_63] : memref<5120x64xi32, #tpu.memory_space<hbm>> -> memref<16x64xi32, #tpu.memory_space<hbm>>
          %dma_start3A_65 = arith.constant 0 : i32
          %dma_start3A_66 = tpu.memref_slice %arg4[%add3A_30, %dma_start3A_65] : memref<5120x64xi32, #tpu.memory_space<hbm>> -> memref<16x64xi32, #tpu.memory_space<hbm>>
          tpu.enqueue_dma source(%dma_start3A_66 : memref<16x64xi32, #tpu.memory_space<hbm>>) target(%arg8 : memref<16x64xi32, #tpu.memory_space<vmem>>) target_semaphore(%run_scoped3A : memref<!tpu.dma_semaphore, #tpu.memory_space<semaphore_mem>>)
          %dma_wait3A = arith.constant 0 : i32
          %dma_wait3A_67 = tpu.memref_slice %arg4[%add3A_30, %dma_wait3A] : memref<5120x64xi32, #tpu.memory_space<hbm>> -> memref<16x64xi32, #tpu.memory_space<hbm>>
          %dma_wait3A_68 = arith.constant 0 : i32
          %dma_wait3A_69 = tpu.memref_slice %arg4[%add3A_30, %dma_wait3A_68] : memref<5120x64xi32, #tpu.memory_space<hbm>> -> memref<16x64xi32, #tpu.memory_space<hbm>>
          tpu.wait_dma2 semaphore(%run_scoped3A : memref<!tpu.dma_semaphore, #tpu.memory_space<semaphore_mem>>) src(%dma_wait3A_69 : memref<16x64xi32, #tpu.memory_space<hbm>>) dst(%arg8 : memref<16x64xi32, #tpu.memory_space<vmem>>)
          tpu.yield
        }) : () -> ()
        %dma_start3A = arith.constant 0 : i32
        %dma_start3A_31 = arith.constant 0 : i32
        %dma_start3A_32 = tpu.memref_slice %arg7[%dma_start3A, %dma_start3A_31] : memref<16x64xi32, #tpu.memory_space<vmem>> -> memref<1x64xi32, #tpu.memory_space<vmem>>
        %dma_start3A_33 = tpu.memref_squeeze %dma_start3A_32 : memref<1x64xi32, #tpu.memory_space<vmem>> -> memref<64xi32, #tpu.memory_space<vmem>>
        %dma_start3A_34 = arith.constant 0 : i32
        %dma_start3A_35 = arith.constant 0 : i32
        %dma_start3A_36 = tpu.memref_slice %arg2[%dma_start3A_34, %dma_start3A_35] : memref<10000x128xf32, #tpu.memory_space<hbm>> -> memref<10000x128xf32, #tpu.memory_space<hbm>>
        tpu.enqueue_indirect_dma source(%dma_start3A_36 : memref<10000x128xf32, #tpu.memory_space<hbm>>) target(%arg10 : memref<64x128xf32, #tpu.memory_space<vmem>>) offsets(%dma_start3A_33 : memref<64xi32, #tpu.memory_space<vmem>>) semaphore(%arg14 : memref<!tpu.dma_semaphore, #tpu.memory_space<semaphore_mem>>)
        %dma_start3A_37 = arith.constant 1 : i32
        %dma_start3A_38 = arith.constant 0 : i32
        %dma_start3A_39 = tpu.memref_slice %arg7[%dma_start3A_37, %dma_start3A_38] : memref<16x64xi32, #tpu.memory_space<vmem>> -> memref<1x64xi32, #tpu.memory_space<vmem>>
        %dma_start3A_40 = tpu.memref_squeeze %dma_start3A_39 : memref<1x64xi32, #tpu.memory_space<vmem>> -> memref<64xi32, #tpu.memory_space<vmem>>
        %dma_start3A_41 = arith.constant 0 : i32
        %dma_start3A_42 = arith.constant 0 : i32
        %dma_start3A_43 = tpu.memref_slice %arg2[%dma_start3A_41, %dma_start3A_42] : memref<10000x128xf32, #tpu.memory_space<hbm>> -> memref<10000x128xf32, #tpu.memory_space<hbm>>
        tpu.enqueue_indirect_dma source(%dma_start3A_43 : memref<10000x128xf32, #tpu.memory_space<hbm>>) target(%arg11 : memref<64x128xf32, #tpu.memory_space<vmem>>) offsets(%dma_start3A_40 : memref<64xi32, #tpu.memory_space<vmem>>) semaphore(%arg15 : memref<!tpu.dma_semaphore, #tpu.memory_space<semaphore_mem>>)
        %dma_start3A_44 = arith.constant 2 : i32
        %dma_start3A_45 = arith.constant 0 : i32
        %dma_start3A_46 = tpu.memref_slice %arg7[%dma_start3A_44, %dma_start3A_45] : memref<16x64xi32, #tpu.memory_space<vmem>> -> memref<1x64xi32, #tpu.memory_space<vmem>>
        %dma_start3A_47 = tpu.memref_squeeze %dma_start3A_46 : memref<1x64xi32, #tpu.memory_space<vmem>> -> memref<64xi32, #tpu.memory_space<vmem>>
        %dma_start3A_48 = arith.constant 0 : i32
        %dma_start3A_49 = arith.constant 0 : i32
        %dma_start3A_50 = tpu.memref_slice %arg2[%dma_start3A_48, %dma_start3A_49] : memref<10000x128xf32, #tpu.memory_space<hbm>> -> memref<10000x128xf32, #tpu.memory_space<hbm>>
        tpu.enqueue_indirect_dma source(%dma_start3A_50 : memref<10000x128xf32, #tpu.memory_space<hbm>>) target(%arg12 : memref<64x128xf32, #tpu.memory_space<vmem>>) offsets(%dma_start3A_47 : memref<64xi32, #tpu.memory_space<vmem>>) semaphore(%arg16 : memref<!tpu.dma_semaphore, #tpu.memory_space<semaphore_mem>>)
        %dma_start3A_51 = arith.constant 3 : i32
        %dma_start3A_52 = arith.constant 0 : i32
        %dma_start3A_53 = tpu.memref_slice %arg7[%dma_start3A_51, %dma_start3A_52] : memref<16x64xi32, #tpu.memory_space<vmem>> -> memref<1x64xi32, #tpu.memory_space<vmem>>
        %dma_start3A_54 = tpu.memref_squeeze %dma_start3A_53 : memref<1x64xi32, #tpu.memory_space<vmem>> -> memref<64xi32, #tpu.memory_space<vmem>>
        %dma_start3A_55 = arith.constant 0 : i32
        %dma_start3A_56 = arith.constant 0 : i32
        %dma_start3A_57 = tpu.memref_slice %arg2[%dma_start3A_55, %dma_start3A_56] : memref<10000x128xf32, #tpu.memory_space<hbm>> -> memref<10000x128xf32, #tpu.memory_space<hbm>>
        tpu.enqueue_indirect_dma source(%dma_start3A_57 : memref<10000x128xf32, #tpu.memory_space<hbm>>) target(%arg13 : memref<64x128xf32, #tpu.memory_space<vmem>>) offsets(%dma_start3A_54 : memref<64xi32, #tpu.memory_space<vmem>>) semaphore(%arg17 : memref<!tpu.dma_semaphore, #tpu.memory_space<semaphore_mem>>)
        %scan3A_58 = arith.constant 0 : i32
        %scan3A_59 = arith.constant 4 : i32
        %scan3A_60 = arith.addi %scan3A_58, %scan3A_59 : i32
        %scan3A_61 = arith.constant 1 : i32
        scf.for %scan3A_63 = %scan3A_58 to %scan3A_60 step %scan3A_61  : i32 {
          %mul3A_64 = arith.constant 4 : i32
          %mul3A_65 = arith.muli %scan3A_63, %mul3A_64 : i32
          %add3A_66 = arith.constant 0 : i32
          %add3A_67 = arith.addi %add3A_66, %mul3A_65 : i32
          %add3A_68 = arith.constant 0 : i32
          %add3A_69 = arith.addi %add3A_67, %add3A_68 : i32
          %dma_wait3A = arith.constant 0 : i32
          %dma_wait3A_70 = tpu.memref_slice %arg7[%add3A_69, %dma_wait3A] : memref<16x64xi32, #tpu.memory_space<vmem>> -> memref<1x64xi32, #tpu.memory_space<vmem>>
          %dma_wait3A_71 = tpu.memref_squeeze %dma_wait3A_70 : memref<1x64xi32, #tpu.memory_space<vmem>> -> memref<64xi32, #tpu.memory_space<vmem>>
          %dma_wait3A_72 = arith.constant 0 : i32
          %dma_wait3A_73 = arith.constant 0 : i32
          %dma_wait3A_74 = tpu.memref_slice %arg2[%dma_wait3A_72, %dma_wait3A_73] : memref<10000x128xf32, #tpu.memory_space<hbm>> -> memref<10000x128xf32, #tpu.memory_space<hbm>>
          tpu.wait_indirect_dma semaphore(%arg14 : memref<!tpu.dma_semaphore, #tpu.memory_space<semaphore_mem>>) src(%dma_wait3A_74 : memref<10000x128xf32, #tpu.memory_space<hbm>>) dst(%arg10 : memref<64x128xf32, #tpu.memory_space<vmem>>)
          %add3A_75 = arith.constant 0 : i32
          %add3A_76 = arith.addi %add3A_67, %add3A_75 : i32
          "tpu.region"() ({
            %run_scoped3A = tpu.sem_alloc : memref<!tpu.dma_semaphore, #tpu.memory_space<semaphore_mem>>
            %dma_start3A_142 = arith.constant 0 : i32
            %dma_start3A_143 = tpu.memref_slice %arg8[%add3A_76, %dma_start3A_142] : memref<16x64xi32, #tpu.memory_space<vmem>> -> memref<1x64xi32, #tpu.memory_space<vmem>>
            %dma_start3A_144 = tpu.memref_squeeze %dma_start3A_143 : memref<1x64xi32, #tpu.memory_space<vmem>> -> memref<64xi32, #tpu.memory_space<vmem>>
            %dma_start3A_145 = arith.constant 0 : i32
            %dma_start3A_146 = arith.constant 0 : i32
            %dma_start3A_147 = tpu.memref_slice %arg9[%dma_start3A_145, %dma_start3A_146] : memref<10112x128xf32, #tpu.memory_space<vmem_shared>> -> memref<10112x128xf32, #tpu.memory_space<vmem_shared>>
            tpu.enqueue_indirect_dma source(%arg10 : memref<64x128xf32, #tpu.memory_space<vmem>>) target(%dma_start3A_147 : memref<10112x128xf32, #tpu.memory_space<vmem_shared>>) offsets(%dma_start3A_144 : memref<64xi32, #tpu.memory_space<vmem>>) semaphore(%run_scoped3A : memref<!tpu.dma_semaphore, #tpu.memory_space<semaphore_mem>>) {add = true}
            %dma_wait3A_148 = arith.constant 0 : i32
            %dma_wait3A_149 = tpu.memref_slice %arg8[%add3A_76, %dma_wait3A_148] : memref<16x64xi32, #tpu.memory_space<vmem>> -> memref<1x64xi32, #tpu.memory_space<vmem>>
            %dma_wait3A_150 = tpu.memref_squeeze %dma_wait3A_149 : memref<1x64xi32, #tpu.memory_space<vmem>> -> memref<64xi32, #tpu.memory_space<vmem>>
            %dma_wait3A_151 = arith.constant 0 : i32
            %dma_wait3A_152 = arith.constant 0 : i32
            %dma_wait3A_153 = tpu.memref_slice %arg9[%dma_wait3A_151, %dma_wait3A_152] : memref<10112x128xf32, #tpu.memory_space<vmem_shared>> -> memref<10112x128xf32, #tpu.memory_space<vmem_shared>>
            tpu.wait_indirect_dma semaphore(%run_scoped3A : memref<!tpu.dma_semaphore, #tpu.memory_space<semaphore_mem>>) src(%arg10 : memref<64x128xf32, #tpu.memory_space<vmem>>) dst(%dma_wait3A_153 : memref<10112x128xf32, #tpu.memory_space<vmem_shared>>)
            tpu.yield
          }) : () -> ()
          %add3A_77 = arith.constant 4 : i32
          %add3A_78 = arith.addi %add3A_67, %add3A_77 : i32
          %add3A_79 = arith.constant 0 : i32
          %add3A_80 = arith.addi %add3A_78, %add3A_79 : i32
          %lt3A = arith.constant 16 : i32
          %lt3A_81 = arith.cmpi slt, %add3A_80, %lt3A : i32
          %convert_element_type3A_82 = arith.extui %lt3A_81 : i1 to i32
          %cond3A_83 = arith.constant 0 : i32
          %cond3A_84 = arith.cmpi ne, %convert_element_type3A_82, %cond3A_83 : i32
          scf.if %cond3A_84 {
            %dma_start3A_142 = arith.constant 0 : i32
            %dma_start3A_143 = tpu.memref_slice %arg7[%add3A_80, %dma_start3A_142] : memref<16x64xi32, #tpu.memory_space<vmem>> -> memref<1x64xi32, #tpu.memory_space<vmem>>
            %dma_start3A_144 = tpu.memref_squeeze %dma_start3A_143 : memref<1x64xi32, #tpu.memory_space<vmem>> -> memref<64xi32, #tpu.memory_space<vmem>>
            %dma_start3A_145 = arith.constant 0 : i32
            %dma_start3A_146 = arith.constant 0 : i32
            %dma_start3A_147 = tpu.memref_slice %arg2[%dma_start3A_145, %dma_start3A_146] : memref<10000x128xf32, #tpu.memory_space<hbm>> -> memref<10000x128xf32, #tpu.memory_space<hbm>>
            tpu.enqueue_indirect_dma source(%dma_start3A_147 : memref<10000x128xf32, #tpu.memory_space<hbm>>) target(%arg10 : memref<64x128xf32, #tpu.memory_space<vmem>>) offsets(%dma_start3A_144 : memref<64xi32, #tpu.memory_space<vmem>>) semaphore(%arg14 : memref<!tpu.dma_semaphore, #tpu.memory_space<semaphore_mem>>)
          } else {
          }
          %add3A_85 = arith.constant 1 : i32
          %add3A_86 = arith.addi %add3A_67, %add3A_85 : i32
          %dma_wait3A_87 = arith.constant 0 : i32
          %dma_wait3A_88 = tpu.memref_slice %arg7[%add3A_86, %dma_wait3A_87] : memref<16x64xi32, #tpu.memory_space<vmem>> -> memref<1x64xi32, #tpu.memory_space<vmem>>
          %dma_wait3A_89 = tpu.memref_squeeze %dma_wait3A_88 : memref<1x64xi32, #tpu.memory_space<vmem>> -> memref<64xi32, #tpu.memory_space<vmem>>
          %dma_wait3A_90 = arith.constant 0 : i32
          %dma_wait3A_91 = arith.constant 0 : i32
          %dma_wait3A_92 = tpu.memref_slice %arg2[%dma_wait3A_90, %dma_wait3A_91] : memref<10000x128xf32, #tpu.memory_space<hbm>> -> memref<10000x128xf32, #tpu.memory_space<hbm>>
          tpu.wait_indirect_dma semaphore(%arg15 : memref<!tpu.dma_semaphore, #tpu.memory_space<semaphore_mem>>) src(%dma_wait3A_92 : memref<10000x128xf32, #tpu.memory_space<hbm>>) dst(%arg11 : memref<64x128xf32, #tpu.memory_space<vmem>>)
          %add3A_93 = arith.constant 1 : i32
          %add3A_94 = arith.addi %add3A_67, %add3A_93 : i32
          "tpu.region"() ({
            %run_scoped3A = tpu.sem_alloc : memref<!tpu.dma_semaphore, #tpu.memory_space<semaphore_mem>>
            %dma_start3A_142 = arith.constant 0 : i32
            %dma_start3A_143 = tpu.memref_slice %arg8[%add3A_94, %dma_start3A_142] : memref<16x64xi32, #tpu.memory_space<vmem>> -> memref<1x64xi32, #tpu.memory_space<vmem>>
            %dma_start3A_144 = tpu.memref_squeeze %dma_start3A_143 : memref<1x64xi32, #tpu.memory_space<vmem>> -> memref<64xi32, #tpu.memory_space<vmem>>
            %dma_start3A_145 = arith.constant 0 : i32
            %dma_start3A_146 = arith.constant 0 : i32
            %dma_start3A_147 = tpu.memref_slice %arg9[%dma_start3A_145, %dma_start3A_146] : memref<10112x128xf32, #tpu.memory_space<vmem_shared>> -> memref<10112x128xf32, #tpu.memory_space<vmem_shared>>
            tpu.enqueue_indirect_dma source(%arg11 : memref<64x128xf32, #tpu.memory_space<vmem>>) target(%dma_start3A_147 : memref<10112x128xf32, #tpu.memory_space<vmem_shared>>) offsets(%dma_start3A_144 : memref<64xi32, #tpu.memory_space<vmem>>) semaphore(%run_scoped3A : memref<!tpu.dma_semaphore, #tpu.memory_space<semaphore_mem>>) {add = true}
            %dma_wait3A_148 = arith.constant 0 : i32
            %dma_wait3A_149 = tpu.memref_slice %arg8[%add3A_94, %dma_wait3A_148] : memref<16x64xi32, #tpu.memory_space<vmem>> -> memref<1x64xi32, #tpu.memory_space<vmem>>
            %dma_wait3A_150 = tpu.memref_squeeze %dma_wait3A_149 : memref<1x64xi32, #tpu.memory_space<vmem>> -> memref<64xi32, #tpu.memory_space<vmem>>
            %dma_wait3A_151 = arith.constant 0 : i32
            %dma_wait3A_152 = arith.constant 0 : i32
            %dma_wait3A_153 = tpu.memref_slice %arg9[%dma_wait3A_151, %dma_wait3A_152] : memref<10112x128xf32, #tpu.memory_space<vmem_shared>> -> memref<10112x128xf32, #tpu.memory_space<vmem_shared>>
            tpu.wait_indirect_dma semaphore(%run_scoped3A : memref<!tpu.dma_semaphore, #tpu.memory_space<semaphore_mem>>) src(%arg11 : memref<64x128xf32, #tpu.memory_space<vmem>>) dst(%dma_wait3A_153 : memref<10112x128xf32, #tpu.memory_space<vmem_shared>>)
            tpu.yield
          }) : () -> ()
          %add3A_95 = arith.constant 4 : i32
          %add3A_96 = arith.addi %add3A_67, %add3A_95 : i32
          %add3A_97 = arith.constant 1 : i32
          %add3A_98 = arith.addi %add3A_96, %add3A_97 : i32
          %lt3A_99 = arith.constant 16 : i32
          %lt3A_100 = arith.cmpi slt, %add3A_98, %lt3A_99 : i32
          %convert_element_type3A_101 = arith.extui %lt3A_100 : i1 to i32
          %cond3A_102 = arith.constant 0 : i32
          %cond3A_103 = arith.cmpi ne, %convert_element_type3A_101, %cond3A_102 : i32
          scf.if %cond3A_103 {
            %dma_start3A_142 = arith.constant 0 : i32
            %dma_start3A_143 = tpu.memref_slice %arg7[%add3A_98, %dma_start3A_142] : memref<16x64xi32, #tpu.memory_space<vmem>> -> memref<1x64xi32, #tpu.memory_space<vmem>>
            %dma_start3A_144 = tpu.memref_squeeze %dma_start3A_143 : memref<1x64xi32, #tpu.memory_space<vmem>> -> memref<64xi32, #tpu.memory_space<vmem>>
            %dma_start3A_145 = arith.constant 0 : i32
            %dma_start3A_146 = arith.constant 0 : i32
            %dma_start3A_147 = tpu.memref_slice %arg2[%dma_start3A_145, %dma_start3A_146] : memref<10000x128xf32, #tpu.memory_space<hbm>> -> memref<10000x128xf32, #tpu.memory_space<hbm>>
            tpu.enqueue_indirect_dma source(%dma_start3A_147 : memref<10000x128xf32, #tpu.memory_space<hbm>>) target(%arg11 : memref<64x128xf32, #tpu.memory_space<vmem>>) offsets(%dma_start3A_144 : memref<64xi32, #tpu.memory_space<vmem>>) semaphore(%arg15 : memref<!tpu.dma_semaphore, #tpu.memory_space<semaphore_mem>>)
          } else {
          }
          %add3A_104 = arith.constant 2 : i32
          %add3A_105 = arith.addi %add3A_67, %add3A_104 : i32
          %dma_wait3A_106 = arith.constant 0 : i32
          %dma_wait3A_107 = tpu.memref_slice %arg7[%add3A_105, %dma_wait3A_106] : memref<16x64xi32, #tpu.memory_space<vmem>> -> memref<1x64xi32, #tpu.memory_space<vmem>>
          %dma_wait3A_108 = tpu.memref_squeeze %dma_wait3A_107 : memref<1x64xi32, #tpu.memory_space<vmem>> -> memref<64xi32, #tpu.memory_space<vmem>>
          %dma_wait3A_109 = arith.constant 0 : i32
          %dma_wait3A_110 = arith.constant 0 : i32
          %dma_wait3A_111 = tpu.memref_slice %arg2[%dma_wait3A_109, %dma_wait3A_110] : memref<10000x128xf32, #tpu.memory_space<hbm>> -> memref<10000x128xf32, #tpu.memory_space<hbm>>
          tpu.wait_indirect_dma semaphore(%arg16 : memref<!tpu.dma_semaphore, #tpu.memory_space<semaphore_mem>>) src(%dma_wait3A_111 : memref<10000x128xf32, #tpu.memory_space<hbm>>) dst(%arg12 : memref<64x128xf32, #tpu.memory_space<vmem>>)
          %add3A_112 = arith.constant 2 : i32
          %add3A_113 = arith.addi %add3A_67, %add3A_112 : i32
          "tpu.region"() ({
            %run_scoped3A = tpu.sem_alloc : memref<!tpu.dma_semaphore, #tpu.memory_space<semaphore_mem>>
            %dma_start3A_142 = arith.constant 0 : i32
            %dma_start3A_143 = tpu.memref_slice %arg8[%add3A_113, %dma_start3A_142] : memref<16x64xi32, #tpu.memory_space<vmem>> -> memref<1x64xi32, #tpu.memory_space<vmem>>
            %dma_start3A_144 = tpu.memref_squeeze %dma_start3A_143 : memref<1x64xi32, #tpu.memory_space<vmem>> -> memref<64xi32, #tpu.memory_space<vmem>>
            %dma_start3A_145 = arith.constant 0 : i32
            %dma_start3A_146 = arith.constant 0 : i32
            %dma_start3A_147 = tpu.memref_slice %arg9[%dma_start3A_145, %dma_start3A_146] : memref<10112x128xf32, #tpu.memory_space<vmem_shared>> -> memref<10112x128xf32, #tpu.memory_space<vmem_shared>>
            tpu.enqueue_indirect_dma source(%arg12 : memref<64x128xf32, #tpu.memory_space<vmem>>) target(%dma_start3A_147 : memref<10112x128xf32, #tpu.memory_space<vmem_shared>>) offsets(%dma_start3A_144 : memref<64xi32, #tpu.memory_space<vmem>>) semaphore(%run_scoped3A : memref<!tpu.dma_semaphore, #tpu.memory_space<semaphore_mem>>) {add = true}
            %dma_wait3A_148 = arith.constant 0 : i32
            %dma_wait3A_149 = tpu.memref_slice %arg8[%add3A_113, %dma_wait3A_148] : memref<16x64xi32, #tpu.memory_space<vmem>> -> memref<1x64xi32, #tpu.memory_space<vmem>>
            %dma_wait3A_150 = tpu.memref_squeeze %dma_wait3A_149 : memref<1x64xi32, #tpu.memory_space<vmem>> -> memref<64xi32, #tpu.memory_space<vmem>>
            %dma_wait3A_151 = arith.constant 0 : i32
            %dma_wait3A_152 = arith.constant 0 : i32
            %dma_wait3A_153 = tpu.memref_slice %arg9[%dma_wait3A_151, %dma_wait3A_152] : memref<10112x128xf32, #tpu.memory_space<vmem_shared>> -> memref<10112x128xf32, #tpu.memory_space<vmem_shared>>
            tpu.wait_indirect_dma semaphore(%run_scoped3A : memref<!tpu.dma_semaphore, #tpu.memory_space<semaphore_mem>>) src(%arg12 : memref<64x128xf32, #tpu.memory_space<vmem>>) dst(%dma_wait3A_153 : memref<10112x128xf32, #tpu.memory_space<vmem_shared>>)
            tpu.yield
          }) : () -> ()
          %add3A_114 = arith.constant 4 : i32
          %add3A_115 = arith.addi %add3A_67, %add3A_114 : i32
          %add3A_116 = arith.constant 2 : i32
          %add3A_117 = arith.addi %add3A_115, %add3A_116 : i32
          %lt3A_118 = arith.constant 16 : i32
          %lt3A_119 = arith.cmpi slt, %add3A_117, %lt3A_118 : i32
          %convert_element_type3A_120 = arith.extui %lt3A_119 : i1 to i32
          %cond3A_121 = arith.constant 0 : i32
          %cond3A_122 = arith.cmpi ne, %convert_element_type3A_120, %cond3A_121 : i32
          scf.if %cond3A_122 {
            %dma_start3A_142 = arith.constant 0 : i32
            %dma_start3A_143 = tpu.memref_slice %arg7[%add3A_117, %dma_start3A_142] : memref<16x64xi32, #tpu.memory_space<vmem>> -> memref<1x64xi32, #tpu.memory_space<vmem>>
            %dma_start3A_144 = tpu.memref_squeeze %dma_start3A_143 : memref<1x64xi32, #tpu.memory_space<vmem>> -> memref<64xi32, #tpu.memory_space<vmem>>
            %dma_start3A_145 = arith.constant 0 : i32
            %dma_start3A_146 = arith.constant 0 : i32
            %dma_start3A_147 = tpu.memref_slice %arg2[%dma_start3A_145, %dma_start3A_146] : memref<10000x128xf32, #tpu.memory_space<hbm>> -> memref<10000x128xf32, #tpu.memory_space<hbm>>
            tpu.enqueue_indirect_dma source(%dma_start3A_147 : memref<10000x128xf32, #tpu.memory_space<hbm>>) target(%arg12 : memref<64x128xf32, #tpu.memory_space<vmem>>) offsets(%dma_start3A_144 : memref<64xi32, #tpu.memory_space<vmem>>) semaphore(%arg16 : memref<!tpu.dma_semaphore, #tpu.memory_space<semaphore_mem>>)
          } else {
          }
          %add3A_123 = arith.constant 3 : i32
          %add3A_124 = arith.addi %add3A_67, %add3A_123 : i32
          %dma_wait3A_125 = arith.constant 0 : i32
          %dma_wait3A_126 = tpu.memref_slice %arg7[%add3A_124, %dma_wait3A_125] : memref<16x64xi32, #tpu.memory_space<vmem>> -> memref<1x64xi32, #tpu.memory_space<vmem>>
          %dma_wait3A_127 = tpu.memref_squeeze %dma_wait3A_126 : memref<1x64xi32, #tpu.memory_space<vmem>> -> memref<64xi32, #tpu.memory_space<vmem>>
          %dma_wait3A_128 = arith.constant 0 : i32
          %dma_wait3A_129 = arith.constant 0 : i32
          %dma_wait3A_130 = tpu.memref_slice %arg2[%dma_wait3A_128, %dma_wait3A_129] : memref<10000x128xf32, #tpu.memory_space<hbm>> -> memref<10000x128xf32, #tpu.memory_space<hbm>>
          tpu.wait_indirect_dma semaphore(%arg17 : memref<!tpu.dma_semaphore, #tpu.memory_space<semaphore_mem>>) src(%dma_wait3A_130 : memref<10000x128xf32, #tpu.memory_space<hbm>>) dst(%arg13 : memref<64x128xf32, #tpu.memory_space<vmem>>)
          %add3A_131 = arith.constant 3 : i32
          %add3A_132 = arith.addi %add3A_67, %add3A_131 : i32
          "tpu.region"() ({
            %run_scoped3A = tpu.sem_alloc : memref<!tpu.dma_semaphore, #tpu.memory_space<semaphore_mem>>
            %dma_start3A_142 = arith.constant 0 : i32
            %dma_start3A_143 = tpu.memref_slice %arg8[%add3A_132, %dma_start3A_142] : memref<16x64xi32, #tpu.memory_space<vmem>> -> memref<1x64xi32, #tpu.memory_space<vmem>>
            %dma_start3A_144 = tpu.memref_squeeze %dma_start3A_143 : memref<1x64xi32, #tpu.memory_space<vmem>> -> memref<64xi32, #tpu.memory_space<vmem>>
            %dma_start3A_145 = arith.constant 0 : i32
            %dma_start3A_146 = arith.constant 0 : i32
            %dma_start3A_147 = tpu.memref_slice %arg9[%dma_start3A_145, %dma_start3A_146] : memref<10112x128xf32, #tpu.memory_space<vmem_shared>> -> memref<10112x128xf32, #tpu.memory_space<vmem_shared>>
            tpu.enqueue_indirect_dma source(%arg13 : memref<64x128xf32, #tpu.memory_space<vmem>>) target(%dma_start3A_147 : memref<10112x128xf32, #tpu.memory_space<vmem_shared>>) offsets(%dma_start3A_144 : memref<64xi32, #tpu.memory_space<vmem>>) semaphore(%run_scoped3A : memref<!tpu.dma_semaphore, #tpu.memory_space<semaphore_mem>>) {add = true}
            %dma_wait3A_148 = arith.constant 0 : i32
            %dma_wait3A_149 = tpu.memref_slice %arg8[%add3A_132, %dma_wait3A_148] : memref<16x64xi32, #tpu.memory_space<vmem>> -> memref<1x64xi32, #tpu.memory_space<vmem>>
            %dma_wait3A_150 = tpu.memref_squeeze %dma_wait3A_149 : memref<1x64xi32, #tpu.memory_space<vmem>> -> memref<64xi32, #tpu.memory_space<vmem>>
            %dma_wait3A_151 = arith.constant 0 : i32
            %dma_wait3A_152 = arith.constant 0 : i32
            %dma_wait3A_153 = tpu.memref_slice %arg9[%dma_wait3A_151, %dma_wait3A_152] : memref<10112x128xf32, #tpu.memory_space<vmem_shared>> -> memref<10112x128xf32, #tpu.memory_space<vmem_shared>>
            tpu.wait_indirect_dma semaphore(%run_scoped3A : memref<!tpu.dma_semaphore, #tpu.memory_space<semaphore_mem>>) src(%arg13 : memref<64x128xf32, #tpu.memory_space<vmem>>) dst(%dma_wait3A_153 : memref<10112x128xf32, #tpu.memory_space<vmem_shared>>)
            tpu.yield
          }) : () -> ()
          %add3A_133 = arith.constant 4 : i32
          %add3A_134 = arith.addi %add3A_67, %add3A_133 : i32
          %add3A_135 = arith.constant 3 : i32
          %add3A_136 = arith.addi %add3A_134, %add3A_135 : i32
          %lt3A_137 = arith.constant 16 : i32
          %lt3A_138 = arith.cmpi slt, %add3A_136, %lt3A_137 : i32
          %convert_element_type3A_139 = arith.extui %lt3A_138 : i1 to i32
          %cond3A_140 = arith.constant 0 : i32
          %cond3A_141 = arith.cmpi ne, %convert_element_type3A_139, %cond3A_140 : i32
          scf.if %cond3A_141 {
            %dma_start3A_142 = arith.constant 0 : i32
            %dma_start3A_143 = tpu.memref_slice %arg7[%add3A_136, %dma_start3A_142] : memref<16x64xi32, #tpu.memory_space<vmem>> -> memref<1x64xi32, #tpu.memory_space<vmem>>
            %dma_start3A_144 = tpu.memref_squeeze %dma_start3A_143 : memref<1x64xi32, #tpu.memory_space<vmem>> -> memref<64xi32, #tpu.memory_space<vmem>>
            %dma_start3A_145 = arith.constant 0 : i32
            %dma_start3A_146 = arith.constant 0 : i32
            %dma_start3A_147 = tpu.memref_slice %arg2[%dma_start3A_145, %dma_start3A_146] : memref<10000x128xf32, #tpu.memory_space<hbm>> -> memref<10000x128xf32, #tpu.memory_space<hbm>>
            tpu.enqueue_indirect_dma source(%dma_start3A_147 : memref<10000x128xf32, #tpu.memory_space<hbm>>) target(%arg13 : memref<64x128xf32, #tpu.memory_space<vmem>>) offsets(%dma_start3A_144 : memref<64xi32, #tpu.memory_space<vmem>>) semaphore(%arg17 : memref<!tpu.dma_semaphore, #tpu.memory_space<semaphore_mem>>)
          } else {
          }
        }
        %scan3A_62 = arith.constant 4 : i32
      }
      %scan3A_22 = arith.constant 2 : i32
    } else {
    }
    %barrier3A_10 = arith.constant 0 : index
    tpu.barrier barrier_id(%barrier3A_10)
    %mul3A_11 = arith.constant 632 : i32
    %mul3A_12 = arith.muli %arg1, %mul3A_11 : i32
    %mul3A_13 = arith.constant 632 : i32
    %mul3A_14 = arith.muli %arg1, %mul3A_13 : i32
    "tpu.region"() ({
      %run_scoped3A = tpu.sem_alloc : memref<!tpu.dma_semaphore, #tpu.memory_space<semaphore_mem>>
      %dma_start3A = arith.constant 0 : i32
      %dma_start3A_15 = tpu.memref_slice %arg6[%arg0, %mul3A_14, %dma_start3A] : memref<2x10112x128xf32, #tpu.memory_space<hbm>> -> memref<1x632x128xf32, #tpu.memory_space<hbm>>
      %dma_start3A_16 = tpu.memref_squeeze %dma_start3A_15 : memref<1x632x128xf32, #tpu.memory_space<hbm>> -> memref<632x128xf32, #tpu.memory_space<hbm>>
      %dma_start3A_17 = arith.constant 0 : i32
      %dma_start3A_18 = tpu.memref_slice %arg9[%mul3A_12, %dma_start3A_17] : memref<10112x128xf32, #tpu.memory_space<vmem_shared>> -> memref<632x128xf32, #tpu.memory_space<vmem_shared>>
      tpu.enqueue_dma source(%dma_start3A_18 : memref<632x128xf32, #tpu.memory_space<vmem_shared>>) target(%dma_start3A_16 : memref<632x128xf32, #tpu.memory_space<hbm>>) target_semaphore(%run_scoped3A : memref<!tpu.dma_semaphore, #tpu.memory_space<semaphore_mem>>)
      %dma_wait3A = arith.constant 0 : i32
      %dma_wait3A_19 = tpu.memref_slice %arg6[%arg0, %mul3A_14, %dma_wait3A] : memref<2x10112x128xf32, #tpu.memory_space<hbm>> -> memref<1x632x128xf32, #tpu.memory_space<hbm>>
      %dma_wait3A_20 = tpu.memref_squeeze %dma_wait3A_19 : memref<1x632x128xf32, #tpu.memory_space<hbm>> -> memref<632x128xf32, #tpu.memory_space<hbm>>
      %dma_wait3A_21 = arith.constant 0 : i32
      %dma_wait3A_22 = tpu.memref_slice %arg9[%mul3A_12, %dma_wait3A_21] : memref<10112x128xf32, #tpu.memory_space<vmem_shared>> -> memref<632x128xf32, #tpu.memory_space<vmem_shared>>
      tpu.wait_dma2 semaphore(%run_scoped3A : memref<!tpu.dma_semaphore, #tpu.memory_space<semaphore_mem>>) src(%dma_wait3A_22 : memref<632x128xf32, #tpu.memory_space<vmem_shared>>) dst(%dma_wait3A_20 : memref<632x128xf32, #tpu.memory_space<hbm>>)
      tpu.yield
    }) : () -> ()
    return
  }
}

module attributes {stable_mosaic.version = 14 : i64} {
  func.func @_mm_body(%arg0: memref<10000x128xf32, #tpu.memory_space<vmem>>, %arg1: memref<128x128xf32, #tpu.memory_space<vmem>>, %arg2: memref<10000x128xf32, #tpu.memory_space<vmem>>) attributes {dimension_semantics = [], scalar_prefetch = 0 : i64, scratch_operands = 0 : i64, tpu.core_type = #tpu.core_type<tc>} {
    %get3A = arith.constant 0 : index
    %get3A_0 = arith.constant 0 : index
    %get3A_1 = vector.load %arg0[%get3A, %get3A_0] : memref<10000x128xf32, #tpu.memory_space<vmem>>, vector<10000x128xf32>
    %get3A_2 = arith.constant 0 : index
    %get3A_3 = arith.constant 0 : index
    %get3A_4 = vector.load %arg1[%get3A_2, %get3A_3] : memref<128x128xf32, #tpu.memory_space<vmem>>, vector<128x128xf32>
    %dot_general3A = arith.constant dense<0.000000e+00> : vector<10000x128xf32>
    %dot_general3A_5 = tpu.matmul %get3A_1, %get3A_4, %dot_general3A {dimension_numbers = #tpu.dot_dimension_numbers<[1], [0], [0], [1], [0, 0, 1, 1], [], []>, transpose_lhs_hint = false} : vector<10000x128xf32>, vector<128x128xf32>, vector<10000x128xf32> -> vector<10000x128xf32>
    %swap3A = arith.constant 0 : index
    %swap3A_6 = arith.constant 0 : index
    %swap3A_7 = vector.load %arg2[%swap3A, %swap3A_6] : memref<10000x128xf32, #tpu.memory_space<vmem>>, vector<10000x128xf32>
    tpu.vector_store %arg2[%swap3A, %swap3A_6], %dot_general3A_5 {strides = array<i32>} : memref<10000x128xf32, #tpu.memory_space<vmem>>, vector<10000x128xf32>,
    return
  }
}

module attributes {stable_mosaic.version = 14 : i64} {
  func.func @_scale_body(%arg0: memref<10112x128xf32, #tpu.memory_space<vmem>>, %arg1: memref<10112x128xf32, #tpu.memory_space<vmem>>, %arg2: memref<10000x128xf32, #tpu.memory_space<vmem>>, %arg3: memref<10000x128xf32, #tpu.memory_space<vmem>>) attributes {dimension_semantics = [], scalar_prefetch = 0 : i64, scratch_operands = 0 : i64, tpu.core_type = #tpu.core_type<tc>} {
    %get3A = arith.constant 0 : index
    %get3A_0 = arith.constant 0 : index
    %get3A_1 = vector.load %arg2[%get3A, %get3A_0] : memref<10000x128xf32, #tpu.memory_space<vmem>>, vector<10000x128xf32>
    %get3A_2 = arith.constant 0 : index
    %get3A_3 = arith.constant 0 : index
    %get3A_4 = vector.load %arg0[%get3A_2, %get3A_3] : memref<10112x128xf32, #tpu.memory_space<vmem>>, vector<10112x128xf32>
    %slice3A = vector.extract_strided_slice %get3A_4 {offsets = [0, 0], sizes = [10000, 1], strides = [1, 1]} : vector<10112x128xf32> to vector<10000x1xf32>
    %get3A_5 = arith.constant 0 : index
    %get3A_6 = arith.constant 0 : index
    %get3A_7 = vector.load %arg1[%get3A_5, %get3A_6] : memref<10112x128xf32, #tpu.memory_space<vmem>>, vector<10112x128xf32>
    %slice3A_8 = vector.extract_strided_slice %get3A_7 {offsets = [0, 0], sizes = [10000, 1], strides = [1, 1]} : vector<10112x128xf32> to vector<10000x1xf32>
    %add3A = arith.addf %slice3A, %slice3A_8 : vector<10000x1xf32>
    %add3A_9 = arith.constant 1.000000e+00 : f32
    %add3A_10 = vector.broadcast %add3A_9 : f32 to vector<10000x1xf32>
    %add3A_11 = arith.addf %add3A, %add3A_10 : vector<10000x1xf32>
    %sqrt3A = math.sqrt %add3A_11 : vector<10000x1xf32>
    %div3A = arith.constant 1.000000e+00 : f32
    %div3A_12 = vector.broadcast %div3A : f32 to vector<10000x1xf32>
    %div3A_13 = arith.divf %div3A_12, %sqrt3A : vector<10000x1xf32>
    %mul3A = vector.broadcast %div3A_13 : vector<10000x1xf32> to vector<10000x128xf32>
    %mul3A_14 = arith.mulf %get3A_1, %mul3A : vector<10000x128xf32>
    %swap3A = arith.constant 0 : index
    %swap3A_15 = arith.constant 0 : index
    %swap3A_16 = vector.load %arg3[%swap3A, %swap3A_15] : memref<10000x128xf32, #tpu.memory_space<vmem>>, vector<10000x128xf32>
    tpu.vector_store %arg3[%swap3A, %swap3A_15], %mul3A_14 {strides = array<i32>} : memref<10000x128xf32, #tpu.memory_space<vmem>>, vector<10000x128xf32>,
    return
  }
}

module attributes {stable_mosaic.version = 14 : i64} {
  func.func @_mid_body(%arg0: memref<10112x128xf32, #tpu.memory_space<vmem>>, %arg1: memref<10112x128xf32, #tpu.memory_space<vmem>>, %arg2: memref<10112x128xf32, #tpu.memory_space<vmem>>, %arg3: memref<10112x128xf32, #tpu.memory_space<vmem>>, %arg4: memref<10000x128xf32, #tpu.memory_space<vmem>>, %arg5: memref<128xf32, #tpu.memory_space<vmem>>, %arg6: memref<10000x128xf32, #tpu.memory_space<vmem>>, %arg7: memref<10000x128xf32, #tpu.memory_space<vmem>>) attributes {dimension_semantics = [], scalar_prefetch = 0 : i64, scratch_operands = 0 : i64, tpu.core_type = #tpu.core_type<tc>} {
    %get3A = arith.constant 0 : index
    %get3A_0 = arith.constant 0 : index
    %get3A_1 = vector.load %arg2[%get3A, %get3A_0] : memref<10112x128xf32, #tpu.memory_space<vmem>>, vector<10112x128xf32>
    %slice3A = vector.extract_strided_slice %get3A_1 {offsets = [0, 0], sizes = [10000, 1], strides = [1, 1]} : vector<10112x128xf32> to vector<10000x1xf32>
    %get3A_2 = arith.constant 0 : index
    %get3A_3 = arith.constant 0 : index
    %get3A_4 = vector.load %arg3[%get3A_2, %get3A_3] : memref<10112x128xf32, #tpu.memory_space<vmem>>, vector<10112x128xf32>
    %slice3A_5 = vector.extract_strided_slice %get3A_4 {offsets = [0, 0], sizes = [10000, 1], strides = [1, 1]} : vector<10112x128xf32> to vector<10000x1xf32>
    %add3A = arith.addf %slice3A, %slice3A_5 : vector<10000x1xf32>
    %add3A_6 = arith.constant 1.000000e+00 : f32
    %add3A_7 = vector.broadcast %add3A_6 : f32 to vector<10000x1xf32>
    %add3A_8 = arith.addf %add3A, %add3A_7 : vector<10000x1xf32>
    %sqrt3A = math.sqrt %add3A_8 : vector<10000x1xf32>
    %div3A = arith.constant 1.000000e+00 : f32
    %div3A_9 = vector.broadcast %div3A : f32 to vector<10000x1xf32>
    %div3A_10 = arith.divf %div3A_9, %sqrt3A : vector<10000x1xf32>
    %get3A_11 = arith.constant 0 : index
    %get3A_12 = arith.constant 0 : index
    %get3A_13 = vector.load %arg0[%get3A_11, %get3A_12] : memref<10112x128xf32, #tpu.memory_space<vmem>>, vector<10112x128xf32>
    %slice3A_14 = vector.extract_strided_slice %get3A_13 {offsets = [0, 0], sizes = [10000, 128], strides = [1, 1]} : vector<10112x128xf32> to vector<10000x128xf32>
    %get3A_15 = arith.constant 0 : index
    %get3A_16 = arith.constant 0 : index
    %get3A_17 = vector.load %arg1[%get3A_15, %get3A_16] : memref<10112x128xf32, #tpu.memory_space<vmem>>, vector<10112x128xf32>
    %slice3A_18 = vector.extract_strided_slice %get3A_17 {offsets = [0, 0], sizes = [10000, 128], strides = [1, 1]} : vector<10112x128xf32> to vector<10000x128xf32>
    %add3A_19 = arith.addf %slice3A_14, %slice3A_18 : vector<10000x128xf32>
    %mul3A = vector.broadcast %div3A_10 : vector<10000x1xf32> to vector<10000x128xf32>
    %mul3A_20 = arith.mulf %mul3A, %add3A_19 : vector<10000x128xf32>
    %mul3A_21 = arith.mulf %div3A_10, %div3A_10 : vector<10000x1xf32>
    %get3A_22 = arith.constant 0 : index
    %get3A_23 = arith.constant 0 : index
    %get3A_24 = vector.load %arg4[%get3A_22, %get3A_23] : memref<10000x128xf32, #tpu.memory_space<vmem>>, vector<10000x128xf32>
    %mul3A_25 = vector.broadcast %mul3A_21 : vector<10000x1xf32> to vector<10000x128xf32>
    %mul3A_26 = arith.mulf %mul3A_25, %get3A_24 : vector<10000x128xf32>
    %add3A_27 = arith.addf %mul3A_20, %mul3A_26 : vector<10000x128xf32>
    %get3A_28 = arith.constant 0 : index
    %get3A_29 = vector.load %arg5[%get3A_28] : memref<128xf32, #tpu.memory_space<vmem>>, vector<128xf32>
    %broadcast_in_dim3A = vector.shape_cast %get3A_29 : vector<128xf32> to vector<1x128xf32>
    %add3A_30 = vector.broadcast %broadcast_in_dim3A : vector<1x128xf32> to vector<10000x128xf32>
    %add3A_31 = arith.addf %add3A_27, %add3A_30 : vector<10000x128xf32>
    %max3A = arith.constant 0.000000e+00 : f32
    %max3A_32 = vector.broadcast %max3A : f32 to vector<10000x128xf32>
    %max3A_33 = arith.maximumf %add3A_31, %max3A_32 : vector<10000x128xf32>
    %swap3A = arith.constant 0 : index
    %swap3A_34 = arith.constant 0 : index
    %swap3A_35 = vector.load %arg6[%swap3A, %swap3A_34] : memref<10000x128xf32, #tpu.memory_space<vmem>>, vector<10000x128xf32>
    tpu.vector_store %arg6[%swap3A, %swap3A_34], %max3A_33 {strides = array<i32>} : memref<10000x128xf32, #tpu.memory_space<vmem>>, vector<10000x128xf32>,
    %mul3A_36 = vector.broadcast %div3A_10 : vector<10000x1xf32> to vector<10000x128xf32>
    %mul3A_37 = arith.mulf %max3A_33, %mul3A_36 : vector<10000x128xf32>
    %swap3A_38 = arith.constant 0 : index
    %swap3A_39 = arith.constant 0 : index
    %swap3A_40 = vector.load %arg7[%swap3A_38, %swap3A_39] : memref<10000x128xf32, #tpu.memory_space<vmem>>, vector<10000x128xf32>
    tpu.vector_store %arg7[%swap3A_38, %swap3A_39], %mul3A_37 {strides = array<i32>} : memref<10000x128xf32, #tpu.memory_space<vmem>>, vector<10000x128xf32>,
    return
  }
}

module attributes {stable_mosaic.version = 14 : i64} {
  func.func @_final_body(%arg0: memref<10112x128xf32, #tpu.memory_space<vmem>>, %arg1: memref<10112x128xf32, #tpu.memory_space<vmem>>, %arg2: memref<10112x128xf32, #tpu.memory_space<vmem>>, %arg3: memref<10112x128xf32, #tpu.memory_space<vmem>>, %arg4: memref<10000x128xf32, #tpu.memory_space<vmem>>, %arg5: memref<128x64xf32, #tpu.memory_space<vmem>>, %arg6: memref<64xf32, #tpu.memory_space<vmem>>, %arg7: memref<10000x64xf32, #tpu.memory_space<vmem>>) attributes {dimension_semantics = [], scalar_prefetch = 0 : i64, scratch_operands = 0 : i64, tpu.core_type = #tpu.core_type<tc>} {
    %get3A = arith.constant 0 : index
    %get3A_0 = arith.constant 0 : index
    %get3A_1 = vector.load %arg2[%get3A, %get3A_0] : memref<10112x128xf32, #tpu.memory_space<vmem>>, vector<10112x128xf32>
    %slice3A = vector.extract_strided_slice %get3A_1 {offsets = [0, 0], sizes = [10000, 1], strides = [1, 1]} : vector<10112x128xf32> to vector<10000x1xf32>
    %get3A_2 = arith.constant 0 : index
    %get3A_3 = arith.constant 0 : index
    %get3A_4 = vector.load %arg3[%get3A_2, %get3A_3] : memref<10112x128xf32, #tpu.memory_space<vmem>>, vector<10112x128xf32>
    %slice3A_5 = vector.extract_strided_slice %get3A_4 {offsets = [0, 0], sizes = [10000, 1], strides = [1, 1]} : vector<10112x128xf32> to vector<10000x1xf32>
    %add3A = arith.addf %slice3A, %slice3A_5 : vector<10000x1xf32>
    %add3A_6 = arith.constant 1.000000e+00 : f32
    %add3A_7 = vector.broadcast %add3A_6 : f32 to vector<10000x1xf32>
    %add3A_8 = arith.addf %add3A, %add3A_7 : vector<10000x1xf32>
    %sqrt3A = math.sqrt %add3A_8 : vector<10000x1xf32>
    %div3A = arith.constant 1.000000e+00 : f32
    %div3A_9 = vector.broadcast %div3A : f32 to vector<10000x1xf32>
    %div3A_10 = arith.divf %div3A_9, %sqrt3A : vector<10000x1xf32>
    %get3A_11 = arith.constant 0 : index
    %get3A_12 = arith.constant 0 : index
    %get3A_13 = vector.load %arg0[%get3A_11, %get3A_12] : memref<10112x128xf32, #tpu.memory_space<vmem>>, vector<10112x128xf32>
    %slice3A_14 = vector.extract_strided_slice %get3A_13 {offsets = [0, 0], sizes = [10000, 128], strides = [1, 1]} : vector<10112x128xf32> to vector<10000x128xf32>
    %get3A_15 = arith.constant 0 : index
    %get3A_16 = arith.constant 0 : index
    %get3A_17 = vector.load %arg1[%get3A_15, %get3A_16] : memref<10112x128xf32, #tpu.memory_space<vmem>>, vector<10112x128xf32>
    %slice3A_18 = vector.extract_strided_slice %get3A_17 {offsets = [0, 0], sizes = [10000, 128], strides = [1, 1]} : vector<10112x128xf32> to vector<10000x128xf32>
    %add3A_19 = arith.addf %slice3A_14, %slice3A_18 : vector<10000x128xf32>
    %mul3A = vector.broadcast %div3A_10 : vector<10000x1xf32> to vector<10000x128xf32>
    %mul3A_20 = arith.mulf %mul3A, %add3A_19 : vector<10000x128xf32>
    %mul3A_21 = arith.mulf %div3A_10, %div3A_10 : vector<10000x1xf32>
    %get3A_22 = arith.constant 0 : index
    %get3A_23 = arith.constant 0 : index
    %get3A_24 = vector.load %arg4[%get3A_22, %get3A_23] : memref<10000x128xf32, #tpu.memory_space<vmem>>, vector<10000x128xf32>
    %mul3A_25 = vector.broadcast %mul3A_21 : vector<10000x1xf32> to vector<10000x128xf32>
    %mul3A_26 = arith.mulf %mul3A_25, %get3A_24 : vector<10000x128xf32>
    %add3A_27 = arith.addf %mul3A_20, %mul3A_26 : vector<10000x128xf32>
    %get3A_28 = arith.constant 0 : index
    %get3A_29 = arith.constant 0 : index
    %get3A_30 = vector.load %arg5[%get3A_28, %get3A_29] : memref<128x64xf32, #tpu.memory_space<vmem>>, vector<128x64xf32>
    %dot_general3A = arith.constant dense<0.000000e+00> : vector<10000x64xf32>
    %dot_general3A_31 = tpu.matmul %add3A_27, %get3A_30, %dot_general3A {dimension_numbers = #tpu.dot_dimension_numbers<[1], [0], [0], [1], [0, 0, 1, 1], [], []>, transpose_lhs_hint = false} : vector<10000x128xf32>, vector<128x64xf32>, vector<10000x64xf32> -> vector<10000x64xf32>
    %get3A_32 = arith.constant 0 : index
    %get3A_33 = vector.load %arg6[%get3A_32] : memref<64xf32, #tpu.memory_space<vmem>>, vector<64xf32>
    %broadcast_in_dim3A = vector.shape_cast %get3A_33 : vector<64xf32> to vector<1x64xf32>
    %add3A_34 = vector.broadcast %broadcast_in_dim3A : vector<1x64xf32> to vector<10000x64xf32>
    %add3A_35 = arith.addf %dot_general3A_31, %add3A_34 : vector<10000x64xf32>
    %reduce_max3A = arith.constant dense<0xFF800000> : vector<10000xf32>
    %reduce_max3A_36 = vector.multi_reduction <maximumf>, %add3A_35, %reduce_max3A [1] : vector<10000x64xf32> to vector<10000xf32>
    %broadcast_in_dim3A_37 = vector.shape_cast %reduce_max3A_36 : vector<10000xf32> to vector<10000x1xf32>
    %sub3A = vector.broadcast %broadcast_in_dim3A_37 : vector<10000x1xf32> to vector<10000x64xf32>
    %sub3A_38 = arith.subf %add3A_35, %sub3A : vector<10000x64xf32>
    %exp3A = math.exp %sub3A_38 : vector<10000x64xf32>
    %reduce_sum3A = arith.constant dense<0.000000e+00> : vector<10000xf32>
    %reduce_sum3A_39 = vector.multi_reduction <add>, %exp3A, %reduce_sum3A [1] : vector<10000x64xf32> to vector<10000xf32>
    %broadcast_in_dim3A_40 = vector.shape_cast %reduce_sum3A_39 : vector<10000xf32> to vector<10000x1xf32>
    %sub3A_41 = vector.broadcast %broadcast_in_dim3A_37 : vector<10000x1xf32> to vector<10000x64xf32>
    %sub3A_42 = arith.subf %add3A_35, %sub3A_41 : vector<10000x64xf32>
    %log3A = math.log %broadcast_in_dim3A_40 : vector<10000x1xf32>
    %sub3A_43 = vector.broadcast %log3A : vector<10000x1xf32> to vector<10000x64xf32>
    %sub3A_44 = arith.subf %sub3A_42, %sub3A_43 : vector<10000x64xf32>
    %swap3A = arith.constant 0 : index
    %swap3A_45 = arith.constant 0 : index
    %swap3A_46 = vector.load %arg7[%swap3A, %swap3A_45] : memref<10000x64xf32, #tpu.memory_space<vmem>>, vector<10000x64xf32>
    tpu.vector_store %arg7[%swap3A, %swap3A_45], %sub3A_44 {strides = array<i32>} : memref<10000x64xf32, #tpu.memory_space<vmem>>, vector<10000x64xf32>,
    return
  }
}

</mosaic_0001>

<sc_bundles>
// kernel: kernel.12.cloned.1.call-start
scs
__scs_entry_jumppad:
0x0: {  	(pc) =	sbr.rel $0x88, $3  }
0x1: {  	(tag) =	ssettag $0x0;
	lr =	simm.s32 $0x1  }
0x2: {  	[smem:$0x3F9B] =	sst lr;
	_ =	strace $0xD0000000  }
0x3: {  	_ = 	snop  }
0x4: {  	_ = 	snop  }
0x5: {  	_ = 	snop  }
0x6: {  	_ = 	snop  }
0x7: {  	_ = 	snop  }
__scs_overlays_trampoline_lowered:
0x8: {  	[smem:$0x3FAA] =	sst s0  }
0x9: {  	[smem:$0x3FAB] =	sst s1  }
0xa: {  	[smem:$0x3FAC] =	sst s2  }
0xb: {  	[smem:$0x3FAD] =	sst s3  }
0xc: {  	[smem:$0x3FAE] =	sst s4  }
0xd: {  	[smem:$0x3FAF] =	sst s5  }
0xe: {  	[smem:$0x3FB0] =	sst s6  }
0xf: {  	[smem:$0x3FB1] =	sst s7  }
0x10: {  	[smem:$0x3FB2] =	sst s8  }
0x11: {  	[smem:$0x3FB3] =	sst s9;
	s0 =	simm.s32 @!p0 $0x0  }
0x12: {  	s1 =	sld [smem:$0x3F99];
	s0 =	simm.s32 @p0 $0x1  }
0x13: {  	[smem:$0x3FB4] =	sst s0;
	s0 =	simm.s32 @!p1 $0x0  }
0x14: {  	s2 =	sld [smem:$0x3F98];
	s0 =	simm.s32 @p1 $0x1  }
0x15: {  	[smem:$0x3FB5] =	sst s0;
	s0 =	simm.s32 @!p2 $0x0  }
0x16: {  	s3 =	sld [smem:$0x3FDB];
	s0 =	simm.s32 @p2 $0x1  }
0x17: {  	s4 =	simm.s32 $0x1BF5;
	[smem:$0x3FB7] =	sst s0  }
0x18: {  	s0 =	sld [smem:$0x3F9A];
	_ =	swait.ge [sflag:s4], $0x0  }
0x19: {  	s7 =	sld [smem:$0x3F9B]  }
0x1a: {  	s8 =	sadd.s32 $0xFFFFE003, lr  }
0x1b: {  	s9 =	sadd.s32 $0xFFFFFEF7, lr;
	s5 =	simm.s32 $0xFFFFFFFF;
	p2 =	slt.u32 s8, $0xFFFFF086  }
0x1c: {  	p1 =	slt.u32 s9, $0xF7A;
	s5 =	simm.s32 @!p2 $0x0  }
0x1d: {  	s5 =	simm.s32 @p1 $0x1;
	p0 =	seq.s32 s7, s2  }
0x1e: {  	s7 =	smul.u32 @!p0 $0xF7A, s2;
	p2 =	seq.s32 @!p0 s5, $0x0  }
0x1f: {  	s9 =	smul.u32 $0xF7A, s1;
	s8 =	simm.s32 @!p0 $0x1BF5;
	p2 =	por !p2, p0  }
0x20: {  	[sflag:s8] =	ssyncset.s32 @!p0 $0xFFFFF086;
	s6 =	sadd.s32 @!p0 s3, s7;
	s7 =	simm.s32 @!p0 $0x108  }
0x21: {  	s3 =	sadd.s32 s3, s9;
	s6 =	sadd.s32 @!p0 $0x88, s6;
	s7 =	simm.s32 @p2 $0x1082  }
0x22: {  	[simem:s7], [sflag:s8] =	dma.local @!p0 [hbm:s6], $0xF7A  }
0x23: {  	s9 =	sor.u32 $0xD0000000, s2;
	s6 =	simm.s32 $0x108;
	_ =	swait.ge @!p0 [sflag:s8], $0x0  }
0x24: {  	s3 =	sadd.s32 $0x88, s3;
	s6 =	simm.s32 @!p1 $0x1082;
	[sflag:s4] =	ssyncset.s32 $0xFFFFF086  }
0x25: {  	[simem:s6], [sflag:s4] =	dma.local [hbm:s3], $0xF7A  }
0x26: {  	[smem:$0x3F9B] =	sst s1;
	(tag) =	ssettag s2;
	_ =	strace s9  }
0x27: {  	s1 =	sld [smem:$0x3FAB]  }
0x28: {  	s2 =	sld [smem:$0x3FAC]  }
0x29: {  	s4 =	sld [smem:$0x3FAE]  }
0x2a: {  	p0 =	seq.s32 s5, $0x0;
	s5 =	sld [smem:$0x3FAF]  }
0x2b: {  	s6 =	sld [smem:$0x3FB0]  }
0x2c: {  	s7 =	sld [smem:$0x3FB1]  }
0x2d: {  	s3 =	simm.s32 $0x108;
	s8 =	sld [smem:$0x3FB2]  }
0x2e: {  	s3 =	simm.s32 @!p0 $0x1082;
	s9 =	sld [smem:$0x3FB3]  }
0x2f: {  	lr =	sadd.s32 s0, s3;
	s0 =	sld [smem:$0x3FAA]  }
0x30: {  	s3 =	sld [smem:$0x3FAD]  }
0x31: {  	[smem:$0x3FB6] =	sst s10  }
0x32: {  	s10 =	sld [smem:$0x3FB4];
	_ =	sdelay $0x3  }
0x33: {  	p0 =	seq.s32 s10, $0x1;
	s10 =	sld [smem:$0x3FB6];
	_ =	sdelay $0x3  }
0x34: {  	[smem:$0x3FB6] =	sst s10  }
0x35: {  	s10 =	sld [smem:$0x3FB5];
	_ =	sdelay $0x3  }
0x36: {  	p1 =	seq.s32 s10, $0x1;
	s10 =	sld [smem:$0x3FB6];
	_ =	sdelay $0x3  }
0x37: {  	[smem:$0x3FB6] =	sst s10  }
0x38: {  	s10 =	sld [smem:$0x3FB7]  }
0x39: {  	_ = 	snop;
	(pc) =	sbr.ind lr, $3  }
0x3a: {  	_ = 	snop  }
0x3b: {  	_ = 	snop  }
0x3c: {  	p2 =	seq.s32 s10, $0x1;
	s10 =	sld [smem:$0x3FB6]  }
0x3d: {  	_ =	shalt  }
0x3e: {  	_ =	shalt  }
0x3f: {  	_ =	shalt  }
0x40: {  	_ =	shalt  }
0x41: {  	_ =	shalt  }
0x42: {  	_ =	shalt  }
0x43: {  	_ =	shalt  }
0x44: {  	_ =	shalt  }
0x45: {  	_ =	shalt  }
0x46: {  	_ =	shalt  }
0x47: {  	_ =	shalt  }
0x48: {  	_ =	shalt  }
0x49: {  	_ =	shalt  }
0x4a: {  	_ =	shalt  }
0x4b: {  	_ =	shalt  }
0x4c: {  	_ =	shalt  }
0x4d: {  	_ =	shalt  }
0x4e: {  	_ =	shalt  }
0x4f: {  	_ =	shalt  }
0x50: {  	_ =	shalt  }
0x51: {  	_ =	shalt  }
0x52: {  	_ =	shalt  }
0x53: {  	_ =	shalt  }
0x54: {  	_ =	shalt  }
0x55: {  	_ =	shalt  }
0x56: {  	_ =	shalt  }
0x57: {  	_ =	shalt  }
0x58: {  	_ =	shalt  }
0x59: {  	_ =	shalt  }
0x5a: {  	_ =	shalt  }
0x5b: {  	_ =	shalt  }
0x5c: {  	_ =	shalt  }
0x5d: {  	_ =	shalt  }
0x5e: {  	_ =	shalt  }
0x5f: {  	_ =	shalt  }
0x60: {  	_ =	shalt  }
0x61: {  	_ =	shalt  }
0x62: {  	_ =	shalt  }
0x63: {  	_ =	shalt  }
0x64: {  	_ =	shalt  }
0x65: {  	_ =	shalt  }
0x66: {  	_ =	shalt  }
0x67: {  	_ =	shalt  }
0x68: {  	_ =	shalt  }
0x69: {  	_ =	shalt  }
0x6a: {  	_ =	shalt  }
0x6b: {  	_ =	shalt  }
0x6c: {  	_ =	shalt  }
0x6d: {  	_ =	shalt  }
0x6e: {  	_ =	shalt  }
0x6f: {  	_ =	shalt  }
0x70: {  	_ =	shalt  }
0x71: {  	_ =	shalt  }
0x72: {  	_ =	shalt  }
0x73: {  	_ =	shalt  }
0x74: {  	_ =	shalt  }
0x75: {  	_ =	shalt  }
0x76: {  	_ =	shalt  }
0x77: {  	_ =	shalt  }
0x78: {  	_ =	shalt  }
0x79: {  	_ =	shalt  }
0x7a: {  	_ =	shalt  }
0x7b: {  	_ =	shalt  }
0x7c: {  	_ =	shalt  }
0x7d: {  	_ =	shalt  }
0x7e: {  	_ =	shalt  }
0x7f: {  	_ =	shalt  }
0x80: {  	_ =	shalt  }
0x81: {  	_ =	shalt  }
0x82: {  	_ =	shalt  }
0x83: {  	_ =	shalt  }
0x84: {  	_ =	shalt  }
0x85: {  	_ =	shalt  }
0x86: {  	_ =	shalt  }
0x87: {  	_ =	shalt  }
.Lfunc_end0:
.L_simem_size_0:
called_computation.1_lowered:
.L_overlay_start_0:
0x88: {  	s2 =	sld [smem:$0x3FD9]  }
0x89: {  	s3 =	sld [smem:$0x3FFE];
	_ =	sdelay $0x1  }
0x8a: {  	s1 =	srdreg.scid  }
0x8b: {  	s0 =	sand.u32 $0x1, s1  }
0x8c: {  	s16 =	sshll.u32 s0, $0xA;
	s2 =	sadd.s32 s3, s2  }
0x8d: {  	s2 =	sadd.s32 s2, s16  }
0x8e: {  	[smem:$0x3FC2] =	sst s2  }
0x8f: {  	_ = 	snop  }
0x90: {  	(tm) =	ssettm $0x1  }
0x91: {  	s17 =	sld [smem:$0x3FFB];
	_ =	sdelay $0x3  }
0x92: {  	_ =	strace s17  }
0x93: {  	s2 =	sld [smem:$0x3FFC];
	_ =	sdelay $0x3  }
0x94: {  	_ =	strace s2  }
0x95: {  	s2 =	sld [smem:$0x3FFD];
	_ =	sdelay $0x3  }
0x96: {  	_ =	strace s2  }
0x97: {  	_ =	strace $0x8FFFFFFF  }
0x98: {  	s18 =	sld [smem:$0x3FDB];
	_ =	sdelay $0x1  }
0x99: {  	s19 =	simm.s32 $_scs_section_size  }
0x9a: {  	s4 =	simm.s32 $_size__tile_overlayer_lowered;
	s5 =	simm.s32 $_tile_overlayer_lowered  }
0x9b: {  	s22 =	simm.s32 $0x1BFF;
	s21 =	sshll.u32 s5, $0x1;
	s2 =	sadd.s32 s19, s18  }
0x9c: {  	s6 =	simm.s32 $0x0;
	s20 =	sshll.u32 s4, $0x1;
	s4 =	sadd.s32 s21, s2  }
0x9d: {  	[timem:s6], [sflag:s22] =	dma.local [hbm:s4], s20  }
0x9e: {  	_ =	swait.ge [sflag:s22], s20  }
0x9f: {  	s3 =	ssub.s32 $0x0, s20;
	[sflag:s22] =	ssyncset.done $0x0  }
0xa0: {  	[sflag:s22] =	ssyncadd.s32 s3;
	_ =	sdelay $0x1  }
0xa1: {  	s23 =	simm.s32 $0x1B8B  }
0xa2: {  	_ =	swait.ge [sflag:s23], $0x1  }
0xa3: {  	[sflag:s23] =	ssyncset.done $0x0  }
0xa4: {  	s25 =	simm.s32 $0x1B8E;
	s24 =	sld [smem:$0x3FFE];
	[sflag:s23] =	ssyncadd.s32 $0xFFFFFFFF  }
0xa5: {  	s26 =	simm.s32 $execute0_lowered;
	[smem:$0x3FD2] =	sst s25  }
0xa6: {  	s4 =	sshll.u32 s26, $0x1;
	_ =	strace $0x80000049;
	[dreg:$0x1] =	wrdreg $0xFFFFFFFF  }
0xa7: {  	s28 =	simm.s32 $_size_execute0_lowered;
	s2 =	sadd.s32 s2, s4;
	[dreg:$0x0] =	wrdreg $0x0  }
0xa8: {  	s4 =	sshll.u32 s28, $0x1;
	[dreg:$0x2] =	wrdreg s2  }
0xa9: {  	[dreg:$0x3] =	wrdreg s4  }
0xaa: {  	[dreg:$0x4] =	wrdreg $0xC0  }
0xab: {  	_ =	task [dreg:s6], $0x5FFFF  }
0xac: {  	[dreg:$0x1] =	wrdreg $0xFFFFFFFF  }
0xad: {  	[dreg:$0x0] =	wrdreg $0x60  }
0xae: {  	[dreg:$0x2] =	wrdreg s24  }
0xaf: {  	[dreg:$0x3] =	wrdreg $0x10000  }
0xb0: {  	[dreg:$0x4] =	wrdreg $0x9  }
0xb1: {  	_ =	task.clear_ibuf [dreg:s6], $0x5FFFF;
	_ =	strace $0x90000049  }
0xb2: {  	s29 =	simm.s32 $0x9;
	_ =	strace $0x8000004B  }
0xb3: {  	_ =	swait.ge [sflag:s29], $0x1  }
0xb4: {  	[sflag:s29] =	ssyncadd.s32 $0xFFFFFFFF  }
0xb5: {  	_ =	strace $0x9000004B  }
0xb6: {  	_ =	sfence  }
0xb7: {  	s30 =	sld [smem:$0x0];
	_ =	sdelay $0x2  }
0xb8: {  	s31 =	sshll.u32 s1, $0xD;
	s1 =	sshrl.u32 s1, $0x2  }
0xb9: {  	s3 =	sand.u32 $0x4000, s31;
	s1 =	sadd.s32 s1, s30  }
0xba: {  	s0 =	sor.u32 s3, s0;
	s1 =	sshll.u32 s1, $0x11  }
0xbb: {  	s0 =	sor.u32 s1, s0  }
0xbc: {  	s0 =	sadd.s32 $0x8F2B, s0  }
0xbd: {  	[sflag:s0] =	ssyncadd.remote.s32 $0x1  }
0xbe: {  	_ =	sfence.sel $0xFFFF  }
0xbf: {  	[dreg:$0x0] =	wrdreg $0xFFFFFFFF;
	(pc) =	sbr.abs _section_cstart, $3  }
0xc0: {  	[dreg:$0x1] =	wrdreg $0xFFFFFFFF  }
0xc1: {  	_ =	task.clear_ibuf [dreg:s6], $0x2FFFF;
	_ =	strace $0x9FFFFFFF  }
0xc2: {  	(tm) =	ssettm $0x7FFFFFFF  }
0xc3: {  	_ =	shalt  }
tec
execute0_lowered:
.L_overlay_start_1:
0x0: {  	(tag) =	ssettag $0x1  }
0x1: {  	s0 =	rddreg [dreg:$0x0]  }
0x2: {  	s1 =	rddreg [dreg:$0x1];
	s3 =	simm.s32 $0x0  }
0x3: {  	s2 =	srdreg.scid;
	s9 =	stileid.u32;
	s13 =	simm.s32 $0x5  }
0x4: {  	s14 =	simm.s32 $0x800;
	s15 =	simm.s32 $0x40;
	s26 =	simm.s32 $0x100  }
0x5: {  	s28 =	simm.s32 $0x3;
	s31 =	simm.s32 $0x4;
	s29 =	simm.s32 $0xD00  }
0x6: {  	s30 =	simm.s32 $0x700;
	[smem:$0x7FF] =	sst s3;
	s2 =	sand.u32 $0x1, s2  }
0x7: {  	s6 =	smul.u32 $0x13C00, s9;
	s4 =	sadd.s32 $0xA4200, s0;
	s11 =	sadd.s32 $0x69000, s0  }
0x8: {  	s10 =	sadd.s32 $0x55000, s0;
	s7 =	smul.u32 $0x4F000, s9;
	s8 =	sadd.s32 $0x3000, s0  }
0x9: {  	s20 =	sshll.u32 s9, $0x6;
	s21 =	smul.u32 $0x1200, s9;
	s22 =	sshll.u32 s9, $0x9  }
0xa: {  	s9 =	simm.s32 $0xB80;
	_ =	strace $0x8000004A;
	[dreg:$0x8] =	wrdreg s8  }
0xb: {  	s5 =	smul.u32 $0x13C000, s2;
	s16 =	ssub.s32 $0x2, s2;
	[dreg:$0x7] =	wrdreg s10  }
0xc: {  	s12 =	sor.u32 $0x1C05, s20;
	p0 =	seq.s32 s2, $0x1;
	[dreg:$0x6] =	wrdreg s11  }
0xd: {  	s2 =	sor.u32 $0x12000, s22;
	s22 =	simm.s32 $0x1;
	[dreg:$0x5] =	wrdreg s26  }
0xe: {  	s20 =	simm.s32 $0xC00;
	s26 =	simm.s32 $0x680;
	s17 =	sshrl.u32 s16, $0x1  }
0xf: {  	s19 =	sshrl.u32 s7, $0x2;
	[dreg:$0xa] =	wrdreg s2;
	s23 =	sadd.s32 s21, s10  }
0x10: {  	s25 =	sadd.s32 s21, s11;
	s21 =	simm.s32 $0x1AC00;
	[dreg:$0x9] =	wrdreg s12  }
0x11: {  	s2 =	simm.s32 $0x780;
	s7 =	simm.s32 $0xE00;
	s10 =	simm.s32 $0xE80  }
0x12: {  	s11 =	simm.s32 $0xF00;
	s5 =	sadd.s32 s6, s5;
	[dreg:$0x3] =	wrdreg s23  }
0x13: {  	s18 =	ssub.s32 s16, s17;
	s6 =	sadd.s32 s19, s1;
	[dreg:$0x4] =	wrdreg s25  }
0x14: {  	s16 =	simm.s32 $0x14C00;
	s19 =	simm.s32 $0x18C00;
	s17 =	simm.s32 $0x580  }
.Ltmp0:
0x15: {  	s23 =	simm.s32 $0x600;
	s25 =	simm.s32 $0xC80;
	(pc) =	sbr.rel .LBB2_1-.Ltmp0, $4  }
0x16: {  	s5 =	sshrl.u32 s5, $0x3;
	s24 =	smax.u32 s18, $0x1;
	s8 =	sshrl.u32 s6, $0x3  }
0x17: {  	s18 =	simm.s32 $0x16C00;
	s0 =	sadd.s32 s5, s0;
	[dreg:$0xc] =	wrdreg s24  }
0x18: {  	s6 =	simm.s32 $0xF80;
	[dreg:$0xd] =	wrdreg s8;
	s0 =	sadd.s32 $0xCB400, s0  }
0x19: {  	s24 =	simm.s32 $0x2;
	[dreg:$0xb] =	wrdreg s0;
	s0 =	simm.s32 $0x0  }
.LBB2_4:
0x1a: {  	[sflag:s13] =	ssyncset.done $0x0  }
0x1b: {  	[sflag:s13] =	ssyncadd.s32 $0xFFFFE000  }
.LBB2_6:
0x1c: {  	[bflag:$0x0] =	sbarrier.arrive $0xFFFF  }
0x1d: {  	s12 =	rddreg [dreg:$0x9]  }
0x1e: {  	s5 =	rddreg [dreg:$0xb]  }
0x1f: {  	s8 =	rddreg [dreg:$0xd]  }
0x20: {  	[hbm:s5], [sflag:s12] =	dma.local [spmem:s8], $0x2780  }
0x21: {  	_ =	swait.ge [sflag:s13], $0x2780  }
0x22: {  	s0 =	rddreg [dreg:$0xe]  }
0x23: {  	s5 =	rddreg [dreg:$0xc];
	s0 =	sadd.s32 $0x1, s0  }
0x24: {  	p1 =	sne.s32 s0, s5  }
.Ltmp1:
0x25: {  	_ = 	snop;
	(pc) =	sbr.rel @!p1 .LBB2_7-.Ltmp1, $3  }
0x26: {  	_ =	sdelay $0x1  }
0x27: {  	[sflag:s13] =	ssyncset.done $0x0  }
0x28: {  	[sflag:s13] =	ssyncadd.s32 $0xFFFFD880  }
.LBB2_1:
0x29: {  	[dreg:$0xe] =	wrdreg s0  }
0x2a: {  	s5 =	rddreg [dreg:$0x8]  }
0x2b: {  	[spmem:s8], [sflag:s12] =	dma.local [hbm:s5], $0x2780  }
.Ltmp2:
0x2c: {  	_ =	swait.ge [sflag:s13], $0x2780;
	(pc) =	sbr.rel @!p0 .LBB2_2-.Ltmp2, $4  }
0x2d: {  	[sflag:s13] =	ssyncset.done $0x0  }
0x2e: {  	[sflag:s13] =	ssyncadd.s32 $0xFFFFD880  }
0x2f: {  	p1 =	por $0x1, $0x1;
	[bflag:$0x0] =	sbarrier.arrive $0xFFFF  }
0x30: {  	s0 =	simm.s32 $0xD80;
	s8 =	simm.s32 $0x0;
	s12 =	rddreg [dreg:$0x6]  }
.LBB2_5:
0x31: {  	s5 =	rddreg [dreg:$0xa]  }
0x32: {  	s5 =	sor.u32 s5, s8  }
0x33: {  	s8 =	sadd.s32 s12, s5  }
0x34: {  	[tilespmem:s3], [sflag:$0x5] =	stream.linear.gather [hbm4b:s8+s3], $0x800, $0x38;
	[tilespmem:$0x1CC00] =	vst v63  }
0x35: {  	_ =	swait.ge [sflag:s13], $0x800  }
0x36: {  	[sflag:s13] =	ssyncset.done $0x0;
	s8 =	rddreg [dreg:$0x7]  }
0x37: {  	[sflag:s13] =	ssyncadd.s32 $0xFFFFF800;
	s5 =	sadd.s32 s8, s5  }
0x38: {  	[tilespmem:s14], [sflag:$0x5] =	stream.linear.gather [hbm4b:s5+s3], $0x800, $0x38;
	[tilespmem:$0x1CC00] =	vst v63  }
0x39: {  	_ =	swait.ge [sflag:s13], $0x800  }
0x3a: {  	[sflag:s13] =	ssyncset.done $0x0  }
0x3b: {  	[sflag:s13] =	ssyncadd.s32 $0xFFFFF800  }
0x3c: {  	[tilespmem:s16], [sflag:$0x1] =	stream.indirect.gather [hbm4b:s4+s15], $0x80, s3, s15, $0xb8;
	[tilespmem:$0x1CC00] =	vst v63  }
0x3d: {  	s8 =	simm.s32 $0x80  }
0x3e: {  	[tilespmem:s18], [sflag:$0x2] =	stream.indirect.gather [hbm4b:s4+s15], $0x80, s8, s15, $0xb8;
	[tilespmem:$0x1CC00] =	vst v63  }
0x3f: {  	s8 =	simm.s32 $0x100  }
0x40: {  	[tilespmem:s19], [sflag:$0x3] =	stream.indirect.gather [hbm4b:s4+s15], $0x80, s8, s15, $0xb8;
	[tilespmem:$0x1CC00] =	vst v63  }
0x41: {  	s5 =	simm.s32 $0x180  }
0x42: {  	[tilespmem:s21], [sflag:$0x4] =	stream.indirect.gather [hbm4b:s4+s15], $0x80, s5, s15, $0xb8;
	[tilespmem:$0x1CC00] =	vst v63  }
0x43: {  	_ =	swait.ge [sflag:s22], $0x2000  }
0x44: {  	[sflag:s22] =	ssyncset.done $0x0  }
0x45: {  	[sflag:s22] =	ssyncadd.s32 $0xFFFFE000  }
0x46: {  	[spmem:s1] =	stream.indirect.scatter.add.f32 [tilespmem:s16], [sflag:$0x5], $0x80, s14, s15, $0xb8;
	[tilespmem:$0x1CC00] =	vst v63  }
0x47: {  	_ =	swait.ge [sflag:s13], $0x2000  }
0x48: {  	[sflag:s13] =	ssyncset.done $0x0  }
0x49: {  	s5 =	simm.s32 $0x200;
	[sflag:s13] =	ssyncadd.s32 $0xFFFFE000  }
0x4a: {  	[tilespmem:s16], [sflag:$0x1] =	stream.indirect.gather [hbm4b:s4+s15], $0x80, s5, s15, $0xb8;
	[tilespmem:$0x1CC00] =	vst v63  }
0x4b: {  	_ =	swait.ge [sflag:s24], $0x2000  }
0x4c: {  	[sflag:s24] =	ssyncset.done $0x0  }
0x4d: {  	s5 =	simm.s32 $0x880;
	[sflag:s24] =	ssyncadd.s32 $0xFFFFE000  }
0x4e: {  	[spmem:s1] =	stream.indirect.scatter.add.f32 [tilespmem:s18], [sflag:$0x5], $0x80, s5, s15, $0xb8;
	[tilespmem:$0x1CC00] =	vst v63  }
0x4f: {  	_ =	swait.ge [sflag:s13], $0x2000  }
0x50: {  	[sflag:s13] =	ssyncset.done $0x0  }
0x51: {  	s5 =	simm.s32 $0x280;
	[sflag:s13] =	ssyncadd.s32 $0xFFFFE000  }
0x52: {  	[tilespmem:s18], [sflag:$0x2] =	stream.indirect.gather [hbm4b:s4+s15], $0x80, s5, s15, $0xb8;
	[tilespmem:$0x1CC00] =	vst v63  }
0x53: {  	_ =	swait.ge [sflag:s28], $0x2000  }
0x54: {  	[sflag:s28] =	ssyncset.done $0x0  }
0x55: {  	s5 =	simm.s32 $0x900;
	[sflag:s28] =	ssyncadd.s32 $0xFFFFE000  }
0x56: {  	[spmem:s1] =	stream.indirect.scatter.add.f32 [tilespmem:s19], [sflag:$0x5], $0x80, s5, s15, $0xb8;
	[tilespmem:$0x1CC00] =	vst v63  }
0x57: {  	_ =	swait.ge [sflag:s13], $0x2000  }
0x58: {  	[sflag:s13] =	ssyncset.done $0x0  }
0x59: {  	s5 =	simm.s32 $0x300;
	[sflag:s13] =	ssyncadd.s32 $0xFFFFE000  }
0x5a: {  	[tilespmem:s19], [sflag:$0x3] =	stream.indirect.gather [hbm4b:s4+s15], $0x80, s5, s15, $0xb8;
	[tilespmem:$0x1CC00] =	vst v63  }
0x5b: {  	_ =	swait.ge [sflag:s31], $0x2000  }
0x5c: {  	[sflag:s31] =	ssyncset.done $0x0  }
0x5d: {  	s5 =	simm.s32 $0x980;
	[sflag:s31] =	ssyncadd.s32 $0xFFFFE000  }
0x5e: {  	[spmem:s1] =	stream.indirect.scatter.add.f32 [tilespmem:s21], [sflag:$0x5], $0x80, s5, s15, $0xb8;
	[tilespmem:$0x1CC00] =	vst v63  }
0x5f: {  	_ =	swait.ge [sflag:s13], $0x2000  }
0x60: {  	[sflag:s13] =	ssyncset.done $0x0  }
0x61: {  	s5 =	simm.s32 $0x380;
	[sflag:s13] =	ssyncadd.s32 $0xFFFFE000  }
0x62: {  	[tilespmem:s21], [sflag:$0x4] =	stream.indirect.gather [hbm4b:s4+s15], $0x80, s5, s15, $0xb8;
	[tilespmem:$0x1CC00] =	vst v63  }
0x63: {  	_ =	swait.ge [sflag:s22], $0x2000  }
0x64: {  	[sflag:s22] =	ssyncset.done $0x0  }
0x65: {  	s5 =	simm.s32 $0xA00;
	[sflag:s22] =	ssyncadd.s32 $0xFFFFE000  }
0x66: {  	[spmem:s1] =	stream.indirect.scatter.add.f32 [tilespmem:s16], [sflag:$0x5], $0x80, s5, s15, $0xb8;
	[tilespmem:$0x1CC00] =	vst v63  }
0x67: {  	_ =	swait.ge [sflag:s13], $0x2000  }
0x68: {  	[sflag:s13] =	ssyncset.done $0x0  }
0x69: {  	s5 =	simm.s32 $0x400;
	[sflag:s13] =	ssyncadd.s32 $0xFFFFE000  }
0x6a: {  	[tilespmem:s16], [sflag:$0x1] =	stream.indirect.gather [hbm4b:s4+s15], $0x80, s5, s15, $0xb8;
	[tilespmem:$0x1CC00] =	vst v63  }
0x6b: {  	_ =	swait.ge [sflag:s24], $0x2000  }
0x6c: {  	[sflag:s24] =	ssyncset.done $0x0  }
0x6d: {  	s5 =	simm.s32 $0xA80;
	[sflag:s24] =	ssyncadd.s32 $0xFFFFE000  }
0x6e: {  	[spmem:s1] =	stream.indirect.scatter.add.f32 [tilespmem:s18], [sflag:$0x5], $0x80, s5, s15, $0xb8;
	[tilespmem:$0x1CC00] =	vst v63  }
0x6f: {  	_ =	swait.ge [sflag:s13], $0x2000  }
0x70: {  	[sflag:s13] =	ssyncset.done $0x0  }
0x71: {  	s5 =	simm.s32 $0x480;
	[sflag:s13] =	ssyncadd.s32 $0xFFFFE000  }
0x72: {  	[tilespmem:s18], [sflag:$0x2] =	stream.indirect.gather [hbm4b:s4+s15], $0x80, s5, s15, $0xb8;
	[tilespmem:$0x1CC00] =	vst v63  }
0x73: {  	_ =	swait.ge [sflag:s28], $0x2000  }
0x74: {  	[sflag:s28] =	ssyncset.done $0x0  }
0x75: {  	s5 =	simm.s32 $0xB00;
	[sflag:s28] =	ssyncadd.s32 $0xFFFFE000  }
0x76: {  	[spmem:s1] =	stream.indirect.scatter.add.f32 [tilespmem:s19], [sflag:$0x5], $0x80, s5, s15, $0xb8;
	[tilespmem:$0x1CC00] =	vst v63  }
0x77: {  	_ =	swait.ge [sflag:s13], $0x2000  }
0x78: {  	[sflag:s13] =	ssyncset.done $0x0  }
0x79: {  	s5 =	simm.s32 $0x500;
	[sflag:s13] =	ssyncadd.s32 $0xFFFFE000  }
0x7a: {  	[tilespmem:s19], [sflag:$0x3] =	stream.indirect.gather [hbm4b:s4+s15], $0x80, s5, s15, $0xb8;
	[tilespmem:$0x1CC00] =	vst v63  }
0x7b: {  	_ =	swait.ge [sflag:s31], $0x2000  }
0x7c: {  	[sflag:s31] =	ssyncset.done $0x0  }
0x7d: {  	[sflag:s31] =	ssyncadd.s32 $0xFFFFE000  }
0x7e: {  	[spmem:s1] =	stream.indirect.scatter.add.f32 [tilespmem:s21], [sflag:$0x5], $0x80, s9, s15, $0xb8;
	[tilespmem:$0x1CC00] =	vst v63  }
0x7f: {  	_ =	swait.ge [sflag:s13], $0x2000  }
0x80: {  	[sflag:s13] =	ssyncset.done $0x0  }
0x81: {  	[sflag:s13] =	ssyncadd.s32 $0xFFFFE000  }
0x82: {  	[tilespmem:s21], [sflag:$0x4] =	stream.indirect.gather [hbm4b:s4+s15], $0x80, s17, s15, $0xb8;
	[tilespmem:$0x1CC00] =	vst v63  }
0x83: {  	_ =	swait.ge [sflag:s22], $0x2000  }
0x84: {  	[sflag:s22] =	ssyncset.done $0x0  }
0x85: {  	[sflag:s22] =	ssyncadd.s32 $0xFFFFE000  }
0x86: {  	[spmem:s1] =	stream.indirect.scatter.add.f32 [tilespmem:s16], [sflag:$0x5], $0x80, s20, s15, $0xb8;
	[tilespmem:$0x1CC00] =	vst v63  }
0x87: {  	_ =	swait.ge [sflag:s13], $0x2000  }
0x88: {  	[sflag:s13] =	ssyncset.done $0x0  }
0x89: {  	[sflag:s13] =	ssyncadd.s32 $0xFFFFE000  }
0x8a: {  	[tilespmem:s16], [sflag:$0x1] =	stream.indirect.gather [hbm4b:s4+s15], $0x80, s23, s15, $0xb8;
	[tilespmem:$0x1CC00] =	vst v63  }
0x8b: {  	_ =	swait.ge [sflag:s24], $0x2000  }
0x8c: {  	[sflag:s24] =	ssyncset.done $0x0  }
0x8d: {  	[sflag:s24] =	ssyncadd.s32 $0xFFFFE000  }
0x8e: {  	[spmem:s1] =	stream.indirect.scatter.add.f32 [tilespmem:s18], [sflag:$0x5], $0x80, s25, s15, $0xb8;
	[tilespmem:$0x1CC00] =	vst v63  }
0x8f: {  	_ =	swait.ge [sflag:s13], $0x2000  }
0x90: {  	[sflag:s13] =	ssyncset.done $0x0  }
0x91: {  	[sflag:s13] =	ssyncadd.s32 $0xFFFFE000  }
0x92: {  	[tilespmem:s18], [sflag:$0x2] =	stream.indirect.gather [hbm4b:s4+s15], $0x80, s26, s15, $0xb8;
	[tilespmem:$0x1CC00] =	vst v63  }
0x93: {  	_ =	swait.ge [sflag:s28], $0x2000  }
0x94: {  	[sflag:s28] =	ssyncset.done $0x0  }
0x95: {  	[sflag:s28] =	ssyncadd.s32 $0xFFFFE000  }
0x96: {  	[spmem:s1] =	stream.indirect.scatter.add.f32 [tilespmem:s19], [sflag:$0x5], $0x80, s29, s15, $0xb8;
	[tilespmem:$0x1CC00] =	vst v63  }
0x97: {  	_ =	swait.ge [sflag:s13], $0x2000  }
0x98: {  	[sflag:s13] =	ssyncset.done $0x0  }
0x99: {  	[sflag:s13] =	ssyncadd.s32 $0xFFFFE000  }
0x9a: {  	[tilespmem:s19], [sflag:$0x3] =	stream.indirect.gather [hbm4b:s4+s15], $0x80, s30, s15, $0xb8;
	[tilespmem:$0x1CC00] =	vst v63  }
0x9b: {  	_ =	swait.ge [sflag:s31], $0x2000  }
0x9c: {  	[sflag:s31] =	ssyncset.done $0x0  }
0x9d: {  	[sflag:s31] =	ssyncadd.s32 $0xFFFFE000  }
0x9e: {  	[spmem:s1] =	stream.indirect.scatter.add.f32 [tilespmem:s21], [sflag:$0x5], $0x80, s0, s15, $0xb8;
	[tilespmem:$0x1CC00] =	vst v63  }
0x9f: {  	_ =	swait.ge [sflag:s13], $0x2000  }
0xa0: {  	[sflag:s13] =	ssyncset.done $0x0  }
0xa1: {  	[sflag:s13] =	ssyncadd.s32 $0xFFFFE000  }
0xa2: {  	[tilespmem:s21], [sflag:$0x4] =	stream.indirect.gather [hbm4b:s4+s15], $0x80, s2, s15, $0xb8;
	[tilespmem:$0x1CC00] =	vst v63  }
0xa3: {  	_ =	swait.ge [sflag:s22], $0x2000  }
0xa4: {  	[sflag:s22] =	ssyncset.done $0x0  }
0xa5: {  	[sflag:s22] =	ssyncadd.s32 $0xFFFFE000  }
0xa6: {  	[spmem:s1] =	stream.indirect.scatter.add.f32 [tilespmem:s16], [sflag:$0x5], $0x80, s7, s15, $0xb8;
	[tilespmem:$0x1CC00] =	vst v63  }
0xa7: {  	_ =	swait.ge [sflag:s13], $0x2000  }
0xa8: {  	[sflag:s13] =	ssyncset.done $0x0  }
0xa9: {  	[sflag:s13] =	ssyncadd.s32 $0xFFFFE000  }
0xaa: {  	_ =	swait.ge [sflag:s24], $0x2000  }
0xab: {  	[sflag:s24] =	ssyncset.done $0x0  }
0xac: {  	[sflag:s24] =	ssyncadd.s32 $0xFFFFE000  }
0xad: {  	[spmem:s1] =	stream.indirect.scatter.add.f32 [tilespmem:s18], [sflag:$0x5], $0x80, s10, s15, $0xb8;
	[tilespmem:$0x1CC00] =	vst v63  }
0xae: {  	_ =	swait.ge [sflag:s13], $0x2000  }
0xaf: {  	[sflag:s13] =	ssyncset.done $0x0  }
0xb0: {  	[sflag:s13] =	ssyncadd.s32 $0xFFFFE000  }
0xb1: {  	_ =	swait.ge [sflag:s28], $0x2000  }
0xb2: {  	[sflag:s28] =	ssyncset.done $0x0  }
0xb3: {  	[sflag:s28] =	ssyncadd.s32 $0xFFFFE000  }
0xb4: {  	[spmem:s1] =	stream.indirect.scatter.add.f32 [tilespmem:s19], [sflag:$0x5], $0x80, s11, s15, $0xb8;
	[tilespmem:$0x1CC00] =	vst v63  }
0xb5: {  	_ =	swait.ge [sflag:s13], $0x2000  }
0xb6: {  	[sflag:s13] =	ssyncset.done $0x0  }
0xb7: {  	[sflag:s13] =	ssyncadd.s32 $0xFFFFE000  }
0xb8: {  	_ =	swait.ge [sflag:s31], $0x2000  }
0xb9: {  	p2 =	por p1, p1;
	[sflag:s31] =	ssyncset.done $0x0  }
.Ltmp3:
0xba: {  	[sflag:s31] =	ssyncadd.s32 $0xFFFFE000;
	(pc) =	sbr.rel @p2 .LBB2_5-.Ltmp3, $4  }
0xbb: {  	[spmem:s1] =	stream.indirect.scatter.add.f32 [tilespmem:s21], [sflag:$0x5], $0x80, s6, s15, $0xb8;
	[tilespmem:$0x1CC00] =	vst v63  }
0xbc: {  	_ =	swait.ge [sflag:s13], $0x2000  }
0xbd: {  	[sflag:s13] =	ssyncset.done $0x0  }
0xbe: {  	p1 =	por $0x0, $0x0;
	[sflag:s13] =	ssyncadd.s32 $0xFFFFE000  }
.Ltmp4:
0xbf: {  	_ = 	snop;
	(pc) =	sbr.rel .LBB2_6-.Ltmp4, $1  }
0xc0: {  	_ =	sdelay $0x3  }
.LBB2_2:
0xc1: {  	s8 =	rddreg [dreg:$0x4]  }
0xc2: {  	s8 =	sadd.s32 $0x0, s8  }
0xc3: {  	[tilespmem:s3], [sflag:$0x5] =	stream.linear.gather [hbm4b:s8+s3], $0x800, $0x38;
	[tilespmem:$0x1CC00] =	vst v63  }
0xc4: {  	_ =	swait.ge [sflag:s13], $0x800  }
0xc5: {  	s5 =	rddreg [dreg:$0x3];
	[sflag:s13] =	ssyncset.done $0x0  }
0xc6: {  	[sflag:s13] =	ssyncadd.s32 $0xFFFFF800;
	s8 =	sadd.s32 $0x0, s5  }
0xc7: {  	[tilespmem:s14], [sflag:$0x5] =	stream.linear.gather [hbm4b:s8+s3], $0x800, $0x38;
	[tilespmem:$0x1CC00] =	vst v63  }
0xc8: {  	_ =	swait.ge [sflag:s13], $0x800  }
0xc9: {  	[sflag:s13] =	ssyncset.done $0x0  }
0xca: {  	[sflag:s13] =	ssyncadd.s32 $0xFFFFF800  }
0xcb: {  	[tilespmem:s16], [sflag:$0x1] =	stream.indirect.gather [hbm4b:s4+s15], $0x80, s3, s15, $0xb8;
	[tilespmem:$0x1CC00] =	vst v63  }
0xcc: {  	s5 =	simm.s32 $0x80  }
0xcd: {  	[tilespmem:s18], [sflag:$0x2] =	stream.indirect.gather [hbm4b:s4+s15], $0x80, s5, s15, $0xb8;
	[tilespmem:$0x1CC00] =	vst v63  }
0xce: {  	s12 =	rddreg [dreg:$0x5]  }
0xcf: {  	[tilespmem:s19], [sflag:$0x3] =	stream.indirect.gather [hbm4b:s4+s15], $0x80, s12, s15, $0xb8;
	[tilespmem:$0x1CC00] =	vst v63  }
0xd0: {  	s8 =	simm.s32 $0x180  }
0xd1: {  	[tilespmem:s21], [sflag:$0x4] =	stream.indirect.gather [hbm4b:s4+s15], $0x80, s8, s15, $0xb8;
	[tilespmem:$0x1CC00] =	vst v63  }
0xd2: {  	_ =	swait.ge [sflag:s22], $0x2000  }
0xd3: {  	[sflag:s22] =	ssyncset.done $0x0  }
0xd4: {  	[sflag:s22] =	ssyncadd.s32 $0xFFFFE000  }
0xd5: {  	[spmem:s1] =	stream.indirect.scatter.add.f32 [tilespmem:s16], [sflag:$0x5], $0x80, s14, s15, $0xb8;
	[tilespmem:$0x1CC00] =	vst v63  }
0xd6: {  	_ =	swait.ge [sflag:s13], $0x2000  }
0xd7: {  	[sflag:s13] =	ssyncset.done $0x0  }
0xd8: {  	s12 =	simm.s32 $0x200;
	[sflag:s13] =	ssyncadd.s32 $0xFFFFE000  }
0xd9: {  	[tilespmem:s16], [sflag:$0x1] =	stream.indirect.gather [hbm4b:s4+s15], $0x80, s12, s15, $0xb8;
	[tilespmem:$0x1CC00] =	vst v63  }
0xda: {  	_ =	swait.ge [sflag:s24], $0x2000  }
0xdb: {  	[sflag:s24] =	ssyncset.done $0x0  }
0xdc: {  	s8 =	simm.s32 $0x880;
	[sflag:s24] =	ssyncadd.s32 $0xFFFFE000  }
0xdd: {  	[spmem:s1] =	stream.indirect.scatter.add.f32 [tilespmem:s18], [sflag:$0x5], $0x80, s8, s15, $0xb8;
	[tilespmem:$0x1CC00] =	vst v63  }
0xde: {  	_ =	swait.ge [sflag:s13], $0x2000  }
0xdf: {  	[sflag:s13] =	ssyncset.done $0x0  }
0xe0: {  	s12 =	simm.s32 $0x280;
	[sflag:s13] =	ssyncadd.s32 $0xFFFFE000  }
0xe1: {  	[tilespmem:s18], [sflag:$0x2] =	stream.indirect.gather [hbm4b:s4+s15], $0x80, s12, s15, $0xb8;
	[tilespmem:$0x1CC00] =	vst v63  }
0xe2: {  	_ =	swait.ge [sflag:s28], $0x2000  }
0xe3: {  	[sflag:s28] =	ssyncset.done $0x0  }
0xe4: {  	s8 =	simm.s32 $0x900;
	[sflag:s28] =	ssyncadd.s32 $0xFFFFE000  }
0xe5: {  	[spmem:s1] =	stream.indirect.scatter.add.f32 [tilespmem:s19], [sflag:$0x5], $0x80, s8, s15, $0xb8;
	[tilespmem:$0x1CC00] =	vst v63  }
0xe6: {  	_ =	swait.ge [sflag:s13], $0x2000  }
0xe7: {  	[sflag:s13] =	ssyncset.done $0x0  }
0xe8: {  	s12 =	simm.s32 $0x300;
	[sflag:s13] =	ssyncadd.s32 $0xFFFFE000  }
0xe9: {  	[tilespmem:s19], [sflag:$0x3] =	stream.indirect.gather [hbm4b:s4+s15], $0x80, s12, s15, $0xb8;
	[tilespmem:$0x1CC00] =	vst v63  }
0xea: {  	_ =	swait.ge [sflag:s31], $0x2000  }
0xeb: {  	[sflag:s31] =	ssyncset.done $0x0  }
0xec: {  	s8 =	simm.s32 $0x980;
	[sflag:s31] =	ssyncadd.s32 $0xFFFFE000  }
0xed: {  	[spmem:s1] =	stream.indirect.scatter.add.f32 [tilespmem:s21], [sflag:$0x5], $0x80, s8, s15, $0xb8;
	[tilespmem:$0x1CC00] =	vst v63  }
0xee: {  	_ =	swait.ge [sflag:s13], $0x2000  }
0xef: {  	[sflag:s13] =	ssyncset.done $0x0  }
0xf0: {  	s12 =	simm.s32 $0x380;
	[sflag:s13] =	ssyncadd.s32 $0xFFFFE000  }
0xf1: {  	[tilespmem:s21], [sflag:$0x4] =	stream.indirect.gather [hbm4b:s4+s15], $0x80, s12, s15, $0xb8;
	[tilespmem:$0x1CC00] =	vst v63  }
0xf2: {  	_ =	swait.ge [sflag:s22], $0x2000  }
0xf3: {  	[sflag:s22] =	ssyncset.done $0x0  }
0xf4: {  	s8 =	simm.s32 $0xA00;
	[sflag:s22] =	ssyncadd.s32 $0xFFFFE000  }
0xf5: {  	[spmem:s1] =	stream.indirect.scatter.add.f32 [tilespmem:s16], [sflag:$0x5], $0x80, s8, s15, $0xb8;
	[tilespmem:$0x1CC00] =	vst v63  }
0xf6: {  	_ =	swait.ge [sflag:s13], $0x2000  }
0xf7: {  	[sflag:s13] =	ssyncset.done $0x0  }
0xf8: {  	s12 =	simm.s32 $0x400;
	[sflag:s13] =	ssyncadd.s32 $0xFFFFE000  }
0xf9: {  	[tilespmem:s16], [sflag:$0x1] =	stream.indirect.gather [hbm4b:s4+s15], $0x80, s12, s15, $0xb8;
	[tilespmem:$0x1CC00] =	vst v63  }
0xfa: {  	_ =	swait.ge [sflag:s24], $0x2000  }
0xfb: {  	[sflag:s24] =	ssyncset.done $0x0  }
0xfc: {  	s8 =	simm.s32 $0xA80;
	[sflag:s24] =	ssyncadd.s32 $0xFFFFE000  }
0xfd: {  	[spmem:s1] =	stream.indirect.scatter.add.f32 [tilespmem:s18], [sflag:$0x5], $0x80, s8, s15, $0xb8;
	[tilespmem:$0x1CC00] =	vst v63  }
0xfe: {  	_ =	swait.ge [sflag:s13], $0x2000  }
0xff: {  	[sflag:s13] =	ssyncset.done $0x0  }
0x100: {  	s12 =	simm.s32 $0x480;
	[sflag:s13] =	ssyncadd.s32 $0xFFFFE000  }
0x101: {  	[tilespmem:s18], [sflag:$0x2] =	stream.indirect.gather [hbm4b:s4+s15], $0x80, s12, s15, $0xb8;
	[tilespmem:$0x1CC00] =	vst v63  }
0x102: {  	_ =	swait.ge [sflag:s28], $0x2000  }
0x103: {  	[sflag:s28] =	ssyncset.done $0x0  }
0x104: {  	s8 =	simm.s32 $0xB00;
	[sflag:s28] =	ssyncadd.s32 $0xFFFFE000  }
0x105: {  	[spmem:s1] =	stream.indirect.scatter.add.f32 [tilespmem:s19], [sflag:$0x5], $0x80, s8, s15, $0xb8;
	[tilespmem:$0x1CC00] =	vst v63  }
0x106: {  	_ =	swait.ge [sflag:s13], $0x2000  }
0x107: {  	[sflag:s13] =	ssyncset.done $0x0  }
0x108: {  	s12 =	simm.s32 $0x500;
	[sflag:s13] =	ssyncadd.s32 $0xFFFFE000  }
0x109: {  	[tilespmem:s19], [sflag:$0x3] =	stream.indirect.gather [hbm4b:s4+s15], $0x80, s12, s15, $0xb8;
	[tilespmem:$0x1CC00] =	vst v63  }
0x10a: {  	_ =	swait.ge [sflag:s31], $0x2000  }
0x10b: {  	[sflag:s31] =	ssyncset.done $0x0  }
0x10c: {  	[sflag:s31] =	ssyncadd.s32 $0xFFFFE000  }
0x10d: {  	[spmem:s1] =	stream.indirect.scatter.add.f32 [tilespmem:s21], [sflag:$0x5], $0x80, s9, s15, $0xb8;
	[tilespmem:$0x1CC00] =	vst v63  }
0x10e: {  	_ =	swait.ge [sflag:s13], $0x2000  }
0x10f: {  	[sflag:s13] =	ssyncset.done $0x0  }
0x110: {  	[sflag:s13] =	ssyncadd.s32 $0xFFFFE000  }
0x111: {  	[tilespmem:s21], [sflag:$0x4] =	stream.indirect.gather [hbm4b:s4+s15], $0x80, s17, s15, $0xb8;
	[tilespmem:$0x1CC00] =	vst v63  }
0x112: {  	_ =	swait.ge [sflag:s22], $0x2000  }
0x113: {  	[sflag:s22] =	ssyncset.done $0x0  }
0x114: {  	[sflag:s22] =	ssyncadd.s32 $0xFFFFE000  }
0x115: {  	[spmem:s1] =	stream.indirect.scatter.add.f32 [tilespmem:s16], [sflag:$0x5], $0x80, s20, s15, $0xb8;
	[tilespmem:$0x1CC00] =	vst v63  }
0x116: {  	_ =	swait.ge [sflag:s13], $0x2000  }
0x117: {  	[sflag:s13] =	ssyncset.done $0x0  }
0x118: {  	[sflag:s13] =	ssyncadd.s32 $0xFFFFE000  }
0x119: {  	[tilespmem:s16], [sflag:$0x1] =	stream.indirect.gather [hbm4b:s4+s15], $0x80, s23, s15, $0xb8;
	[tilespmem:$0x1CC00] =	vst v63  }
0x11a: {  	_ =	swait.ge [sflag:s24], $0x2000  }
0x11b: {  	[sflag:s24] =	ssyncset.done $0x0  }
0x11c: {  	[sflag:s24] =	ssyncadd.s32 $0xFFFFE000  }
0x11d: {  	[spmem:s1] =	stream.indirect.scatter.add.f32 [tilespmem:s18], [sflag:$0x5], $0x80, s25, s15, $0xb8;
	[tilespmem:$0x1CC00] =	vst v63  }
0x11e: {  	_ =	swait.ge [sflag:s13], $0x2000  }
0x11f: {  	[sflag:s13] =	ssyncset.done $0x0  }
0x120: {  	[sflag:s13] =	ssyncadd.s32 $0xFFFFE000  }
0x121: {  	[tilespmem:s18], [sflag:$0x2] =	stream.indirect.gather [hbm4b:s4+s15], $0x80, s26, s15, $0xb8;
	[tilespmem:$0x1CC00] =	vst v63  }
0x122: {  	_ =	swait.ge [sflag:s28], $0x2000  }
0x123: {  	[sflag:s28] =	ssyncset.done $0x0  }
0x124: {  	[sflag:s28] =	ssyncadd.s32 $0xFFFFE000  }
0x125: {  	[spmem:s1] =	stream.indirect.scatter.add.f32 [tilespmem:s19], [sflag:$0x5], $0x80, s29, s15, $0xb8;
	[tilespmem:$0x1CC00] =	vst v63  }
0x126: {  	_ =	swait.ge [sflag:s13], $0x2000  }
0x127: {  	[sflag:s13] =	ssyncset.done $0x0  }
0x128: {  	[sflag:s13] =	ssyncadd.s32 $0xFFFFE000  }
0x129: {  	[tilespmem:s19], [sflag:$0x3] =	stream.indirect.gather [hbm4b:s4+s15], $0x80, s30, s15, $0xb8;
	[tilespmem:$0x1CC00] =	vst v63  }
0x12a: {  	_ =	swait.ge [sflag:s31], $0x2000  }
0x12b: {  	[sflag:s31] =	ssyncset.done $0x0  }
0x12c: {  	[sflag:s31] =	ssyncadd.s32 $0xFFFFE000  }
0x12d: {  	[spmem:s1] =	stream.indirect.scatter.add.f32 [tilespmem:s21], [sflag:$0x5], $0x80, s0, s15, $0xb8;
	[tilespmem:$0x1CC00] =	vst v63  }
0x12e: {  	_ =	swait.ge [sflag:s13], $0x2000  }
0x12f: {  	[sflag:s13] =	ssyncset.done $0x0  }
0x130: {  	[sflag:s13] =	ssyncadd.s32 $0xFFFFE000  }
0x131: {  	[tilespmem:s21], [sflag:$0x4] =	stream.indirect.gather [hbm4b:s4+s15], $0x80, s2, s15, $0xb8;
	[tilespmem:$0x1CC00] =	vst v63  }
0x132: {  	_ =	swait.ge [sflag:s22], $0x2000  }
0x133: {  	[sflag:s22] =	ssyncset.done $0x0  }
0x134: {  	[sflag:s22] =	ssyncadd.s32 $0xFFFFE000  }
0x135: {  	[spmem:s1] =	stream.indirect.scatter.add.f32 [tilespmem:s16], [sflag:$0x5], $0x80, s7, s15, $0xb8;
	[tilespmem:$0x1CC00] =	vst v63  }
0x136: {  	_ =	swait.ge [sflag:s13], $0x2000  }
0x137: {  	[sflag:s13] =	ssyncset.done $0x0  }
0x138: {  	[sflag:s13] =	ssyncadd.s32 $0xFFFFE000  }
0x139: {  	_ =	swait.ge [sflag:s24], $0x2000  }
0x13a: {  	[sflag:s24] =	ssyncset.done $0x0  }
0x13b: {  	[sflag:s24] =	ssyncadd.s32 $0xFFFFE000  }
0x13c: {  	[spmem:s1] =	stream.indirect.scatter.add.f32 [tilespmem:s18], [sflag:$0x5], $0x80, s10, s15, $0xb8;
	[tilespmem:$0x1CC00] =	vst v63  }
0x13d: {  	_ =	swait.ge [sflag:s13], $0x2000  }
0x13e: {  	[sflag:s13] =	ssyncset.done $0x0  }
0x13f: {  	[sflag:s13] =	ssyncadd.s32 $0xFFFFE000  }
0x140: {  	_ =	swait.ge [sflag:s28], $0x2000  }
0x141: {  	[sflag:s28] =	ssyncset.done $0x0  }
0x142: {  	[sflag:s28] =	ssyncadd.s32 $0xFFFFE000  }
0x143: {  	[spmem:s1] =	stream.indirect.scatter.add.f32 [tilespmem:s19], [sflag:$0x5], $0x80, s11, s15, $0xb8;
	[tilespmem:$0x1CC00] =	vst v63  }
0x144: {  	_ =	swait.ge [sflag:s13], $0x2000  }
0x145: {  	[sflag:s13] =	ssyncset.done $0x0  }
0x146: {  	[sflag:s13] =	ssyncadd.s32 $0xFFFFE000  }
0x147: {  	_ =	swait.ge [sflag:s31], $0x2000  }
0x148: {  	[sflag:s31] =	ssyncset.done $0x0  }
0x149: {  	[sflag:s31] =	ssyncadd.s32 $0xFFFFE000  }
0x14a: {  	[spmem:s1] =	stream.indirect.scatter.add.f32 [tilespmem:s21], [sflag:$0x5], $0x80, s6, s15, $0xb8;
	[tilespmem:$0x1CC00] =	vst v63  }
0x14b: {  	s8 =	simm.s32 $0x100;
	_ =	swait.ge [sflag:s13], $0x2000  }
.LBB2_3:
0x14c: {  	s12 =	rddreg [dreg:$0x4];
	s5 =	smov.u32 s8;
	[sflag:s13] =	ssyncset.done $0x0  }
0x14d: {  	s12 =	sadd.s32 s5, s12;
	[sflag:s13] =	ssyncadd.s32 $0xFFFFE000  }
0x14e: {  	[tilespmem:s3], [sflag:$0x5] =	stream.linear.gather [hbm4b:s12+s3], $0x800, $0x38;
	[tilespmem:$0x1CC00] =	vst v63  }
0x14f: {  	_ =	swait.ge [sflag:s13], $0x800  }
0x150: {  	s12 =	rddreg [dreg:$0x3];
	[sflag:s13] =	ssyncset.done $0x0  }
0x151: {  	[sflag:s13] =	ssyncadd.s32 $0xFFFFF800;
	s5 =	sadd.s32 s5, s12  }
0x152: {  	[tilespmem:s14], [sflag:$0x5] =	stream.linear.gather [hbm4b:s5+s3], $0x800, $0x38;
	[tilespmem:$0x1CC00] =	vst v63  }
0x153: {  	_ =	swait.ge [sflag:s13], $0x800  }
0x154: {  	[sflag:s13] =	ssyncset.done $0x0  }
0x155: {  	[sflag:s13] =	ssyncadd.s32 $0xFFFFF800  }
0x156: {  	[tilespmem:s16], [sflag:$0x1] =	stream.indirect.gather [hbm4b:s4+s15], $0x80, s3, s15, $0xb8;
	[tilespmem:$0x1CC00] =	vst v63  }
0x157: {  	s12 =	simm.s32 $0x80  }
0x158: {  	[tilespmem:s18], [sflag:$0x2] =	stream.indirect.gather [hbm4b:s4+s15], $0x80, s12, s15, $0xb8;
	[tilespmem:$0x1CC00] =	vst v63  }
0x159: {  	s5 =	rddreg [dreg:$0x5]  }
0x15a: {  	[tilespmem:s19], [sflag:$0x3] =	stream.indirect.gather [hbm4b:s4+s15], $0x80, s5, s15, $0xb8;
	[tilespmem:$0x1CC00] =	vst v63  }
0x15b: {  	s12 =	simm.s32 $0x180  }
0x15c: {  	[tilespmem:s21], [sflag:$0x4] =	stream.indirect.gather [hbm4b:s4+s15], $0x80, s12, s15, $0xb8;
	[tilespmem:$0x1CC00] =	vst v63  }
0x15d: {  	_ =	swait.ge [sflag:s22], $0x2000  }
0x15e: {  	[sflag:s22] =	ssyncset.done $0x0  }
0x15f: {  	[sflag:s22] =	ssyncadd.s32 $0xFFFFE000  }
0x160: {  	[spmem:s1] =	stream.indirect.scatter.add.f32 [tilespmem:s16], [sflag:$0x5], $0x80, s14, s15, $0xb8;
	[tilespmem:$0x1CC00] =	vst v63  }
0x161: {  	_ =	swait.ge [sflag:s13], $0x2000  }
0x162: {  	[sflag:s13] =	ssyncset.done $0x0  }
0x163: {  	s12 =	simm.s32 $0x200;
	[sflag:s13] =	ssyncadd.s32 $0xFFFFE000  }
0x164: {  	[tilespmem:s16], [sflag:$0x1] =	stream.indirect.gather [hbm4b:s4+s15], $0x80, s12, s15, $0xb8;
	[tilespmem:$0x1CC00] =	vst v63  }
0x165: {  	_ =	swait.ge [sflag:s24], $0x2000  }
0x166: {  	[sflag:s24] =	ssyncset.done $0x0  }
0x167: {  	s12 =	simm.s32 $0x880;
	[sflag:s24] =	ssyncadd.s32 $0xFFFFE000  }
0x168: {  	[spmem:s1] =	stream.indirect.scatter.add.f32 [tilespmem:s18], [sflag:$0x5], $0x80, s12, s15, $0xb8;
	[tilespmem:$0x1CC00] =	vst v63  }
0x169: {  	_ =	swait.ge [sflag:s13], $0x2000  }
0x16a: {  	[sflag:s13] =	ssyncset.done $0x0  }
0x16b: {  	s12 =	simm.s32 $0x280;
	[sflag:s13] =	ssyncadd.s32 $0xFFFFE000  }
0x16c: {  	[tilespmem:s18], [sflag:$0x2] =	stream.indirect.gather [hbm4b:s4+s15], $0x80, s12, s15, $0xb8;
	[tilespmem:$0x1CC00] =	vst v63  }
0x16d: {  	_ =	swait.ge [sflag:s28], $0x2000  }
0x16e: {  	[sflag:s28] =	ssyncset.done $0x0  }
0x16f: {  	s12 =	simm.s32 $0x900;
	[sflag:s28] =	ssyncadd.s32 $0xFFFFE000  }
0x170: {  	[spmem:s1] =	stream.indirect.scatter.add.f32 [tilespmem:s19], [sflag:$0x5], $0x80, s12, s15, $0xb8;
	[tilespmem:$0x1CC00] =	vst v63  }
0x171: {  	_ =	swait.ge [sflag:s13], $0x2000  }
0x172: {  	[sflag:s13] =	ssyncset.done $0x0  }
0x173: {  	s12 =	simm.s32 $0x300;
	[sflag:s13] =	ssyncadd.s32 $0xFFFFE000  }
0x174: {  	[tilespmem:s19], [sflag:$0x3] =	stream.indirect.gather [hbm4b:s4+s15], $0x80, s12, s15, $0xb8;
	[tilespmem:$0x1CC00] =	vst v63  }
0x175: {  	_ =	swait.ge [sflag:s31], $0x2000  }
0x176: {  	[sflag:s31] =	ssyncset.done $0x0  }
0x177: {  	s12 =	simm.s32 $0x980;
	[sflag:s31] =	ssyncadd.s32 $0xFFFFE000  }
0x178: {  	[spmem:s1] =	stream.indirect.scatter.add.f32 [tilespmem:s21], [sflag:$0x5], $0x80, s12, s15, $0xb8;
	[tilespmem:$0x1CC00] =	vst v63  }
0x179: {  	_ =	swait.ge [sflag:s13], $0x2000  }
0x17a: {  	[sflag:s13] =	ssyncset.done $0x0  }
0x17b: {  	s12 =	simm.s32 $0x380;
	[sflag:s13] =	ssyncadd.s32 $0xFFFFE000  }
0x17c: {  	[tilespmem:s21], [sflag:$0x4] =	stream.indirect.gather [hbm4b:s4+s15], $0x80, s12, s15, $0xb8;
	[tilespmem:$0x1CC00] =	vst v63  }
0x17d: {  	_ =	swait.ge [sflag:s22], $0x2000  }
0x17e: {  	[sflag:s22] =	ssyncset.done $0x0  }
0x17f: {  	s12 =	simm.s32 $0xA00;
	[sflag:s22] =	ssyncadd.s32 $0xFFFFE000  }
0x180: {  	[spmem:s1] =	stream.indirect.scatter.add.f32 [tilespmem:s16], [sflag:$0x5], $0x80, s12, s15, $0xb8;
	[tilespmem:$0x1CC00] =	vst v63  }
0x181: {  	_ =	swait.ge [sflag:s13], $0x2000  }
0x182: {  	[sflag:s13] =	ssyncset.done $0x0  }
0x183: {  	s12 =	simm.s32 $0x400;
	[sflag:s13] =	ssyncadd.s32 $0xFFFFE000  }
0x184: {  	[tilespmem:s16], [sflag:$0x1] =	stream.indirect.gather [hbm4b:s4+s15], $0x80, s12, s15, $0xb8;
	[tilespmem:$0x1CC00] =	vst v63  }
0x185: {  	_ =	swait.ge [sflag:s24], $0x2000  }
0x186: {  	[sflag:s24] =	ssyncset.done $0x0  }
0x187: {  	s12 =	simm.s32 $0xA80;
	[sflag:s24] =	ssyncadd.s32 $0xFFFFE000  }
0x188: {  	[spmem:s1] =	stream.indirect.scatter.add.f32 [tilespmem:s18], [sflag:$0x5], $0x80, s12, s15, $0xb8;
	[tilespmem:$0x1CC00] =	vst v63  }
0x189: {  	_ =	swait.ge [sflag:s13], $0x2000  }
0x18a: {  	[sflag:s13] =	ssyncset.done $0x0  }
0x18b: {  	s12 =	simm.s32 $0x480;
	[sflag:s13] =	ssyncadd.s32 $0xFFFFE000  }
0x18c: {  	[tilespmem:s18], [sflag:$0x2] =	stream.indirect.gather [hbm4b:s4+s15], $0x80, s12, s15, $0xb8;
	[tilespmem:$0x1CC00] =	vst v63  }
0x18d: {  	_ =	swait.ge [sflag:s28], $0x2000  }
0x18e: {  	[sflag:s28] =	ssyncset.done $0x0  }
0x18f: {  	s12 =	simm.s32 $0xB00;
	[sflag:s28] =	ssyncadd.s32 $0xFFFFE000  }
0x190: {  	[spmem:s1] =	stream.indirect.scatter.add.f32 [tilespmem:s19], [sflag:$0x5], $0x80, s12, s15, $0xb8;
	[tilespmem:$0x1CC00] =	vst v63  }
0x191: {  	_ =	swait.ge [sflag:s13], $0x2000  }
0x192: {  	[sflag:s13] =	ssyncset.done $0x0  }
0x193: {  	s12 =	simm.s32 $0x500;
	[sflag:s13] =	ssyncadd.s32 $0xFFFFE000  }
0x194: {  	[tilespmem:s19], [sflag:$0x3] =	stream.indirect.gather [hbm4b:s4+s15], $0x80, s12, s15, $0xb8;
	[tilespmem:$0x1CC00] =	vst v63  }
0x195: {  	_ =	swait.ge [sflag:s31], $0x2000  }
0x196: {  	[sflag:s31] =	ssyncset.done $0x0  }
0x197: {  	[sflag:s31] =	ssyncadd.s32 $0xFFFFE000  }
0x198: {  	[spmem:s1] =	stream.indirect.scatter.add.f32 [tilespmem:s21], [sflag:$0x5], $0x80, s9, s15, $0xb8;
	[tilespmem:$0x1CC00] =	vst v63  }
0x199: {  	_ =	swait.ge [sflag:s13], $0x2000  }
0x19a: {  	[sflag:s13] =	ssyncset.done $0x0  }
0x19b: {  	[sflag:s13] =	ssyncadd.s32 $0xFFFFE000  }
0x19c: {  	[tilespmem:s21], [sflag:$0x4] =	stream.indirect.gather [hbm4b:s4+s15], $0x80, s17, s15, $0xb8;
	[tilespmem:$0x1CC00] =	vst v63  }
0x19d: {  	_ =	swait.ge [sflag:s22], $0x2000  }
0x19e: {  	[sflag:s22] =	ssyncset.done $0x0  }
0x19f: {  	[sflag:s22] =	ssyncadd.s32 $0xFFFFE000  }
0x1a0: {  	[spmem:s1] =	stream.indirect.scatter.add.f32 [tilespmem:s16], [sflag:$0x5], $0x80, s20, s15, $0xb8;
	[tilespmem:$0x1CC00] =	vst v63  }
0x1a1: {  	_ =	swait.ge [sflag:s13], $0x2000  }
0x1a2: {  	[sflag:s13] =	ssyncset.done $0x0  }
0x1a3: {  	[sflag:s13] =	ssyncadd.s32 $0xFFFFE000  }
0x1a4: {  	[tilespmem:s16], [sflag:$0x1] =	stream.indirect.gather [hbm4b:s4+s15], $0x80, s23, s15, $0xb8;
	[tilespmem:$0x1CC00] =	vst v63  }
0x1a5: {  	_ =	swait.ge [sflag:s24], $0x2000  }
0x1a6: {  	[sflag:s24] =	ssyncset.done $0x0  }
0x1a7: {  	[sflag:s24] =	ssyncadd.s32 $0xFFFFE000  }
0x1a8: {  	[spmem:s1] =	stream.indirect.scatter.add.f32 [tilespmem:s18], [sflag:$0x5], $0x80, s25, s15, $0xb8;
	[tilespmem:$0x1CC00] =	vst v63  }
0x1a9: {  	_ =	swait.ge [sflag:s13], $0x2000  }
0x1aa: {  	[sflag:s13] =	ssyncset.done $0x0  }
0x1ab: {  	[sflag:s13] =	ssyncadd.s32 $0xFFFFE000  }
0x1ac: {  	[tilespmem:s18], [sflag:$0x2] =	stream.indirect.gather [hbm4b:s4+s15], $0x80, s26, s15, $0xb8;
	[tilespmem:$0x1CC00] =	vst v63  }
0x1ad: {  	_ =	swait.ge [sflag:s28], $0x2000  }
0x1ae: {  	[sflag:s28] =	ssyncset.done $0x0  }
0x1af: {  	[sflag:s28] =	ssyncadd.s32 $0xFFFFE000  }
0x1b0: {  	[spmem:s1] =	stream.indirect.scatter.add.f32 [tilespmem:s19], [sflag:$0x5], $0x80, s29, s15, $0xb8;
	[tilespmem:$0x1CC00] =	vst v63  }
0x1b1: {  	_ =	swait.ge [sflag:s13], $0x2000  }
0x1b2: {  	[sflag:s13] =	ssyncset.done $0x0  }
0x1b3: {  	[sflag:s13] =	ssyncadd.s32 $0xFFFFE000  }
0x1b4: {  	[tilespmem:s19], [sflag:$0x3] =	stream.indirect.gather [hbm4b:s4+s15], $0x80, s30, s15, $0xb8;
	[tilespmem:$0x1CC00] =	vst v63  }
0x1b5: {  	_ =	swait.ge [sflag:s31], $0x2000  }
0x1b6: {  	[sflag:s31] =	ssyncset.done $0x0  }
0x1b7: {  	[sflag:s31] =	ssyncadd.s32 $0xFFFFE000  }
0x1b8: {  	[spmem:s1] =	stream.indirect.scatter.add.f32 [tilespmem:s21], [sflag:$0x5], $0x80, s0, s15, $0xb8;
	[tilespmem:$0x1CC00] =	vst v63  }
0x1b9: {  	_ =	swait.ge [sflag:s13], $0x2000  }
0x1ba: {  	[sflag:s13] =	ssyncset.done $0x0  }
0x1bb: {  	[sflag:s13] =	ssyncadd.s32 $0xFFFFE000  }
0x1bc: {  	[tilespmem:s21], [sflag:$0x4] =	stream.indirect.gather [hbm4b:s4+s15], $0x80, s2, s15, $0xb8;
	[tilespmem:$0x1CC00] =	vst v63  }
0x1bd: {  	_ =	swait.ge [sflag:s22], $0x2000  }
0x1be: {  	[sflag:s22] =	ssyncset.done $0x0  }
0x1bf: {  	[sflag:s22] =	ssyncadd.s32 $0xFFFFE000  }
0x1c0: {  	[spmem:s1] =	stream.indirect.scatter.add.f32 [tilespmem:s16], [sflag:$0x5], $0x80, s7, s15, $0xb8;
	[tilespmem:$0x1CC00] =	vst v63  }
0x1c1: {  	_ =	swait.ge [sflag:s13], $0x2000  }
0x1c2: {  	[sflag:s13] =	ssyncset.done $0x0  }
0x1c3: {  	[sflag:s13] =	ssyncadd.s32 $0xFFFFE000  }
0x1c4: {  	_ =	swait.ge [sflag:s24], $0x2000  }
0x1c5: {  	[sflag:s24] =	ssyncset.done $0x0  }
0x1c6: {  	[sflag:s24] =	ssyncadd.s32 $0xFFFFE000  }
0x1c7: {  	[spmem:s1] =	stream.indirect.scatter.add.f32 [tilespmem:s18], [sflag:$0x5], $0x80, s10, s15, $0xb8;
	[tilespmem:$0x1CC00] =	vst v63  }
0x1c8: {  	_ =	swait.ge [sflag:s13], $0x2000  }
0x1c9: {  	[sflag:s13] =	ssyncset.done $0x0  }
0x1ca: {  	[sflag:s13] =	ssyncadd.s32 $0xFFFFE000  }
0x1cb: {  	_ =	swait.ge [sflag:s28], $0x2000  }
0x1cc: {  	[sflag:s28] =	ssyncset.done $0x0  }
0x1cd: {  	[sflag:s28] =	ssyncadd.s32 $0xFFFFE000  }
0x1ce: {  	[spmem:s1] =	stream.indirect.scatter.add.f32 [tilespmem:s19], [sflag:$0x5], $0x80, s11, s15, $0xb8;
	[tilespmem:$0x1CC00] =	vst v63  }
0x1cf: {  	_ =	swait.ge [sflag:s13], $0x2000  }
0x1d0: {  	[sflag:s13] =	ssyncset.done $0x0  }
0x1d1: {  	p1 =	seq.s32 s8, $0x1100;
	[sflag:s13] =	ssyncadd.s32 $0xFFFFE000  }
.Ltmp5:
0x1d2: {  	_ =	swait.ge [sflag:s31], $0x2000;
	(pc) =	sbr.rel @!p1 .LBB2_3-.Ltmp5, $4  }
0x1d3: {  	[sflag:s31] =	ssyncset.done $0x0  }
0x1d4: {  	[sflag:s31] =	ssyncadd.s32 $0xFFFFE000  }
0x1d5: {  	[spmem:s1] =	stream.indirect.scatter.add.f32 [tilespmem:s21], [sflag:$0x5], $0x80, s6, s15, $0xb8;
	[tilespmem:$0x1CC00] =	vst v63  }
0x1d6: {  	s8 =	sadd.s32 $0x100, s8;
	_ =	swait.ge [sflag:s13], $0x2000  }
.Ltmp6:
0x1d7: {  	_ = 	snop;
	(pc) =	sbr.rel .LBB2_4-.Ltmp6, $1  }
0x1d8: {  	_ =	sdelay $0x3  }
.LBB2_7:
0x1d9: {  	_ =	sfence.sel $0x180000  }
0x1da: {  	[bflag:$0x0] =	sbarrier.arrive $0xFFFF  }
0x1db: {  	_ =	strace $0x9000004A  }
0x1dc: {  	s0 =	stileid.u32;
	[bflag:$0x2] =	sbarrier.arrive $0xFFFF  }
0x1dd: {  	p0 =	sne.s32 s0, $0x0;
	s0 =	rddreg [dreg:$0x2]  }
0x1de: {  	s0 =	sadd.s32 @!p0 $0x100000, s0  }
0x1df: {  	[sflag:s0] =	ssyncadd.tile.s32 @!p0 $0x1;
	_ =	shalt  }
.Lfunc_end2:
_tile_overlayer_lowered:
.L_overlay_start_2:
0x1e0: {  	(tag) =	ssettag $0x2  }
0x1e1: {  	s0 =	rddreg [dreg:$0x0];
	s2 =	stileid.u32  }
0x1e2: {  	s1 =	rddreg [dreg:$0x1];
	p0 =	sne.s32 s2, $0x0  }
0x1e3: {  	s3 =	rddreg [dreg:$0x2];
	[bflag:$0x3] =	sbarrier.arrive $0xFFFF;
	s2 =	simm.s32 @!p0 $0x1C05  }
0x1e4: {  	[timem:s3], [sflag:s2] =	dma.local @!p0 [hbm:s0], s1  }
0x1e5: {  	s0 =	simm.s32 @!p0 $0x5  }
0x1e6: {  	_ =	swait.ge @!p0 [sflag:s0], s1  }
0x1e7: {  	s1 =	ssub.s32 @!p0 $0x0, s1;
	[sflag:s0] =	ssyncset.done @!p0 $0x0  }
0x1e8: {  	[sflag:s0] =	ssyncadd.s32 @!p0 s1  }
0x1e9: {  	[bflag:$0x3] =	sbarrier.arrive $0xFFFF  }
0x1ea: {  	_ =	shalt  }

// kernel: kernel.15.cloned.1.call-start
scs
__scs_entry_jumppad:
0x0: {  	(pc) =	sbr.rel $0x88, $3  }
0x1: {  	(tag) =	ssettag $0x0;
	lr =	simm.s32 $0x1  }
0x2: {  	[smem:$0x3F9B] =	sst lr;
	_ =	strace $0xD0000000  }
0x3: {  	_ = 	snop  }
0x4: {  	_ = 	snop  }
0x5: {  	_ = 	snop  }
0x6: {  	_ = 	snop  }
0x7: {  	_ = 	snop  }
__scs_overlays_trampoline_lowered:
0x8: {  	[smem:$0x3FAA] =	sst s0  }
0x9: {  	[smem:$0x3FAB] =	sst s1  }
0xa: {  	[smem:$0x3FAC] =	sst s2  }
0xb: {  	[smem:$0x3FAD] =	sst s3  }
0xc: {  	[smem:$0x3FAE] =	sst s4  }
0xd: {  	[smem:$0x3FAF] =	sst s5  }
0xe: {  	[smem:$0x3FB0] =	sst s6  }
0xf: {  	[smem:$0x3FB1] =	sst s7  }
0x10: {  	[smem:$0x3FB2] =	sst s8  }
0x11: {  	[smem:$0x3FB3] =	sst s9;
	s0 =	simm.s32 @!p0 $0x0  }
0x12: {  	s1 =	sld [smem:$0x3F99];
	s0 =	simm.s32 @p0 $0x1  }
0x13: {  	[smem:$0x3FB4] =	sst s0;
	s0 =	simm.s32 @!p1 $0x0  }
0x14: {  	s2 =	sld [smem:$0x3F98];
	s0 =	simm.s32 @p1 $0x1  }
0x15: {  	[smem:$0x3FB5] =	sst s0;
	s0 =	simm.s32 @!p2 $0x0  }
0x16: {  	s3 =	sld [smem:$0x3FDB];
	s0 =	simm.s32 @p2 $0x1  }
0x17: {  	s4 =	simm.s32 $0x1BF5;
	[smem:$0x3FB7] =	sst s0  }
0x18: {  	s0 =	sld [smem:$0x3F9A];
	_ =	swait.ge [sflag:s4], $0x0  }
0x19: {  	s7 =	sld [smem:$0x3F9B]  }
0x1a: {  	s8 =	sadd.s32 $0xFFFFE003, lr  }
0x1b: {  	s9 =	sadd.s32 $0xFFFFFEF7, lr;
	s5 =	simm.s32 $0xFFFFFFFF;
	p2 =	slt.u32 s8, $0xFFFFF086  }
0x1c: {  	p1 =	slt.u32 s9, $0xF7A;
	s5 =	simm.s32 @!p2 $0x0  }
0x1d: {  	s5 =	simm.s32 @p1 $0x1;
	p0 =	seq.s32 s7, s2  }
0x1e: {  	s7 =	smul.u32 @!p0 $0xF7A, s2;
	p2 =	seq.s32 @!p0 s5, $0x0  }
0x1f: {  	s9 =	smul.u32 $0xF7A, s1;
	s8 =	simm.s32 @!p0 $0x1BF5;
	p2 =	por !p2, p0  }
0x20: {  	[sflag:s8] =	ssyncset.s32 @!p0 $0xFFFFF086;
	s6 =	sadd.s32 @!p0 s3, s7;
	s7 =	simm.s32 @!p0 $0x108  }
0x21: {  	s3 =	sadd.s32 s3, s9;
	s6 =	sadd.s32 @!p0 $0x88, s6;
	s7 =	simm.s32 @p2 $0x1082  }
0x22: {  	[simem:s7], [sflag:s8] =	dma.local @!p0 [hbm:s6], $0xF7A  }
0x23: {  	s9 =	sor.u32 $0xD0000000, s2;
	s6 =	simm.s32 $0x108;
	_ =	swait.ge @!p0 [sflag:s8], $0x0  }
0x24: {  	s3 =	sadd.s32 $0x88, s3;
	s6 =	simm.s32 @!p1 $0x1082;
	[sflag:s4] =	ssyncset.s32 $0xFFFFF086  }
0x25: {  	[simem:s6], [sflag:s4] =	dma.local [hbm:s3], $0xF7A  }
0x26: {  	[smem:$0x3F9B] =	sst s1;
	(tag) =	ssettag s2;
	_ =	strace s9  }
0x27: {  	s1 =	sld [smem:$0x3FAB]  }
0x28: {  	s2 =	sld [smem:$0x3FAC]  }
0x29: {  	s4 =	sld [smem:$0x3FAE]  }
0x2a: {  	p0 =	seq.s32 s5, $0x0;
	s5 =	sld [smem:$0x3FAF]  }
0x2b: {  	s6 =	sld [smem:$0x3FB0]  }
0x2c: {  	s7 =	sld [smem:$0x3FB1]  }
0x2d: {  	s3 =	simm.s32 $0x108;
	s8 =	sld [smem:$0x3FB2]  }
0x2e: {  	s3 =	simm.s32 @!p0 $0x1082;
	s9 =	sld [smem:$0x3FB3]  }
0x2f: {  	lr =	sadd.s32 s0, s3;
	s0 =	sld [smem:$0x3FAA]  }
0x30: {  	s3 =	sld [smem:$0x3FAD]  }
0x31: {  	[smem:$0x3FB6] =	sst s10  }
0x32: {  	s10 =	sld [smem:$0x3FB4];
	_ =	sdelay $0x3  }
0x33: {  	p0 =	seq.s32 s10, $0x1;
	s10 =	sld [smem:$0x3FB6];
	_ =	sdelay $0x3  }
0x34: {  	[smem:$0x3FB6] =	sst s10  }
0x35: {  	s10 =	sld [smem:$0x3FB5];
	_ =	sdelay $0x3  }
0x36: {  	p1 =	seq.s32 s10, $0x1;
	s10 =	sld [smem:$0x3FB6];
	_ =	sdelay $0x3  }
0x37: {  	[smem:$0x3FB6] =	sst s10  }
0x38: {  	s10 =	sld [smem:$0x3FB7]  }
0x39: {  	_ = 	snop;
	(pc) =	sbr.ind lr, $3  }
0x3a: {  	_ = 	snop  }
0x3b: {  	_ = 	snop  }
0x3c: {  	p2 =	seq.s32 s10, $0x1;
	s10 =	sld [smem:$0x3FB6]  }
0x3d: {  	_ =	shalt  }
0x3e: {  	_ =	shalt  }
0x3f: {  	_ =	shalt  }
0x40: {  	_ =	shalt  }
0x41: {  	_ =	shalt  }
0x42: {  	_ =	shalt  }
0x43: {  	_ =	shalt  }
0x44: {  	_ =	shalt  }
0x45: {  	_ =	shalt  }
0x46: {  	_ =	shalt  }
0x47: {  	_ =	shalt  }
0x48: {  	_ =	shalt  }
0x49: {  	_ =	shalt  }
0x4a: {  	_ =	shalt  }
0x4b: {  	_ =	shalt  }
0x4c: {  	_ =	shalt  }
0x4d: {  	_ =	shalt  }
0x4e: {  	_ =	shalt  }
0x4f: {  	_ =	shalt  }
0x50: {  	_ =	shalt  }
0x51: {  	_ =	shalt  }
0x52: {  	_ =	shalt  }
0x53: {  	_ =	shalt  }
0x54: {  	_ =	shalt  }
0x55: {  	_ =	shalt  }
0x56: {  	_ =	shalt  }
0x57: {  	_ =	shalt  }
0x58: {  	_ =	shalt  }
0x59: {  	_ =	shalt  }
0x5a: {  	_ =	shalt  }
0x5b: {  	_ =	shalt  }
0x5c: {  	_ =	shalt  }
0x5d: {  	_ =	shalt  }
0x5e: {  	_ =	shalt  }
0x5f: {  	_ =	shalt  }
0x60: {  	_ =	shalt  }
0x61: {  	_ =	shalt  }
0x62: {  	_ =	shalt  }
0x63: {  	_ =	shalt  }
0x64: {  	_ =	shalt  }
0x65: {  	_ =	shalt  }
0x66: {  	_ =	shalt  }
0x67: {  	_ =	shalt  }
0x68: {  	_ =	shalt  }
0x69: {  	_ =	shalt  }
0x6a: {  	_ =	shalt  }
0x6b: {  	_ =	shalt  }
0x6c: {  	_ =	shalt  }
0x6d: {  	_ =	shalt  }
0x6e: {  	_ =	shalt  }
0x6f: {  	_ =	shalt  }
0x70: {  	_ =	shalt  }
0x71: {  	_ =	shalt  }
0x72: {  	_ =	shalt  }
0x73: {  	_ =	shalt  }
0x74: {  	_ =	shalt  }
0x75: {  	_ =	shalt  }
0x76: {  	_ =	shalt  }
0x77: {  	_ =	shalt  }
0x78: {  	_ =	shalt  }
0x79: {  	_ =	shalt  }
0x7a: {  	_ =	shalt  }
0x7b: {  	_ =	shalt  }
0x7c: {  	_ =	shalt  }
0x7d: {  	_ =	shalt  }
0x7e: {  	_ =	shalt  }
0x7f: {  	_ =	shalt  }
0x80: {  	_ =	shalt  }
0x81: {  	_ =	shalt  }
0x82: {  	_ =	shalt  }
0x83: {  	_ =	shalt  }
0x84: {  	_ =	shalt  }
0x85: {  	_ =	shalt  }
0x86: {  	_ =	shalt  }
0x87: {  	_ =	shalt  }
.Lfunc_end0:
.L_simem_size_0:
called_computation.2_lowered:
.L_overlay_start_0:
0x88: {  	s2 =	sld [smem:$0x3FD9]  }
0x89: {  	s3 =	sld [smem:$0x3FFE];
	_ =	sdelay $0x1  }
0x8a: {  	s1 =	srdreg.scid  }
0x8b: {  	s0 =	sand.u32 $0x1, s1  }
0x8c: {  	s16 =	sshll.u32 s0, $0xA;
	s2 =	sadd.s32 s3, s2  }
0x8d: {  	s2 =	sadd.s32 s2, s16  }
0x8e: {  	[smem:$0x3FC2] =	sst s2  }
0x8f: {  	_ = 	snop  }
0x90: {  	(tm) =	ssettm $0x1  }
0x91: {  	s17 =	sld [smem:$0x3FFB];
	_ =	sdelay $0x3  }
0x92: {  	_ =	strace s17  }
0x93: {  	s2 =	sld [smem:$0x3FFC];
	_ =	sdelay $0x3  }
0x94: {  	_ =	strace s2  }
0x95: {  	s2 =	sld [smem:$0x3FFD];
	_ =	sdelay $0x3  }
0x96: {  	_ =	strace s2  }
0x97: {  	_ =	strace $0x8FFFFFFF  }
0x98: {  	s18 =	sld [smem:$0x3FDB];
	_ =	sdelay $0x1  }
0x99: {  	s19 =	simm.s32 $_scs_section_size  }
0x9a: {  	s4 =	simm.s32 $_size__tile_overlayer_lowered;
	s5 =	simm.s32 $_tile_overlayer_lowered  }
0x9b: {  	s22 =	simm.s32 $0x1BFF;
	s21 =	sshll.u32 s5, $0x1;
	s2 =	sadd.s32 s19, s18  }
0x9c: {  	s6 =	simm.s32 $0x0;
	s20 =	sshll.u32 s4, $0x1;
	s4 =	sadd.s32 s21, s2  }
0x9d: {  	[timem:s6], [sflag:s22] =	dma.local [hbm:s4], s20  }
0x9e: {  	_ =	swait.ge [sflag:s22], s20  }
0x9f: {  	s3 =	ssub.s32 $0x0, s20;
	[sflag:s22] =	ssyncset.done $0x0  }
0xa0: {  	[sflag:s22] =	ssyncadd.s32 s3;
	_ =	sdelay $0x1  }
0xa1: {  	s23 =	simm.s32 $0x1B8B  }
0xa2: {  	_ =	swait.ge [sflag:s23], $0x1  }
0xa3: {  	[sflag:s23] =	ssyncset.done $0x0  }
0xa4: {  	s25 =	simm.s32 $0x1B8E;
	s24 =	sld [smem:$0x3FFE];
	[sflag:s23] =	ssyncadd.s32 $0xFFFFFFFF  }
0xa5: {  	s26 =	simm.s32 $execute0_lowered;
	[smem:$0x3FD2] =	sst s25  }
0xa6: {  	s4 =	sshll.u32 s26, $0x1;
	_ =	strace $0x8000004C;
	[dreg:$0x1] =	wrdreg $0xFFFFFFFF  }
0xa7: {  	s28 =	simm.s32 $_size_execute0_lowered;
	s2 =	sadd.s32 s2, s4;
	[dreg:$0x0] =	wrdreg $0x0  }
0xa8: {  	s4 =	sshll.u32 s28, $0x1;
	[dreg:$0x2] =	wrdreg s2  }
0xa9: {  	[dreg:$0x3] =	wrdreg s4  }
0xaa: {  	[dreg:$0x4] =	wrdreg $0xC0  }
0xab: {  	_ =	task [dreg:s6], $0x5FFFF  }
0xac: {  	[dreg:$0x1] =	wrdreg $0xFFFFFFFF  }
0xad: {  	[dreg:$0x0] =	wrdreg $0x60  }
0xae: {  	[dreg:$0x2] =	wrdreg s24  }
0xaf: {  	[dreg:$0x3] =	wrdreg $0x10000  }
0xb0: {  	[dreg:$0x4] =	wrdreg $0x9  }
0xb1: {  	_ =	task.clear_ibuf [dreg:s6], $0x5FFFF;
	_ =	strace $0x9000004C  }
0xb2: {  	s29 =	simm.s32 $0x9;
	_ =	strace $0x8000004E  }
0xb3: {  	_ =	swait.ge [sflag:s29], $0x1  }
0xb4: {  	[sflag:s29] =	ssyncadd.s32 $0xFFFFFFFF  }
0xb5: {  	_ =	strace $0x9000004E  }
0xb6: {  	_ =	sfence  }
0xb7: {  	s30 =	sld [smem:$0x0];
	_ =	sdelay $0x2  }
0xb8: {  	s31 =	sshll.u32 s1, $0xD;
	s1 =	sshrl.u32 s1, $0x2  }
0xb9: {  	s3 =	sand.u32 $0x4000, s31;
	s1 =	sadd.s32 s1, s30  }
0xba: {  	s0 =	sor.u32 s3, s0;
	s1 =	sshll.u32 s1, $0x11  }
0xbb: {  	s0 =	sor.u32 s1, s0  }
0xbc: {  	s0 =	sadd.s32 $0x8F2B, s0  }
0xbd: {  	[sflag:s0] =	ssyncadd.remote.s32 $0x1  }
0xbe: {  	_ =	sfence.sel $0xFFFF  }
0xbf: {  	[dreg:$0x0] =	wrdreg $0xFFFFFFFF;
	(pc) =	sbr.abs _section_cstart, $3  }
0xc0: {  	[dreg:$0x1] =	wrdreg $0xFFFFFFFF  }
0xc1: {  	_ =	task.clear_ibuf [dreg:s6], $0x2FFFF;
	_ =	strace $0x9FFFFFFF  }
0xc2: {  	(tm) =	ssettm $0x7FFFFFFF  }
0xc3: {  	_ =	shalt  }
tec
execute0_lowered:
.L_overlay_start_1:
0x0: {  	(tag) =	ssettag $0x1  }
0x1: {  	s0 =	rddreg [dreg:$0x0]  }
0x2: {  	s1 =	rddreg [dreg:$0x1];
	s3 =	simm.s32 $0x0  }
0x3: {  	s2 =	srdreg.scid;
	s9 =	stileid.u32;
	s13 =	simm.s32 $0x5  }
0x4: {  	s14 =	simm.s32 $0x800;
	s15 =	simm.s32 $0x40;
	s26 =	simm.s32 $0x100  }
0x5: {  	s28 =	simm.s32 $0x3;
	s31 =	simm.s32 $0x4;
	s29 =	simm.s32 $0xD00  }
0x6: {  	s30 =	simm.s32 $0x700;
	[smem:$0x7FF] =	sst s3;
	s2 =	sand.u32 $0x1, s2  }
0x7: {  	s6 =	smul.u32 $0x13C00, s9;
	s4 =	sadd.s32 $0x7D000, s0;
	s11 =	sadd.s32 $0x69000, s0  }
0x8: {  	s10 =	sadd.s32 $0x55000, s0;
	s7 =	smul.u32 $0x4F000, s9;
	s8 =	sadd.s32 $0x3000, s0  }
0x9: {  	s20 =	sshll.u32 s9, $0x6;
	s21 =	smul.u32 $0x1200, s9;
	s22 =	sshll.u32 s9, $0x9  }
0xa: {  	s9 =	simm.s32 $0xB80;
	_ =	strace $0x8000004D;
	[dreg:$0x8] =	wrdreg s8  }
0xb: {  	s5 =	smul.u32 $0x13C000, s2;
	s16 =	ssub.s32 $0x2, s2;
	[dreg:$0x7] =	wrdreg s10  }
0xc: {  	s12 =	sor.u32 $0x1C05, s20;
	p0 =	seq.s32 s2, $0x1;
	[dreg:$0x6] =	wrdreg s11  }
0xd: {  	s2 =	sor.u32 $0x12000, s22;
	s22 =	simm.s32 $0x1;
	[dreg:$0x5] =	wrdreg s26  }
0xe: {  	s20 =	simm.s32 $0xC00;
	s26 =	simm.s32 $0x680;
	s17 =	sshrl.u32 s16, $0x1  }
0xf: {  	s19 =	sshrl.u32 s7, $0x2;
	[dreg:$0xa] =	wrdreg s2;
	s23 =	sadd.s32 s21, s10  }
0x10: {  	s25 =	sadd.s32 s21, s11;
	s21 =	simm.s32 $0x1AC00;
	[dreg:$0x9] =	wrdreg s12  }
0x11: {  	s2 =	simm.s32 $0x780;
	s7 =	simm.s32 $0xE00;
	s10 =	simm.s32 $0xE80  }
0x12: {  	s11 =	simm.s32 $0xF00;
	s5 =	sadd.s32 s6, s5;
	[dreg:$0x3] =	wrdreg s23  }
0x13: {  	s18 =	ssub.s32 s16, s17;
	s6 =	sadd.s32 s19, s1;
	[dreg:$0x4] =	wrdreg s25  }
0x14: {  	s16 =	simm.s32 $0x14C00;
	s19 =	simm.s32 $0x18C00;
	s17 =	simm.s32 $0x580  }
.Ltmp0:
0x15: {  	s23 =	simm.s32 $0x600;
	s25 =	simm.s32 $0xC80;
	(pc) =	sbr.rel .LBB2_1-.Ltmp0, $4  }
0x16: {  	s5 =	sshrl.u32 s5, $0x3;
	s24 =	smax.u32 s18, $0x1;
	s8 =	sshrl.u32 s6, $0x3  }
0x17: {  	s18 =	simm.s32 $0x16C00;
	s0 =	sadd.s32 s5, s0;
	[dreg:$0xc] =	wrdreg s24  }
0x18: {  	s6 =	simm.s32 $0xF80;
	[dreg:$0xd] =	wrdreg s8;
	s0 =	sadd.s32 $0xA4200, s0  }
0x19: {  	s24 =	simm.s32 $0x2;
	[dreg:$0xb] =	wrdreg s0;
	s0 =	simm.s32 $0x0  }
.LBB2_4:
0x1a: {  	[sflag:s13] =	ssyncset.done $0x0  }
0x1b: {  	[sflag:s13] =	ssyncadd.s32 $0xFFFFE000  }
.LBB2_6:
0x1c: {  	[bflag:$0x0] =	sbarrier.arrive $0xFFFF  }
0x1d: {  	s12 =	rddreg [dreg:$0x9]  }
0x1e: {  	s5 =	rddreg [dreg:$0xb]  }
0x1f: {  	s8 =	rddreg [dreg:$0xd]  }
0x20: {  	[hbm:s5], [sflag:s12] =	dma.local [spmem:s8], $0x2780  }
0x21: {  	_ =	swait.ge [sflag:s13], $0x2780  }
0x22: {  	s0 =	rddreg [dreg:$0xe]  }
0x23: {  	s5 =	rddreg [dreg:$0xc];
	s0 =	sadd.s32 $0x1, s0  }
0x24: {  	p1 =	sne.s32 s0, s5  }
.Ltmp1:
0x25: {  	_ = 	snop;
	(pc) =	sbr.rel @!p1 .LBB2_7-.Ltmp1, $3  }
0x26: {  	_ =	sdelay $0x1  }
0x27: {  	[sflag:s13] =	ssyncset.done $0x0  }
0x28: {  	[sflag:s13] =	ssyncadd.s32 $0xFFFFD880  }
.LBB2_1:
0x29: {  	[dreg:$0xe] =	wrdreg s0  }
0x2a: {  	s5 =	rddreg [dreg:$0x8]  }
0x2b: {  	[spmem:s8], [sflag:s12] =	dma.local [hbm:s5], $0x2780  }
.Ltmp2:
0x2c: {  	_ =	swait.ge [sflag:s13], $0x2780;
	(pc) =	sbr.rel @!p0 .LBB2_2-.Ltmp2, $4  }
0x2d: {  	[sflag:s13] =	ssyncset.done $0x0  }
0x2e: {  	[sflag:s13] =	ssyncadd.s32 $0xFFFFD880  }
0x2f: {  	p1 =	por $0x1, $0x1;
	[bflag:$0x0] =	sbarrier.arrive $0xFFFF  }
0x30: {  	s0 =	simm.s32 $0xD80;
	s8 =	simm.s32 $0x0;
	s12 =	rddreg [dreg:$0x6]  }
.LBB2_5:
0x31: {  	s5 =	rddreg [dreg:$0xa]  }
0x32: {  	s5 =	sor.u32 s5, s8  }
0x33: {  	s8 =	sadd.s32 s12, s5  }
0x34: {  	[tilespmem:s3], [sflag:$0x5] =	stream.linear.gather [hbm4b:s8+s3], $0x800, $0x38;
	[tilespmem:$0x1CC00] =	vst v63  }
0x35: {  	_ =	swait.ge [sflag:s13], $0x800  }
0x36: {  	[sflag:s13] =	ssyncset.done $0x0;
	s8 =	rddreg [dreg:$0x7]  }
0x37: {  	[sflag:s13] =	ssyncadd.s32 $0xFFFFF800;
	s5 =	sadd.s32 s8, s5  }
0x38: {  	[tilespmem:s14], [sflag:$0x5] =	stream.linear.gather [hbm4b:s5+s3], $0x800, $0x38;
	[tilespmem:$0x1CC00] =	vst v63  }
0x39: {  	_ =	swait.ge [sflag:s13], $0x800  }
0x3a: {  	[sflag:s13] =	ssyncset.done $0x0  }
0x3b: {  	[sflag:s13] =	ssyncadd.s32 $0xFFFFF800  }
0x3c: {  	[tilespmem:s16], [sflag:$0x1] =	stream.indirect.gather [hbm4b:s4+s15], $0x80, s3, s15, $0xb8;
	[tilespmem:$0x1CC00] =	vst v63  }
0x3d: {  	s8 =	simm.s32 $0x80  }
0x3e: {  	[tilespmem:s18], [sflag:$0x2] =	stream.indirect.gather [hbm4b:s4+s15], $0x80, s8, s15, $0xb8;
	[tilespmem:$0x1CC00] =	vst v63  }
0x3f: {  	s8 =	simm.s32 $0x100  }
0x40: {  	[tilespmem:s19], [sflag:$0x3] =	stream.indirect.gather [hbm4b:s4+s15], $0x80, s8, s15, $0xb8;
	[tilespmem:$0x1CC00] =	vst v63  }
0x41: {  	s5 =	simm.s32 $0x180  }
0x42: {  	[tilespmem:s21], [sflag:$0x4] =	stream.indirect.gather [hbm4b:s4+s15], $0x80, s5, s15, $0xb8;
	[tilespmem:$0x1CC00] =	vst v63  }
0x43: {  	_ =	swait.ge [sflag:s22], $0x2000  }
0x44: {  	[sflag:s22] =	ssyncset.done $0x0  }
0x45: {  	[sflag:s22] =	ssyncadd.s32 $0xFFFFE000  }
0x46: {  	[spmem:s1] =	stream.indirect.scatter.add.f32 [tilespmem:s16], [sflag:$0x5], $0x80, s14, s15, $0xb8;
	[tilespmem:$0x1CC00] =	vst v63  }
0x47: {  	_ =	swait.ge [sflag:s13], $0x2000  }
0x48: {  	[sflag:s13] =	ssyncset.done $0x0  }
0x49: {  	s5 =	simm.s32 $0x200;
	[sflag:s13] =	ssyncadd.s32 $0xFFFFE000  }
0x4a: {  	[tilespmem:s16], [sflag:$0x1] =	stream.indirect.gather [hbm4b:s4+s15], $0x80, s5, s15, $0xb8;
	[tilespmem:$0x1CC00] =	vst v63  }
0x4b: {  	_ =	swait.ge [sflag:s24], $0x2000  }
0x4c: {  	[sflag:s24] =	ssyncset.done $0x0  }
0x4d: {  	s5 =	simm.s32 $0x880;
	[sflag:s24] =	ssyncadd.s32 $0xFFFFE000  }
0x4e: {  	[spmem:s1] =	stream.indirect.scatter.add.f32 [tilespmem:s18], [sflag:$0x5], $0x80, s5, s15, $0xb8;
	[tilespmem:$0x1CC00] =	vst v63  }
0x4f: {  	_ =	swait.ge [sflag:s13], $0x2000  }
0x50: {  	[sflag:s13] =	ssyncset.done $0x0  }
0x51: {  	s5 =	simm.s32 $0x280;
	[sflag:s13] =	ssyncadd.s32 $0xFFFFE000  }
0x52: {  	[tilespmem:s18], [sflag:$0x2] =	stream.indirect.gather [hbm4b:s4+s15], $0x80, s5, s15, $0xb8;
	[tilespmem:$0x1CC00] =	vst v63  }
0x53: {  	_ =	swait.ge [sflag:s28], $0x2000  }
0x54: {  	[sflag:s28] =	ssyncset.done $0x0  }
0x55: {  	s5 =	simm.s32 $0x900;
	[sflag:s28] =	ssyncadd.s32 $0xFFFFE000  }
0x56: {  	[spmem:s1] =	stream.indirect.scatter.add.f32 [tilespmem:s19], [sflag:$0x5], $0x80, s5, s15, $0xb8;
	[tilespmem:$0x1CC00] =	vst v63  }
0x57: {  	_ =	swait.ge [sflag:s13], $0x2000  }
0x58: {  	[sflag:s13] =	ssyncset.done $0x0  }
0x59: {  	s5 =	simm.s32 $0x300;
	[sflag:s13] =	ssyncadd.s32 $0xFFFFE000  }
0x5a: {  	[tilespmem:s19], [sflag:$0x3] =	stream.indirect.gather [hbm4b:s4+s15], $0x80, s5, s15, $0xb8;
	[tilespmem:$0x1CC00] =	vst v63  }
0x5b: {  	_ =	swait.ge [sflag:s31], $0x2000  }
0x5c: {  	[sflag:s31] =	ssyncset.done $0x0  }
0x5d: {  	s5 =	simm.s32 $0x980;
	[sflag:s31] =	ssyncadd.s32 $0xFFFFE000  }
0x5e: {  	[spmem:s1] =	stream.indirect.scatter.add.f32 [tilespmem:s21], [sflag:$0x5], $0x80, s5, s15, $0xb8;
	[tilespmem:$0x1CC00] =	vst v63  }
0x5f: {  	_ =	swait.ge [sflag:s13], $0x2000  }
0x60: {  	[sflag:s13] =	ssyncset.done $0x0  }
0x61: {  	s5 =	simm.s32 $0x380;
	[sflag:s13] =	ssyncadd.s32 $0xFFFFE000  }
0x62: {  	[tilespmem:s21], [sflag:$0x4] =	stream.indirect.gather [hbm4b:s4+s15], $0x80, s5, s15, $0xb8;
	[tilespmem:$0x1CC00] =	vst v63  }
0x63: {  	_ =	swait.ge [sflag:s22], $0x2000  }
0x64: {  	[sflag:s22] =	ssyncset.done $0x0  }
0x65: {  	s5 =	simm.s32 $0xA00;
	[sflag:s22] =	ssyncadd.s32 $0xFFFFE000  }
0x66: {  	[spmem:s1] =	stream.indirect.scatter.add.f32 [tilespmem:s16], [sflag:$0x5], $0x80, s5, s15, $0xb8;
	[tilespmem:$0x1CC00] =	vst v63  }
0x67: {  	_ =	swait.ge [sflag:s13], $0x2000  }
0x68: {  	[sflag:s13] =	ssyncset.done $0x0  }
0x69: {  	s5 =	simm.s32 $0x400;
	[sflag:s13] =	ssyncadd.s32 $0xFFFFE000  }
0x6a: {  	[tilespmem:s16], [sflag:$0x1] =	stream.indirect.gather [hbm4b:s4+s15], $0x80, s5, s15, $0xb8;
	[tilespmem:$0x1CC00] =	vst v63  }
0x6b: {  	_ =	swait.ge [sflag:s24], $0x2000  }
0x6c: {  	[sflag:s24] =	ssyncset.done $0x0  }
0x6d: {  	s5 =	simm.s32 $0xA80;
	[sflag:s24] =	ssyncadd.s32 $0xFFFFE000  }
0x6e: {  	[spmem:s1] =	stream.indirect.scatter.add.f32 [tilespmem:s18], [sflag:$0x5], $0x80, s5, s15, $0xb8;
	[tilespmem:$0x1CC00] =	vst v63  }
0x6f: {  	_ =	swait.ge [sflag:s13], $0x2000  }
0x70: {  	[sflag:s13] =	ssyncset.done $0x0  }
0x71: {  	s5 =	simm.s32 $0x480;
	[sflag:s13] =	ssyncadd.s32 $0xFFFFE000  }
0x72: {  	[tilespmem:s18], [sflag:$0x2] =	stream.indirect.gather [hbm4b:s4+s15], $0x80, s5, s15, $0xb8;
	[tilespmem:$0x1CC00] =	vst v63  }
0x73: {  	_ =	swait.ge [sflag:s28], $0x2000  }
0x74: {  	[sflag:s28] =	ssyncset.done $0x0  }
0x75: {  	s5 =	simm.s32 $0xB00;
	[sflag:s28] =	ssyncadd.s32 $0xFFFFE000  }
0x76: {  	[spmem:s1] =	stream.indirect.scatter.add.f32 [tilespmem:s19], [sflag:$0x5], $0x80, s5, s15, $0xb8;
	[tilespmem:$0x1CC00] =	vst v63  }
0x77: {  	_ =	swait.ge [sflag:s13], $0x2000  }
0x78: {  	[sflag:s13] =	ssyncset.done $0x0  }
0x79: {  	s5 =	simm.s32 $0x500;
	[sflag:s13] =	ssyncadd.s32 $0xFFFFE000  }
0x7a: {  	[tilespmem:s19], [sflag:$0x3] =	stream.indirect.gather [hbm4b:s4+s15], $0x80, s5, s15, $0xb8;
	[tilespmem:$0x1CC00] =	vst v63  }
0x7b: {  	_ =	swait.ge [sflag:s31], $0x2000  }
0x7c: {  	[sflag:s31] =	ssyncset.done $0x0  }
0x7d: {  	[sflag:s31] =	ssyncadd.s32 $0xFFFFE000  }
0x7e: {  	[spmem:s1] =	stream.indirect.scatter.add.f32 [tilespmem:s21], [sflag:$0x5], $0x80, s9, s15, $0xb8;
	[tilespmem:$0x1CC00] =	vst v63  }
0x7f: {  	_ =	swait.ge [sflag:s13], $0x2000  }
0x80: {  	[sflag:s13] =	ssyncset.done $0x0  }
0x81: {  	[sflag:s13] =	ssyncadd.s32 $0xFFFFE000  }
0x82: {  	[tilespmem:s21], [sflag:$0x4] =	stream.indirect.gather [hbm4b:s4+s15], $0x80, s17, s15, $0xb8;
	[tilespmem:$0x1CC00] =	vst v63  }
0x83: {  	_ =	swait.ge [sflag:s22], $0x2000  }
0x84: {  	[sflag:s22] =	ssyncset.done $0x0  }
0x85: {  	[sflag:s22] =	ssyncadd.s32 $0xFFFFE000  }
0x86: {  	[spmem:s1] =	stream.indirect.scatter.add.f32 [tilespmem:s16], [sflag:$0x5], $0x80, s20, s15, $0xb8;
	[tilespmem:$0x1CC00] =	vst v63  }
0x87: {  	_ =	swait.ge [sflag:s13], $0x2000  }
0x88: {  	[sflag:s13] =	ssyncset.done $0x0  }
0x89: {  	[sflag:s13] =	ssyncadd.s32 $0xFFFFE000  }
0x8a: {  	[tilespmem:s16], [sflag:$0x1] =	stream.indirect.gather [hbm4b:s4+s15], $0x80, s23, s15, $0xb8;
	[tilespmem:$0x1CC00] =	vst v63  }
0x8b: {  	_ =	swait.ge [sflag:s24], $0x2000  }
0x8c: {  	[sflag:s24] =	ssyncset.done $0x0  }
0x8d: {  	[sflag:s24] =	ssyncadd.s32 $0xFFFFE000  }
0x8e: {  	[spmem:s1] =	stream.indirect.scatter.add.f32 [tilespmem:s18], [sflag:$0x5], $0x80, s25, s15, $0xb8;
	[tilespmem:$0x1CC00] =	vst v63  }
0x8f: {  	_ =	swait.ge [sflag:s13], $0x2000  }
0x90: {  	[sflag:s13] =	ssyncset.done $0x0  }
0x91: {  	[sflag:s13] =	ssyncadd.s32 $0xFFFFE000  }
0x92: {  	[tilespmem:s18], [sflag:$0x2] =	stream.indirect.gather [hbm4b:s4+s15], $0x80, s26, s15, $0xb8;
	[tilespmem:$0x1CC00] =	vst v63  }
0x93: {  	_ =	swait.ge [sflag:s28], $0x2000  }
0x94: {  	[sflag:s28] =	ssyncset.done $0x0  }
0x95: {  	[sflag:s28] =	ssyncadd.s32 $0xFFFFE000  }
0x96: {  	[spmem:s1] =	stream.indirect.scatter.add.f32 [tilespmem:s19], [sflag:$0x5], $0x80, s29, s15, $0xb8;
	[tilespmem:$0x1CC00] =	vst v63  }
0x97: {  	_ =	swait.ge [sflag:s13], $0x2000  }
0x98: {  	[sflag:s13] =	ssyncset.done $0x0  }
0x99: {  	[sflag:s13] =	ssyncadd.s32 $0xFFFFE000  }
0x9a: {  	[tilespmem:s19], [sflag:$0x3] =	stream.indirect.gather [hbm4b:s4+s15], $0x80, s30, s15, $0xb8;
	[tilespmem:$0x1CC00] =	vst v63  }
0x9b: {  	_ =	swait.ge [sflag:s31], $0x2000  }
0x9c: {  	[sflag:s31] =	ssyncset.done $0x0  }
0x9d: {  	[sflag:s31] =	ssyncadd.s32 $0xFFFFE000  }
0x9e: {  	[spmem:s1] =	stream.indirect.scatter.add.f32 [tilespmem:s21], [sflag:$0x5], $0x80, s0, s15, $0xb8;
	[tilespmem:$0x1CC00] =	vst v63  }
0x9f: {  	_ =	swait.ge [sflag:s13], $0x2000  }
0xa0: {  	[sflag:s13] =	ssyncset.done $0x0  }
0xa1: {  	[sflag:s13] =	ssyncadd.s32 $0xFFFFE000  }
0xa2: {  	[tilespmem:s21], [sflag:$0x4] =	stream.indirect.gather [hbm4b:s4+s15], $0x80, s2, s15, $0xb8;
	[tilespmem:$0x1CC00] =	vst v63  }
0xa3: {  	_ =	swait.ge [sflag:s22], $0x2000  }
0xa4: {  	[sflag:s22] =	ssyncset.done $0x0  }
0xa5: {  	[sflag:s22] =	ssyncadd.s32 $0xFFFFE000  }
0xa6: {  	[spmem:s1] =	stream.indirect.scatter.add.f32 [tilespmem:s16], [sflag:$0x5], $0x80, s7, s15, $0xb8;
	[tilespmem:$0x1CC00] =	vst v63  }
0xa7: {  	_ =	swait.ge [sflag:s13], $0x2000  }
0xa8: {  	[sflag:s13] =	ssyncset.done $0x0  }
0xa9: {  	[sflag:s13] =	ssyncadd.s32 $0xFFFFE000  }
0xaa: {  	_ =	swait.ge [sflag:s24], $0x2000  }
0xab: {  	[sflag:s24] =	ssyncset.done $0x0  }
0xac: {  	[sflag:s24] =	ssyncadd.s32 $0xFFFFE000  }
0xad: {  	[spmem:s1] =	stream.indirect.scatter.add.f32 [tilespmem:s18], [sflag:$0x5], $0x80, s10, s15, $0xb8;
	[tilespmem:$0x1CC00] =	vst v63  }
0xae: {  	_ =	swait.ge [sflag:s13], $0x2000  }
0xaf: {  	[sflag:s13] =	ssyncset.done $0x0  }
0xb0: {  	[sflag:s13] =	ssyncadd.s32 $0xFFFFE000  }
0xb1: {  	_ =	swait.ge [sflag:s28], $0x2000  }
0xb2: {  	[sflag:s28] =	ssyncset.done $0x0  }
0xb3: {  	[sflag:s28] =	ssyncadd.s32 $0xFFFFE000  }
0xb4: {  	[spmem:s1] =	stream.indirect.scatter.add.f32 [tilespmem:s19], [sflag:$0x5], $0x80, s11, s15, $0xb8;
	[tilespmem:$0x1CC00] =	vst v63  }
0xb5: {  	_ =	swait.ge [sflag:s13], $0x2000  }
0xb6: {  	[sflag:s13] =	ssyncset.done $0x0  }
0xb7: {  	[sflag:s13] =	ssyncadd.s32 $0xFFFFE000  }
0xb8: {  	_ =	swait.ge [sflag:s31], $0x2000  }
0xb9: {  	p2 =	por p1, p1;
	[sflag:s31] =	ssyncset.done $0x0  }
.Ltmp3:
0xba: {  	[sflag:s31] =	ssyncadd.s32 $0xFFFFE000;
	(pc) =	sbr.rel @p2 .LBB2_5-.Ltmp3, $4  }
0xbb: {  	[spmem:s1] =	stream.indirect.scatter.add.f32 [tilespmem:s21], [sflag:$0x5], $0x80, s6, s15, $0xb8;
	[tilespmem:$0x1CC00] =	vst v63  }
0xbc: {  	_ =	swait.ge [sflag:s13], $0x2000  }
0xbd: {  	[sflag:s13] =	ssyncset.done $0x0  }
0xbe: {  	p1 =	por $0x0, $0x0;
	[sflag:s13] =	ssyncadd.s32 $0xFFFFE000  }
.Ltmp4:
0xbf: {  	_ = 	snop;
	(pc) =	sbr.rel .LBB2_6-.Ltmp4, $1  }
0xc0: {  	_ =	sdelay $0x3  }
.LBB2_2:
0xc1: {  	s8 =	rddreg [dreg:$0x4]  }
0xc2: {  	s8 =	sadd.s32 $0x0, s8  }
0xc3: {  	[tilespmem:s3], [sflag:$0x5] =	stream.linear.gather [hbm4b:s8+s3], $0x800, $0x38;
	[tilespmem:$0x1CC00] =	vst v63  }
0xc4: {  	_ =	swait.ge [sflag:s13], $0x800  }
0xc5: {  	s5 =	rddreg [dreg:$0x3];
	[sflag:s13] =	ssyncset.done $0x0  }
0xc6: {  	[sflag:s13] =	ssyncadd.s32 $0xFFFFF800;
	s8 =	sadd.s32 $0x0, s5  }
0xc7: {  	[tilespmem:s14], [sflag:$0x5] =	stream.linear.gather [hbm4b:s8+s3], $0x800, $0x38;
	[tilespmem:$0x1CC00] =	vst v63  }
0xc8: {  	_ =	swait.ge [sflag:s13], $0x800  }
0xc9: {  	[sflag:s13] =	ssyncset.done $0x0  }
0xca: {  	[sflag:s13] =	ssyncadd.s32 $0xFFFFF800  }
0xcb: {  	[tilespmem:s16], [sflag:$0x1] =	stream.indirect.gather [hbm4b:s4+s15], $0x80, s3, s15, $0xb8;
	[tilespmem:$0x1CC00] =	vst v63  }
0xcc: {  	s5 =	simm.s32 $0x80  }
0xcd: {  	[tilespmem:s18], [sflag:$0x2] =	stream.indirect.gather [hbm4b:s4+s15], $0x80, s5, s15, $0xb8;
	[tilespmem:$0x1CC00] =	vst v63  }
0xce: {  	s12 =	rddreg [dreg:$0x5]  }
0xcf: {  	[tilespmem:s19], [sflag:$0x3] =	stream.indirect.gather [hbm4b:s4+s15], $0x80, s12, s15, $0xb8;
	[tilespmem:$0x1CC00] =	vst v63  }
0xd0: {  	s8 =	simm.s32 $0x180  }
0xd1: {  	[tilespmem:s21], [sflag:$0x4] =	stream.indirect.gather [hbm4b:s4+s15], $0x80, s8, s15, $0xb8;
	[tilespmem:$0x1CC00] =	vst v63  }
0xd2: {  	_ =	swait.ge [sflag:s22], $0x2000  }
0xd3: {  	[sflag:s22] =	ssyncset.done $0x0  }
0xd4: {  	[sflag:s22] =	ssyncadd.s32 $0xFFFFE000  }
0xd5: {  	[spmem:s1] =	stream.indirect.scatter.add.f32 [tilespmem:s16], [sflag:$0x5], $0x80, s14, s15, $0xb8;
	[tilespmem:$0x1CC00] =	vst v63  }
0xd6: {  	_ =	swait.ge [sflag:s13], $0x2000  }
0xd7: {  	[sflag:s13] =	ssyncset.done $0x0  }
0xd8: {  	s12 =	simm.s32 $0x200;
	[sflag:s13] =	ssyncadd.s32 $0xFFFFE000  }
0xd9: {  	[tilespmem:s16], [sflag:$0x1] =	stream.indirect.gather [hbm4b:s4+s15], $0x80, s12, s15, $0xb8;
	[tilespmem:$0x1CC00] =	vst v63  }
0xda: {  	_ =	swait.ge [sflag:s24], $0x2000  }
0xdb: {  	[sflag:s24] =	ssyncset.done $0x0  }
0xdc: {  	s8 =	simm.s32 $0x880;
	[sflag:s24] =	ssyncadd.s32 $0xFFFFE000  }
0xdd: {  	[spmem:s1] =	stream.indirect.scatter.add.f32 [tilespmem:s18], [sflag:$0x5], $0x80, s8, s15, $0xb8;
	[tilespmem:$0x1CC00] =	vst v63  }
0xde: {  	_ =	swait.ge [sflag:s13], $0x2000  }
0xdf: {  	[sflag:s13] =	ssyncset.done $0x0  }
0xe0: {  	s12 =	simm.s32 $0x280;
	[sflag:s13] =	ssyncadd.s32 $0xFFFFE000  }
0xe1: {  	[tilespmem:s18], [sflag:$0x2] =	stream.indirect.gather [hbm4b:s4+s15], $0x80, s12, s15, $0xb8;
	[tilespmem:$0x1CC00] =	vst v63  }
0xe2: {  	_ =	swait.ge [sflag:s28], $0x2000  }
0xe3: {  	[sflag:s28] =	ssyncset.done $0x0  }
0xe4: {  	s8 =	simm.s32 $0x900;
	[sflag:s28] =	ssyncadd.s32 $0xFFFFE000  }
0xe5: {  	[spmem:s1] =	stream.indirect.scatter.add.f32 [tilespmem:s19], [sflag:$0x5], $0x80, s8, s15, $0xb8;
	[tilespmem:$0x1CC00] =	vst v63  }
0xe6: {  	_ =	swait.ge [sflag:s13], $0x2000  }
0xe7: {  	[sflag:s13] =	ssyncset.done $0x0  }
0xe8: {  	s12 =	simm.s32 $0x300;
	[sflag:s13] =	ssyncadd.s32 $0xFFFFE000  }
0xe9: {  	[tilespmem:s19], [sflag:$0x3] =	stream.indirect.gather [hbm4b:s4+s15], $0x80, s12, s15, $0xb8;
	[tilespmem:$0x1CC00] =	vst v63  }
0xea: {  	_ =	swait.ge [sflag:s31], $0x2000  }
0xeb: {  	[sflag:s31] =	ssyncset.done $0x0  }
0xec: {  	s8 =	simm.s32 $0x980;
	[sflag:s31] =	ssyncadd.s32 $0xFFFFE000  }
0xed: {  	[spmem:s1] =	stream.indirect.scatter.add.f32 [tilespmem:s21], [sflag:$0x5], $0x80, s8, s15, $0xb8;
	[tilespmem:$0x1CC00] =	vst v63  }
0xee: {  	_ =	swait.ge [sflag:s13], $0x2000  }
0xef: {  	[sflag:s13] =	ssyncset.done $0x0  }
0xf0: {  	s12 =	simm.s32 $0x380;
	[sflag:s13] =	ssyncadd.s32 $0xFFFFE000  }
0xf1: {  	[tilespmem:s21], [sflag:$0x4] =	stream.indirect.gather [hbm4b:s4+s15], $0x80, s12, s15, $0xb8;
	[tilespmem:$0x1CC00] =	vst v63  }
0xf2: {  	_ =	swait.ge [sflag:s22], $0x2000  }
0xf3: {  	[sflag:s22] =	ssyncset.done $0x0  }
0xf4: {  	s8 =	simm.s32 $0xA00;
	[sflag:s22] =	ssyncadd.s32 $0xFFFFE000  }
0xf5: {  	[spmem:s1] =	stream.indirect.scatter.add.f32 [tilespmem:s16], [sflag:$0x5], $0x80, s8, s15, $0xb8;
	[tilespmem:$0x1CC00] =	vst v63  }
0xf6: {  	_ =	swait.ge [sflag:s13], $0x2000  }
0xf7: {  	[sflag:s13] =	ssyncset.done $0x0  }
0xf8: {  	s12 =	simm.s32 $0x400;
	[sflag:s13] =	ssyncadd.s32 $0xFFFFE000  }
0xf9: {  	[tilespmem:s16], [sflag:$0x1] =	stream.indirect.gather [hbm4b:s4+s15], $0x80, s12, s15, $0xb8;
	[tilespmem:$0x1CC00] =	vst v63  }
0xfa: {  	_ =	swait.ge [sflag:s24], $0x2000  }
0xfb: {  	[sflag:s24] =	ssyncset.done $0x0  }
0xfc: {  	s8 =	simm.s32 $0xA80;
	[sflag:s24] =	ssyncadd.s32 $0xFFFFE000  }
0xfd: {  	[spmem:s1] =	stream.indirect.scatter.add.f32 [tilespmem:s18], [sflag:$0x5], $0x80, s8, s15, $0xb8;
	[tilespmem:$0x1CC00] =	vst v63  }
0xfe: {  	_ =	swait.ge [sflag:s13], $0x2000  }
0xff: {  	[sflag:s13] =	ssyncset.done $0x0  }
0x100: {  	s12 =	simm.s32 $0x480;
	[sflag:s13] =	ssyncadd.s32 $0xFFFFE000  }
0x101: {  	[tilespmem:s18], [sflag:$0x2] =	stream.indirect.gather [hbm4b:s4+s15], $0x80, s12, s15, $0xb8;
	[tilespmem:$0x1CC00] =	vst v63  }
0x102: {  	_ =	swait.ge [sflag:s28], $0x2000  }
0x103: {  	[sflag:s28] =	ssyncset.done $0x0  }
0x104: {  	s8 =	simm.s32 $0xB00;
	[sflag:s28] =	ssyncadd.s32 $0xFFFFE000  }
0x105: {  	[spmem:s1] =	stream.indirect.scatter.add.f32 [tilespmem:s19], [sflag:$0x5], $0x80, s8, s15, $0xb8;
	[tilespmem:$0x1CC00] =	vst v63  }
0x106: {  	_ =	swait.ge [sflag:s13], $0x2000  }
0x107: {  	[sflag:s13] =	ssyncset.done $0x0  }
0x108: {  	s12 =	simm.s32 $0x500;
	[sflag:s13] =	ssyncadd.s32 $0xFFFFE000  }
0x109: {  	[tilespmem:s19], [sflag:$0x3] =	stream.indirect.gather [hbm4b:s4+s15], $0x80, s12, s15, $0xb8;
	[tilespmem:$0x1CC00] =	vst v63  }
0x10a: {  	_ =	swait.ge [sflag:s31], $0x2000  }
0x10b: {  	[sflag:s31] =	ssyncset.done $0x0  }
0x10c: {  	[sflag:s31] =	ssyncadd.s32 $0xFFFFE000  }
0x10d: {  	[spmem:s1] =	stream.indirect.scatter.add.f32 [tilespmem:s21], [sflag:$0x5], $0x80, s9, s15, $0xb8;
	[tilespmem:$0x1CC00] =	vst v63  }
0x10e: {  	_ =	swait.ge [sflag:s13], $0x2000  }
0x10f: {  	[sflag:s13] =	ssyncset.done $0x0  }
0x110: {  	[sflag:s13] =	ssyncadd.s32 $0xFFFFE000  }
0x111: {  	[tilespmem:s21], [sflag:$0x4] =	stream.indirect.gather [hbm4b:s4+s15], $0x80, s17, s15, $0xb8;
	[tilespmem:$0x1CC00] =	vst v63  }
0x112: {  	_ =	swait.ge [sflag:s22], $0x2000  }
0x113: {  	[sflag:s22] =	ssyncset.done $0x0  }
0x114: {  	[sflag:s22] =	ssyncadd.s32 $0xFFFFE000  }
0x115: {  	[spmem:s1] =	stream.indirect.scatter.add.f32 [tilespmem:s16], [sflag:$0x5], $0x80, s20, s15, $0xb8;
	[tilespmem:$0x1CC00] =	vst v63  }
0x116: {  	_ =	swait.ge [sflag:s13], $0x2000  }
0x117: {  	[sflag:s13] =	ssyncset.done $0x0  }
0x118: {  	[sflag:s13] =	ssyncadd.s32 $0xFFFFE000  }
0x119: {  	[tilespmem:s16], [sflag:$0x1] =	stream.indirect.gather [hbm4b:s4+s15], $0x80, s23, s15, $0xb8;
	[tilespmem:$0x1CC00] =	vst v63  }
0x11a: {  	_ =	swait.ge [sflag:s24], $0x2000  }
0x11b: {  	[sflag:s24] =	ssyncset.done $0x0  }
0x11c: {  	[sflag:s24] =	ssyncadd.s32 $0xFFFFE000  }
0x11d: {  	[spmem:s1] =	stream.indirect.scatter.add.f32 [tilespmem:s18], [sflag:$0x5], $0x80, s25, s15, $0xb8;
	[tilespmem:$0x1CC00] =	vst v63  }
0x11e: {  	_ =	swait.ge [sflag:s13], $0x2000  }
0x11f: {  	[sflag:s13] =	ssyncset.done $0x0  }
0x120: {  	[sflag:s13] =	ssyncadd.s32 $0xFFFFE000  }
0x121: {  	[tilespmem:s18], [sflag:$0x2] =	stream.indirect.gather [hbm4b:s4+s15], $0x80, s26, s15, $0xb8;
	[tilespmem:$0x1CC00] =	vst v63  }
0x122: {  	_ =	swait.ge [sflag:s28], $0x2000  }
0x123: {  	[sflag:s28] =	ssyncset.done $0x0  }
0x124: {  	[sflag:s28] =	ssyncadd.s32 $0xFFFFE000  }
0x125: {  	[spmem:s1] =	stream.indirect.scatter.add.f32 [tilespmem:s19], [sflag:$0x5], $0x80, s29, s15, $0xb8;
	[tilespmem:$0x1CC00] =	vst v63  }
0x126: {  	_ =	swait.ge [sflag:s13], $0x2000  }
0x127: {  	[sflag:s13] =	ssyncset.done $0x0  }
0x128: {  	[sflag:s13] =	ssyncadd.s32 $0xFFFFE000  }
0x129: {  	[tilespmem:s19], [sflag:$0x3] =	stream.indirect.gather [hbm4b:s4+s15], $0x80, s30, s15, $0xb8;
	[tilespmem:$0x1CC00] =	vst v63  }
0x12a: {  	_ =	swait.ge [sflag:s31], $0x2000  }
0x12b: {  	[sflag:s31] =	ssyncset.done $0x0  }
0x12c: {  	[sflag:s31] =	ssyncadd.s32 $0xFFFFE000  }
0x12d: {  	[spmem:s1] =	stream.indirect.scatter.add.f32 [tilespmem:s21], [sflag:$0x5], $0x80, s0, s15, $0xb8;
	[tilespmem:$0x1CC00] =	vst v63  }
0x12e: {  	_ =	swait.ge [sflag:s13], $0x2000  }
0x12f: {  	[sflag:s13] =	ssyncset.done $0x0  }
0x130: {  	[sflag:s13] =	ssyncadd.s32 $0xFFFFE000  }
0x131: {  	[tilespmem:s21], [sflag:$0x4] =	stream.indirect.gather [hbm4b:s4+s15], $0x80, s2, s15, $0xb8;
	[tilespmem:$0x1CC00] =	vst v63  }
0x132: {  	_ =	swait.ge [sflag:s22], $0x2000  }
0x133: {  	[sflag:s22] =	ssyncset.done $0x0  }
0x134: {  	[sflag:s22] =	ssyncadd.s32 $0xFFFFE000  }
0x135: {  	[spmem:s1] =	stream.indirect.scatter.add.f32 [tilespmem:s16], [sflag:$0x5], $0x80, s7, s15, $0xb8;
	[tilespmem:$0x1CC00] =	vst v63  }
0x136: {  	_ =	swait.ge [sflag:s13], $0x2000  }
0x137: {  	[sflag:s13] =	ssyncset.done $0x0  }
0x138: {  	[sflag:s13] =	ssyncadd.s32 $0xFFFFE000  }
0x139: {  	_ =	swait.ge [sflag:s24], $0x2000  }
0x13a: {  	[sflag:s24] =	ssyncset.done $0x0  }
0x13b: {  	[sflag:s24] =	ssyncadd.s32 $0xFFFFE000  }
0x13c: {  	[spmem:s1] =	stream.indirect.scatter.add.f32 [tilespmem:s18], [sflag:$0x5], $0x80, s10, s15, $0xb8;
	[tilespmem:$0x1CC00] =	vst v63  }
0x13d: {  	_ =	swait.ge [sflag:s13], $0x2000  }
0x13e: {  	[sflag:s13] =	ssyncset.done $0x0  }
0x13f: {  	[sflag:s13] =	ssyncadd.s32 $0xFFFFE000  }
0x140: {  	_ =	swait.ge [sflag:s28], $0x2000  }
0x141: {  	[sflag:s28] =	ssyncset.done $0x0  }
0x142: {  	[sflag:s28] =	ssyncadd.s32 $0xFFFFE000  }
0x143: {  	[spmem:s1] =	stream.indirect.scatter.add.f32 [tilespmem:s19], [sflag:$0x5], $0x80, s11, s15, $0xb8;
	[tilespmem:$0x1CC00] =	vst v63  }
0x144: {  	_ =	swait.ge [sflag:s13], $0x2000  }
0x145: {  	[sflag:s13] =	ssyncset.done $0x0  }
0x146: {  	[sflag:s13] =	ssyncadd.s32 $0xFFFFE000  }
0x147: {  	_ =	swait.ge [sflag:s31], $0x2000  }
0x148: {  	[sflag:s31] =	ssyncset.done $0x0  }
0x149: {  	[sflag:s31] =	ssyncadd.s32 $0xFFFFE000  }
0x14a: {  	[spmem:s1] =	stream.indirect.scatter.add.f32 [tilespmem:s21], [sflag:$0x5], $0x80, s6, s15, $0xb8;
	[tilespmem:$0x1CC00] =	vst v63  }
0x14b: {  	s8 =	simm.s32 $0x100;
	_ =	swait.ge [sflag:s13], $0x2000  }
.LBB2_3:
0x14c: {  	s12 =	rddreg [dreg:$0x4];
	s5 =	smov.u32 s8;
	[sflag:s13] =	ssyncset.done $0x0  }
0x14d: {  	s12 =	sadd.s32 s5, s12;
	[sflag:s13] =	ssyncadd.s32 $0xFFFFE000  }
0x14e: {  	[tilespmem:s3], [sflag:$0x5] =	stream.linear.gather [hbm4b:s12+s3], $0x800, $0x38;
	[tilespmem:$0x1CC00] =	vst v63  }
0x14f: {  	_ =	swait.ge [sflag:s13], $0x800  }
0x150: {  	s12 =	rddreg [dreg:$0x3];
	[sflag:s13] =	ssyncset.done $0x0  }
0x151: {  	[sflag:s13] =	ssyncadd.s32 $0xFFFFF800;
	s5 =	sadd.s32 s5, s12  }
0x152: {  	[tilespmem:s14], [sflag:$0x5] =	stream.linear.gather [hbm4b:s5+s3], $0x800, $0x38;
	[tilespmem:$0x1CC00] =	vst v63  }
0x153: {  	_ =	swait.ge [sflag:s13], $0x800  }
0x154: {  	[sflag:s13] =	ssyncset.done $0x0  }
0x155: {  	[sflag:s13] =	ssyncadd.s32 $0xFFFFF800  }
0x156: {  	[tilespmem:s16], [sflag:$0x1] =	stream.indirect.gather [hbm4b:s4+s15], $0x80, s3, s15, $0xb8;
	[tilespmem:$0x1CC00] =	vst v63  }
0x157: {  	s12 =	simm.s32 $0x80  }
0x158: {  	[tilespmem:s18], [sflag:$0x2] =	stream.indirect.gather [hbm4b:s4+s15], $0x80, s12, s15, $0xb8;
	[tilespmem:$0x1CC00] =	vst v63  }
0x159: {  	s5 =	rddreg [dreg:$0x5]  }
0x15a: {  	[tilespmem:s19], [sflag:$0x3] =	stream.indirect.gather [hbm4b:s4+s15], $0x80, s5, s15, $0xb8;
	[tilespmem:$0x1CC00] =	vst v63  }
0x15b: {  	s12 =	simm.s32 $0x180  }
0x15c: {  	[tilespmem:s21], [sflag:$0x4] =	stream.indirect.gather [hbm4b:s4+s15], $0x80, s12, s15, $0xb8;
	[tilespmem:$0x1CC00] =	vst v63  }
0x15d: {  	_ =	swait.ge [sflag:s22], $0x2000  }
0x15e: {  	[sflag:s22] =	ssyncset.done $0x0  }
0x15f: {  	[sflag:s22] =	ssyncadd.s32 $0xFFFFE000  }
0x160: {  	[spmem:s1] =	stream.indirect.scatter.add.f32 [tilespmem:s16], [sflag:$0x5], $0x80, s14, s15, $0xb8;
	[tilespmem:$0x1CC00] =	vst v63  }
0x161: {  	_ =	swait.ge [sflag:s13], $0x2000  }
0x162: {  	[sflag:s13] =	ssyncset.done $0x0  }
0x163: {  	s12 =	simm.s32 $0x200;
	[sflag:s13] =	ssyncadd.s32 $0xFFFFE000  }
0x164: {  	[tilespmem:s16], [sflag:$0x1] =	stream.indirect.gather [hbm4b:s4+s15], $0x80, s12, s15, $0xb8;
	[tilespmem:$0x1CC00] =	vst v63  }
0x165: {  	_ =	swait.ge [sflag:s24], $0x2000  }
0x166: {  	[sflag:s24] =	ssyncset.done $0x0  }
0x167: {  	s12 =	simm.s32 $0x880;
	[sflag:s24] =	ssyncadd.s32 $0xFFFFE000  }
0x168: {  	[spmem:s1] =	stream.indirect.scatter.add.f32 [tilespmem:s18], [sflag:$0x5], $0x80, s12, s15, $0xb8;
	[tilespmem:$0x1CC00] =	vst v63  }
0x169: {  	_ =	swait.ge [sflag:s13], $0x2000  }
0x16a: {  	[sflag:s13] =	ssyncset.done $0x0  }
0x16b: {  	s12 =	simm.s32 $0x280;
	[sflag:s13] =	ssyncadd.s32 $0xFFFFE000  }
0x16c: {  	[tilespmem:s18], [sflag:$0x2] =	stream.indirect.gather [hbm4b:s4+s15], $0x80, s12, s15, $0xb8;
	[tilespmem:$0x1CC00] =	vst v63  }
0x16d: {  	_ =	swait.ge [sflag:s28], $0x2000  }
0x16e: {  	[sflag:s28] =	ssyncset.done $0x0  }
0x16f: {  	s12 =	simm.s32 $0x900;
	[sflag:s28] =	ssyncadd.s32 $0xFFFFE000  }
0x170: {  	[spmem:s1] =	stream.indirect.scatter.add.f32 [tilespmem:s19], [sflag:$0x5], $0x80, s12, s15, $0xb8;
	[tilespmem:$0x1CC00] =	vst v63  }
0x171: {  	_ =	swait.ge [sflag:s13], $0x2000  }
0x172: {  	[sflag:s13] =	ssyncset.done $0x0  }
0x173: {  	s12 =	simm.s32 $0x300;
	[sflag:s13] =	ssyncadd.s32 $0xFFFFE000  }
0x174: {  	[tilespmem:s19], [sflag:$0x3] =	stream.indirect.gather [hbm4b:s4+s15], $0x80, s12, s15, $0xb8;
	[tilespmem:$0x1CC00] =	vst v63  }
0x175: {  	_ =	swait.ge [sflag:s31], $0x2000  }
0x176: {  	[sflag:s31] =	ssyncset.done $0x0  }
0x177: {  	s12 =	simm.s32 $0x980;
	[sflag:s31] =	ssyncadd.s32 $0xFFFFE000  }
0x178: {  	[spmem:s1] =	stream.indirect.scatter.add.f32 [tilespmem:s21], [sflag:$0x5], $0x80, s12, s15, $0xb8;
	[tilespmem:$0x1CC00] =	vst v63  }
0x179: {  	_ =	swait.ge [sflag:s13], $0x2000  }
0x17a: {  	[sflag:s13] =	ssyncset.done $0x0  }
0x17b: {  	s12 =	simm.s32 $0x380;
	[sflag:s13] =	ssyncadd.s32 $0xFFFFE000  }
0x17c: {  	[tilespmem:s21], [sflag:$0x4] =	stream.indirect.gather [hbm4b:s4+s15], $0x80, s12, s15, $0xb8;
	[tilespmem:$0x1CC00] =	vst v63  }
0x17d: {  	_ =	swait.ge [sflag:s22], $0x2000  }
0x17e: {  	[sflag:s22] =	ssyncset.done $0x0  }
0x17f: {  	s12 =	simm.s32 $0xA00;
	[sflag:s22] =	ssyncadd.s32 $0xFFFFE000  }
0x180: {  	[spmem:s1] =	stream.indirect.scatter.add.f32 [tilespmem:s16], [sflag:$0x5], $0x80, s12, s15, $0xb8;
	[tilespmem:$0x1CC00] =	vst v63  }
0x181: {  	_ =	swait.ge [sflag:s13], $0x2000  }
0x182: {  	[sflag:s13] =	ssyncset.done $0x0  }
0x183: {  	s12 =	simm.s32 $0x400;
	[sflag:s13] =	ssyncadd.s32 $0xFFFFE000  }
0x184: {  	[tilespmem:s16], [sflag:$0x1] =	stream.indirect.gather [hbm4b:s4+s15], $0x80, s12, s15, $0xb8;
	[tilespmem:$0x1CC00] =	vst v63  }
0x185: {  	_ =	swait.ge [sflag:s24], $0x2000  }
0x186: {  	[sflag:s24] =	ssyncset.done $0x0  }
0x187: {  	s12 =	simm.s32 $0xA80;
	[sflag:s24] =	ssyncadd.s32 $0xFFFFE000  }
0x188: {  	[spmem:s1] =	stream.indirect.scatter.add.f32 [tilespmem:s18], [sflag:$0x5], $0x80, s12, s15, $0xb8;
	[tilespmem:$0x1CC00] =	vst v63  }
0x189: {  	_ =	swait.ge [sflag:s13], $0x2000  }
0x18a: {  	[sflag:s13] =	ssyncset.done $0x0  }
0x18b: {  	s12 =	simm.s32 $0x480;
	[sflag:s13] =	ssyncadd.s32 $0xFFFFE000  }
0x18c: {  	[tilespmem:s18], [sflag:$0x2] =	stream.indirect.gather [hbm4b:s4+s15], $0x80, s12, s15, $0xb8;
	[tilespmem:$0x1CC00] =	vst v63  }
0x18d: {  	_ =	swait.ge [sflag:s28], $0x2000  }
0x18e: {  	[sflag:s28] =	ssyncset.done $0x0  }
0x18f: {  	s12 =	simm.s32 $0xB00;
	[sflag:s28] =	ssyncadd.s32 $0xFFFFE000  }
0x190: {  	[spmem:s1] =	stream.indirect.scatter.add.f32 [tilespmem:s19], [sflag:$0x5], $0x80, s12, s15, $0xb8;
	[tilespmem:$0x1CC00] =	vst v63  }
0x191: {  	_ =	swait.ge [sflag:s13], $0x2000  }
0x192: {  	[sflag:s13] =	ssyncset.done $0x0  }
0x193: {  	s12 =	simm.s32 $0x500;
	[sflag:s13] =	ssyncadd.s32 $0xFFFFE000  }
0x194: {  	[tilespmem:s19], [sflag:$0x3] =	stream.indirect.gather [hbm4b:s4+s15], $0x80, s12, s15, $0xb8;
	[tilespmem:$0x1CC00] =	vst v63  }
0x195: {  	_ =	swait.ge [sflag:s31], $0x2000  }
0x196: {  	[sflag:s31] =	ssyncset.done $0x0  }
0x197: {  	[sflag:s31] =	ssyncadd.s32 $0xFFFFE000  }
0x198: {  	[spmem:s1] =	stream.indirect.scatter.add.f32 [tilespmem:s21], [sflag:$0x5], $0x80, s9, s15, $0xb8;
	[tilespmem:$0x1CC00] =	vst v63  }
0x199: {  	_ =	swait.ge [sflag:s13], $0x2000  }
0x19a: {  	[sflag:s13] =	ssyncset.done $0x0  }
0x19b: {  	[sflag:s13] =	ssyncadd.s32 $0xFFFFE000  }
0x19c: {  	[tilespmem:s21], [sflag:$0x4] =	stream.indirect.gather [hbm4b:s4+s15], $0x80, s17, s15, $0xb8;
	[tilespmem:$0x1CC00] =	vst v63  }
0x19d: {  	_ =	swait.ge [sflag:s22], $0x2000  }
0x19e: {  	[sflag:s22] =	ssyncset.done $0x0  }
0x19f: {  	[sflag:s22] =	ssyncadd.s32 $0xFFFFE000  }
0x1a0: {  	[spmem:s1] =	stream.indirect.scatter.add.f32 [tilespmem:s16], [sflag:$0x5], $0x80, s20, s15, $0xb8;
	[tilespmem:$0x1CC00] =	vst v63  }
0x1a1: {  	_ =	swait.ge [sflag:s13], $0x2000  }
0x1a2: {  	[sflag:s13] =	ssyncset.done $0x0  }
0x1a3: {  	[sflag:s13] =	ssyncadd.s32 $0xFFFFE000  }
0x1a4: {  	[tilespmem:s16], [sflag:$0x1] =	stream.indirect.gather [hbm4b:s4+s15], $0x80, s23, s15, $0xb8;
	[tilespmem:$0x1CC00] =	vst v63  }
0x1a5: {  	_ =	swait.ge [sflag:s24], $0x2000  }
0x1a6: {  	[sflag:s24] =	ssyncset.done $0x0  }
0x1a7: {  	[sflag:s24] =	ssyncadd.s32 $0xFFFFE000  }
0x1a8: {  	[spmem:s1] =	stream.indirect.scatter.add.f32 [tilespmem:s18], [sflag:$0x5], $0x80, s25, s15, $0xb8;
	[tilespmem:$0x1CC00] =	vst v63  }
0x1a9: {  	_ =	swait.ge [sflag:s13], $0x2000  }
0x1aa: {  	[sflag:s13] =	ssyncset.done $0x0  }
0x1ab: {  	[sflag:s13] =	ssyncadd.s32 $0xFFFFE000  }
0x1ac: {  	[tilespmem:s18], [sflag:$0x2] =	stream.indirect.gather [hbm4b:s4+s15], $0x80, s26, s15, $0xb8;
	[tilespmem:$0x1CC00] =	vst v63  }
0x1ad: {  	_ =	swait.ge [sflag:s28], $0x2000  }
0x1ae: {  	[sflag:s28] =	ssyncset.done $0x0  }
0x1af: {  	[sflag:s28] =	ssyncadd.s32 $0xFFFFE000  }
0x1b0: {  	[spmem:s1] =	stream.indirect.scatter.add.f32 [tilespmem:s19], [sflag:$0x5], $0x80, s29, s15, $0xb8;
	[tilespmem:$0x1CC00] =	vst v63  }
0x1b1: {  	_ =	swait.ge [sflag:s13], $0x2000  }
0x1b2: {  	[sflag:s13] =	ssyncset.done $0x0  }
0x1b3: {  	[sflag:s13] =	ssyncadd.s32 $0xFFFFE000  }
0x1b4: {  	[tilespmem:s19], [sflag:$0x3] =	stream.indirect.gather [hbm4b:s4+s15], $0x80, s30, s15, $0xb8;
	[tilespmem:$0x1CC00] =	vst v63  }
0x1b5: {  	_ =	swait.ge [sflag:s31], $0x2000  }
0x1b6: {  	[sflag:s31] =	ssyncset.done $0x0  }
0x1b7: {  	[sflag:s31] =	ssyncadd.s32 $0xFFFFE000  }
0x1b8: {  	[spmem:s1] =	stream.indirect.scatter.add.f32 [tilespmem:s21], [sflag:$0x5], $0x80, s0, s15, $0xb8;
	[tilespmem:$0x1CC00] =	vst v63  }
0x1b9: {  	_ =	swait.ge [sflag:s13], $0x2000  }
0x1ba: {  	[sflag:s13] =	ssyncset.done $0x0  }
0x1bb: {  	[sflag:s13] =	ssyncadd.s32 $0xFFFFE000  }
0x1bc: {  	[tilespmem:s21], [sflag:$0x4] =	stream.indirect.gather [hbm4b:s4+s15], $0x80, s2, s15, $0xb8;
	[tilespmem:$0x1CC00] =	vst v63  }
0x1bd: {  	_ =	swait.ge [sflag:s22], $0x2000  }
0x1be: {  	[sflag:s22] =	ssyncset.done $0x0  }
0x1bf: {  	[sflag:s22] =	ssyncadd.s32 $0xFFFFE000  }
0x1c0: {  	[spmem:s1] =	stream.indirect.scatter.add.f32 [tilespmem:s16], [sflag:$0x5], $0x80, s7, s15, $0xb8;
	[tilespmem:$0x1CC00] =	vst v63  }
0x1c1: {  	_ =	swait.ge [sflag:s13], $0x2000  }
0x1c2: {  	[sflag:s13] =	ssyncset.done $0x0  }
0x1c3: {  	[sflag:s13] =	ssyncadd.s32 $0xFFFFE000  }
0x1c4: {  	_ =	swait.ge [sflag:s24], $0x2000  }
0x1c5: {  	[sflag:s24] =	ssyncset.done $0x0  }
0x1c6: {  	[sflag:s24] =	ssyncadd.s32 $0xFFFFE000  }
0x1c7: {  	[spmem:s1] =	stream.indirect.scatter.add.f32 [tilespmem:s18], [sflag:$0x5], $0x80, s10, s15, $0xb8;
	[tilespmem:$0x1CC00] =	vst v63  }
0x1c8: {  	_ =	swait.ge [sflag:s13], $0x2000  }
0x1c9: {  	[sflag:s13] =	ssyncset.done $0x0  }
0x1ca: {  	[sflag:s13] =	ssyncadd.s32 $0xFFFFE000  }
0x1cb: {  	_ =	swait.ge [sflag:s28], $0x2000  }
0x1cc: {  	[sflag:s28] =	ssyncset.done $0x0  }
0x1cd: {  	[sflag:s28] =	ssyncadd.s32 $0xFFFFE000  }
0x1ce: {  	[spmem:s1] =	stream.indirect.scatter.add.f32 [tilespmem:s19], [sflag:$0x5], $0x80, s11, s15, $0xb8;
	[tilespmem:$0x1CC00] =	vst v63  }
0x1cf: {  	_ =	swait.ge [sflag:s13], $0x2000  }
0x1d0: {  	[sflag:s13] =	ssyncset.done $0x0  }
0x1d1: {  	p1 =	seq.s32 s8, $0x1100;
	[sflag:s13] =	ssyncadd.s32 $0xFFFFE000  }
.Ltmp5:
0x1d2: {  	_ =	swait.ge [sflag:s31], $0x2000;
	(pc) =	sbr.rel @!p1 .LBB2_3-.Ltmp5, $4  }
0x1d3: {  	[sflag:s31] =	ssyncset.done $0x0  }
0x1d4: {  	[sflag:s31] =	ssyncadd.s32 $0xFFFFE000  }
0x1d5: {  	[spmem:s1] =	stream.indirect.scatter.add.f32 [tilespmem:s21], [sflag:$0x5], $0x80, s6, s15, $0xb8;
	[tilespmem:$0x1CC00] =	vst v63  }
0x1d6: {  	s8 =	sadd.s32 $0x100, s8;
	_ =	swait.ge [sflag:s13], $0x2000  }
.Ltmp6:
0x1d7: {  	_ = 	snop;
	(pc) =	sbr.rel .LBB2_4-.Ltmp6, $1  }
0x1d8: {  	_ =	sdelay $0x3  }
.LBB2_7:
0x1d9: {  	_ =	sfence.sel $0x180000  }
0x1da: {  	[bflag:$0x0] =	sbarrier.arrive $0xFFFF  }
0x1db: {  	_ =	strace $0x9000004D  }
0x1dc: {  	s0 =	stileid.u32;
	[bflag:$0x2] =	sbarrier.arrive $0xFFFF  }
0x1dd: {  	p0 =	sne.s32 s0, $0x0;
	s0 =	rddreg [dreg:$0x2]  }
0x1de: {  	s0 =	sadd.s32 @!p0 $0x100000, s0  }
0x1df: {  	[sflag:s0] =	ssyncadd.tile.s32 @!p0 $0x1;
	_ =	shalt  }
.Lfunc_end2:
_tile_overlayer_lowered:
.L_overlay_start_2:
0x1e0: {  	(tag) =	ssettag $0x2  }
0x1e1: {  	s0 =	rddreg [dreg:$0x0];
	s2 =	stileid.u32  }
0x1e2: {  	s1 =	rddreg [dreg:$0x1];
	p0 =	sne.s32 s2, $0x0  }
0x1e3: {  	s3 =	rddreg [dreg:$0x2];
	[bflag:$0x3] =	sbarrier.arrive $0xFFFF;
	s2 =	simm.s32 @!p0 $0x1C05  }
0x1e4: {  	[timem:s3], [sflag:s2] =	dma.local @!p0 [hbm:s0], s1  }
0x1e5: {  	s0 =	simm.s32 @!p0 $0x5  }
0x1e6: {  	_ =	swait.ge @!p0 [sflag:s0], s1  }
0x1e7: {  	s1 =	ssub.s32 @!p0 $0x0, s1;
	[sflag:s0] =	ssyncset.done @!p0 $0x0  }
0x1e8: {  	[sflag:s0] =	ssyncadd.s32 @!p0 s1  }
0x1e9: {  	[bflag:$0x3] =	sbarrier.arrive $0xFFFF  }
0x1ea: {  	_ =	shalt  }

// kernel: kernel.9.cloned.1.call-start
scs
__scs_entry_jumppad:
0x0: {  	(pc) =	sbr.rel $0x88, $3  }
0x1: {  	(tag) =	ssettag $0x0;
	lr =	simm.s32 $0x1  }
0x2: {  	[smem:$0x3F9B] =	sst lr;
	_ =	strace $0xD0000000  }
0x3: {  	_ = 	snop  }
0x4: {  	_ = 	snop  }
0x5: {  	_ = 	snop  }
0x6: {  	_ = 	snop  }
0x7: {  	_ = 	snop  }
__scs_overlays_trampoline_lowered:
0x8: {  	[smem:$0x3FAA] =	sst s0  }
0x9: {  	[smem:$0x3FAB] =	sst s1  }
0xa: {  	[smem:$0x3FAC] =	sst s2  }
0xb: {  	[smem:$0x3FAD] =	sst s3  }
0xc: {  	[smem:$0x3FAE] =	sst s4  }
0xd: {  	[smem:$0x3FAF] =	sst s5  }
0xe: {  	[smem:$0x3FB0] =	sst s6  }
0xf: {  	[smem:$0x3FB1] =	sst s7  }
0x10: {  	[smem:$0x3FB2] =	sst s8  }
0x11: {  	[smem:$0x3FB3] =	sst s9;
	s0 =	simm.s32 @!p0 $0x0  }
0x12: {  	s1 =	sld [smem:$0x3F99];
	s0 =	simm.s32 @p0 $0x1  }
0x13: {  	[smem:$0x3FB4] =	sst s0;
	s0 =	simm.s32 @!p1 $0x0  }
0x14: {  	s2 =	sld [smem:$0x3F98];
	s0 =	simm.s32 @p1 $0x1  }
0x15: {  	[smem:$0x3FB5] =	sst s0;
	s0 =	simm.s32 @!p2 $0x0  }
0x16: {  	s3 =	sld [smem:$0x3FDB];
	s0 =	simm.s32 @p2 $0x1  }
0x17: {  	s4 =	simm.s32 $0x1BF5;
	[smem:$0x3FB7] =	sst s0  }
0x18: {  	s0 =	sld [smem:$0x3F9A];
	_ =	swait.ge [sflag:s4], $0x0  }
0x19: {  	s7 =	sld [smem:$0x3F9B]  }
0x1a: {  	s8 =	sadd.s32 $0xFFFFE003, lr  }
0x1b: {  	s9 =	sadd.s32 $0xFFFFFEF7, lr;
	s5 =	simm.s32 $0xFFFFFFFF;
	p2 =	slt.u32 s8, $0xFFFFF086  }
0x1c: {  	p1 =	slt.u32 s9, $0xF7A;
	s5 =	simm.s32 @!p2 $0x0  }
0x1d: {  	s5 =	simm.s32 @p1 $0x1;
	p0 =	seq.s32 s7, s2  }
0x1e: {  	s7 =	smul.u32 @!p0 $0xF7A, s2;
	p2 =	seq.s32 @!p0 s5, $0x0  }
0x1f: {  	s9 =	smul.u32 $0xF7A, s1;
	s8 =	simm.s32 @!p0 $0x1BF5;
	p2 =	por !p2, p0  }
0x20: {  	[sflag:s8] =	ssyncset.s32 @!p0 $0xFFFFF086;
	s6 =	sadd.s32 @!p0 s3, s7;
	s7 =	simm.s32 @!p0 $0x108  }
0x21: {  	s3 =	sadd.s32 s3, s9;
	s6 =	sadd.s32 @!p0 $0x88, s6;
	s7 =	simm.s32 @p2 $0x1082  }
0x22: {  	[simem:s7], [sflag:s8] =	dma.local @!p0 [hbm:s6], $0xF7A  }
0x23: {  	s9 =	sor.u32 $0xD0000000, s2;
	s6 =	simm.s32 $0x108;
	_ =	swait.ge @!p0 [sflag:s8], $0x0  }
0x24: {  	s3 =	sadd.s32 $0x88, s3;
	s6 =	simm.s32 @!p1 $0x1082;
	[sflag:s4] =	ssyncset.s32 $0xFFFFF086  }
0x25: {  	[simem:s6], [sflag:s4] =	dma.local [hbm:s3], $0xF7A  }
0x26: {  	[smem:$0x3F9B] =	sst s1;
	(tag) =	ssettag s2;
	_ =	strace s9  }
0x27: {  	s1 =	sld [smem:$0x3FAB]  }
0x28: {  	s2 =	sld [smem:$0x3FAC]  }
0x29: {  	s4 =	sld [smem:$0x3FAE]  }
0x2a: {  	p0 =	seq.s32 s5, $0x0;
	s5 =	sld [smem:$0x3FAF]  }
0x2b: {  	s6 =	sld [smem:$0x3FB0]  }
0x2c: {  	s7 =	sld [smem:$0x3FB1]  }
0x2d: {  	s3 =	simm.s32 $0x108;
	s8 =	sld [smem:$0x3FB2]  }
0x2e: {  	s3 =	simm.s32 @!p0 $0x1082;
	s9 =	sld [smem:$0x3FB3]  }
0x2f: {  	lr =	sadd.s32 s0, s3;
	s0 =	sld [smem:$0x3FAA]  }
0x30: {  	s3 =	sld [smem:$0x3FAD]  }
0x31: {  	[smem:$0x3FB6] =	sst s10  }
0x32: {  	s10 =	sld [smem:$0x3FB4];
	_ =	sdelay $0x3  }
0x33: {  	p0 =	seq.s32 s10, $0x1;
	s10 =	sld [smem:$0x3FB6];
	_ =	sdelay $0x3  }
0x34: {  	[smem:$0x3FB6] =	sst s10  }
0x35: {  	s10 =	sld [smem:$0x3FB5];
	_ =	sdelay $0x3  }
0x36: {  	p1 =	seq.s32 s10, $0x1;
	s10 =	sld [smem:$0x3FB6];
	_ =	sdelay $0x3  }
0x37: {  	[smem:$0x3FB6] =	sst s10  }
0x38: {  	s10 =	sld [smem:$0x3FB7]  }
0x39: {  	_ = 	snop;
	(pc) =	sbr.ind lr, $3  }
0x3a: {  	_ = 	snop  }
0x3b: {  	_ = 	snop  }
0x3c: {  	p2 =	seq.s32 s10, $0x1;
	s10 =	sld [smem:$0x3FB6]  }
0x3d: {  	_ =	shalt  }
0x3e: {  	_ =	shalt  }
0x3f: {  	_ =	shalt  }
0x40: {  	_ =	shalt  }
0x41: {  	_ =	shalt  }
0x42: {  	_ =	shalt  }
0x43: {  	_ =	shalt  }
0x44: {  	_ =	shalt  }
0x45: {  	_ =	shalt  }
0x46: {  	_ =	shalt  }
0x47: {  	_ =	shalt  }
0x48: {  	_ =	shalt  }
0x49: {  	_ =	shalt  }
0x4a: {  	_ =	shalt  }
0x4b: {  	_ =	shalt  }
0x4c: {  	_ =	shalt  }
0x4d: {  	_ =	shalt  }
0x4e: {  	_ =	shalt  }
0x4f: {  	_ =	shalt  }
0x50: {  	_ =	shalt  }
0x51: {  	_ =	shalt  }
0x52: {  	_ =	shalt  }
0x53: {  	_ =	shalt  }
0x54: {  	_ =	shalt  }
0x55: {  	_ =	shalt  }
0x56: {  	_ =	shalt  }
0x57: {  	_ =	shalt  }
0x58: {  	_ =	shalt  }
0x59: {  	_ =	shalt  }
0x5a: {  	_ =	shalt  }
0x5b: {  	_ =	shalt  }
0x5c: {  	_ =	shalt  }
0x5d: {  	_ =	shalt  }
0x5e: {  	_ =	shalt  }
0x5f: {  	_ =	shalt  }
0x60: {  	_ =	shalt  }
0x61: {  	_ =	shalt  }
0x62: {  	_ =	shalt  }
0x63: {  	_ =	shalt  }
0x64: {  	_ =	shalt  }
0x65: {  	_ =	shalt  }
0x66: {  	_ =	shalt  }
0x67: {  	_ =	shalt  }
0x68: {  	_ =	shalt  }
0x69: {  	_ =	shalt  }
0x6a: {  	_ =	shalt  }
0x6b: {  	_ =	shalt  }
0x6c: {  	_ =	shalt  }
0x6d: {  	_ =	shalt  }
0x6e: {  	_ =	shalt  }
0x6f: {  	_ =	shalt  }
0x70: {  	_ =	shalt  }
0x71: {  	_ =	shalt  }
0x72: {  	_ =	shalt  }
0x73: {  	_ =	shalt  }
0x74: {  	_ =	shalt  }
0x75: {  	_ =	shalt  }
0x76: {  	_ =	shalt  }
0x77: {  	_ =	shalt  }
0x78: {  	_ =	shalt  }
0x79: {  	_ =	shalt  }
0x7a: {  	_ =	shalt  }
0x7b: {  	_ =	shalt  }
0x7c: {  	_ =	shalt  }
0x7d: {  	_ =	shalt  }
0x7e: {  	_ =	shalt  }
0x7f: {  	_ =	shalt  }
0x80: {  	_ =	shalt  }
0x81: {  	_ =	shalt  }
0x82: {  	_ =	shalt  }
0x83: {  	_ =	shalt  }
0x84: {  	_ =	shalt  }
0x85: {  	_ =	shalt  }
0x86: {  	_ =	shalt  }
0x87: {  	_ =	shalt  }
.Lfunc_end0:
.L_simem_size_0:
called_computation_lowered:
.L_overlay_start_0:
0x88: {  	s2 =	sld [smem:$0x3FD9]  }
0x89: {  	s3 =	sld [smem:$0x3FFE];
	_ =	sdelay $0x1  }
0x8a: {  	s1 =	srdreg.scid  }
0x8b: {  	s0 =	sand.u32 $0x1, s1  }
0x8c: {  	s17 =	sshll.u32 s0, $0xA;
	s2 =	sadd.s32 s3, s2  }
0x8d: {  	s2 =	sadd.s32 s2, s17  }
0x8e: {  	[smem:$0x3FC2] =	sst s2  }
0x8f: {  	_ = 	snop  }
0x90: {  	s2 =	sld [smem:$0x3FD0];
	(tm) =	ssettm $0x1  }
0x91: {  	s18 =	sld [smem:$0x3FFB];
	_ =	sdelay $0x3  }
0x92: {  	_ =	strace s18  }
0x93: {  	s3 =	sld [smem:$0x3FFC];
	_ =	sdelay $0x3  }
0x94: {  	_ =	strace s3  }
0x95: {  	s3 =	sld [smem:$0x3FFD];
	_ =	sdelay $0x3  }
0x96: {  	_ =	strace s3  }
0x97: {  	_ =	strace $0x8FFFFFFF  }
0x98: {  	s19 =	sld [smem:$0x3FDB];
	_ =	sdelay $0x1  }
0x99: {  	s4 =	simm.s32 $_scs_section_size  }
0x9a: {  	s5 =	simm.s32 $_size__tile_overlayer_lowered;
	s6 =	simm.s32 $_tile_overlayer_lowered  }
0x9b: {  	s22 =	simm.s32 $0x1BFF;
	s21 =	sshll.u32 s6, $0x1;
	s3 =	sadd.s32 s4, s19  }
0x9c: {  	s7 =	simm.s32 $0x0;
	s20 =	sshll.u32 s5, $0x1;
	s5 =	sadd.s32 s21, s3  }
0x9d: {  	[timem:s7], [sflag:s22] =	dma.local [hbm:s5], s20  }
0x9e: {  	_ =	swait.ge [sflag:s22], s20  }
0x9f: {  	s4 =	ssub.s32 $0x0, s20;
	[sflag:s22] =	ssyncset.done $0x0  }
0xa0: {  	[sflag:s22] =	ssyncadd.s32 s4;
	_ =	sdelay $0x1  }
0xa1: {  	s23 =	simm.s32 $0x1B8B  }
0xa2: {  	_ =	swait.ge [sflag:s23], $0x1  }
0xa3: {  	[sflag:s23] =	ssyncset.done $0x0  }
0xa4: {  	s25 =	simm.s32 $0x1B8E;
	s24 =	sld [smem:$0x3FFE];
	[sflag:s23] =	ssyncadd.s32 $0xFFFFFFFF  }
0xa5: {  	s26 =	simm.s32 $execute0_lowered;
	[smem:$0x3FD2] =	sst s25  }
0xa6: {  	s5 =	sshll.u32 s26, $0x1;
	_ =	strace $0x80000046;
	[dreg:$0x1] =	wrdreg $0xFFFFFFFF  }
0xa7: {  	s28 =	simm.s32 $_size_execute0_lowered;
	s3 =	sadd.s32 s3, s5;
	[dreg:$0x0] =	wrdreg $0x0  }
0xa8: {  	s5 =	sshll.u32 s28, $0x1;
	[dreg:$0x2] =	wrdreg s3  }
0xa9: {  	[dreg:$0x3] =	wrdreg s5  }
0xaa: {  	[dreg:$0x4] =	wrdreg $0xC0  }
0xab: {  	_ =	task [dreg:s7], $0x5FFFF  }
0xac: {  	[dreg:$0x1] =	wrdreg $0xFFFFFFFF  }
0xad: {  	[dreg:$0x0] =	wrdreg $0x60  }
0xae: {  	[dreg:$0x2] =	wrdreg s2  }
0xaf: {  	[dreg:$0x3] =	wrdreg s24  }
0xb0: {  	[dreg:$0x4] =	wrdreg $0x68000  }
0xb1: {  	[dreg:$0x5] =	wrdreg $0x9  }
0xb2: {  	_ =	task.clear_ibuf [dreg:s7], $0x6FFFF;
	_ =	strace $0x90000046  }
0xb3: {  	s29 =	simm.s32 $0x9;
	_ =	strace $0x80000048  }
0xb4: {  	_ =	swait.ge [sflag:s29], $0x1  }
0xb5: {  	[sflag:s29] =	ssyncadd.s32 $0xFFFFFFFF  }
0xb6: {  	_ =	strace $0x90000048  }
0xb7: {  	_ =	sfence  }
0xb8: {  	s30 =	sld [smem:$0x0];
	_ =	sdelay $0x2  }
0xb9: {  	s31 =	sshll.u32 s1, $0xD;
	s1 =	sshrl.u32 s1, $0x2  }
0xba: {  	s3 =	sand.u32 $0x4000, s31;
	s1 =	sadd.s32 s1, s30  }
0xbb: {  	s0 =	sor.u32 s3, s0;
	s1 =	sshll.u32 s1, $0x11  }
0xbc: {  	s0 =	sor.u32 s1, s0  }
0xbd: {  	s0 =	sadd.s32 $0x8F2B, s0  }
0xbe: {  	[sflag:s0] =	ssyncadd.remote.s32 $0x1  }
0xbf: {  	_ =	sfence.sel $0xFFFF  }
0xc0: {  	[dreg:$0x0] =	wrdreg $0xFFFFFFFF;
	(pc) =	sbr.abs _section_cstart, $3  }
0xc1: {  	[dreg:$0x1] =	wrdreg $0xFFFFFFFF  }
0xc2: {  	_ =	task.clear_ibuf [dreg:s7], $0x2FFFF;
	_ =	strace $0x9FFFFFFF  }
0xc3: {  	(tm) =	ssettm $0x7FFFFFFF  }
tec
execute0_lowered:
.L_overlay_start_1:
0x0: {  	(tag) =	ssettag $0x1  }
0x1: {  	s7 =	rddreg [dreg:$0x0]  }
0x2: {  	s6 =	rddreg [dreg:$0x1]  }
0x3: {  	s0 =	srdreg.scid;
	s2 =	rddreg [dreg:$0x2]  }
0x4: {  	s1 =	stileid.u32;
	s3 =	simm.s32 $0x0;
	s13 =	simm.s32 $0x80  }
0x5: {  	s14 =	simm.s32 $0x1;
	s15 =	simm.s32 $0x0;
	s5 =	smul.u32 $0x13C00, s1  }
0x6: {  	s8 =	sand.u32 $0x1, s0;
	s0 =	rddreg [dreg:$0x3];
	s11 =	smul.u32 $0x4F000, s1  }
0x7: {  	[smem:$0x7FF] =	sst s3;
	s12 =	sshll.u32 s1, $0x6;
	s4 =	smul.u32 $0x13C000, s8  }
0x8: {  	_ =	strace $0x80000047;
	s10 =	ssub.s32 $0x2, s8;
	s8 =	sshll.u32 s8, $0x4  }
0x9: {  	s31 =	sshrl.u32 s10, $0x1;
	s8 =	sor.u32 s1, s8;
	s11 =	sshrl.u32 s11, $0x2  }
0xa: {  	s9 =	sadd.s32 s5, s4;
	s4 =	sadd.s32 $0x3000, s6;
	s5 =	sadd.s32 $0x5800, s6  }
0xb: {  	s8 =	smul.u32 $0x500, s8;
	s10 =	ssub.s32 s10, s31;
	s9 =	sshrl.u32 s9, $0x3  }
0xc: {  	s11 =	sadd.s32 s11, s2;
	s9 =	sadd.s32 s9, s6;
	s6 =	sor.u32 $0x1C02, s12  }
0xd: {  	s7 =	sadd.s32 s7, s8;
	s12 =	simm.s32 $0x2800;
	s8 =	sadd.s32 $0x6000, s9  }
0xe: {  	s9 =	smax.u32 s10, $0x1;
	s10 =	sshrl.u32 s11, $0x3;
	s11 =	simm.s32 $0x2  }
.LBB2_1:
0xf: {  	[spmem:s10], [sflag:s6] =	dma.local [hbm:s4], $0x2780  }
0x10: {  	_ =	swait.ge [sflag:s11], $0x2780  }
0x11: {  	[sflag:s11] =	ssyncset.done $0x0  }
0x12: {  	[sflag:s11] =	ssyncadd.s32 $0xFFFFD880  }
0x13: {  	[tilespmem:s3], [sflag:$0x2] =	stream.linear.gather [hbm4b:s7+s3], $0x2800, $0x38;
	[tilespmem:$0x1A400] =	vst v63  }
0x14: {  	_ =	swait.ge [sflag:s11], $0x2800  }
0x15: {  	[sflag:s11] =	ssyncset.done $0x0  }
0x16: {  	[sflag:s11] =	ssyncadd.s32 $0xFFFFD800  }
0x17: {  	[tilespmem:s12], [sflag:$0x2] =	stream.linear.gather [hbm4b:s5+s3], $0x4000, $0x38;
	[tilespmem:$0x1A400] =	vst v63  }
0x18: {  	_ =	swait.ge [sflag:s11], $0x4000  }
0x19: {  	[sflag:s11] =	ssyncset.done $0x0  }
0x1a: {  	[sflag:s11] =	ssyncadd.s32 $0xFFFFC000  }
0x1b: {  	s16 =	simm.s32 $0x0;
	[bflag:$0x0] =	sbarrier.arrive $0xFFFF  }
0x1c: {  	[spmem:s2] =	stream.indirect.scatter.add.f32 [tilespmem:s12], [sflag:$0x1], $0x80, s16, s13, $0xb8;
	[tilespmem:$0x1A400] =	vst v63  }
0x1d: {  	s24 =	simm.s32 $0x80  }
0x1e: {  	[spmem:s2] =	stream.indirect.scatter.add.f32 [tilespmem:s12], [sflag:$0x1], $0x80, s24, s13, $0xb8;
	[tilespmem:$0x1A400] =	vst v63  }
0x1f: {  	s25 =	simm.s32 $0x100  }
0x20: {  	[spmem:s2] =	stream.indirect.scatter.add.f32 [tilespmem:s12], [sflag:$0x1], $0x80, s25, s13, $0xb8;
	[tilespmem:$0x1A400] =	vst v63  }
0x21: {  	s26 =	simm.s32 $0x180  }
0x22: {  	[spmem:s2] =	stream.indirect.scatter.add.f32 [tilespmem:s12], [sflag:$0x1], $0x80, s26, s13, $0xb8;
	[tilespmem:$0x1A400] =	vst v63  }
0x23: {  	s28 =	simm.s32 $0x200  }
0x24: {  	[spmem:s2] =	stream.indirect.scatter.add.f32 [tilespmem:s12], [sflag:$0x1], $0x80, s28, s13, $0xb8;
	[tilespmem:$0x1A400] =	vst v63  }
0x25: {  	s29 =	simm.s32 $0x280  }
0x26: {  	[spmem:s2] =	stream.indirect.scatter.add.f32 [tilespmem:s12], [sflag:$0x1], $0x80, s29, s13, $0xb8;
	[tilespmem:$0x1A400] =	vst v63  }
0x27: {  	s30 =	simm.s32 $0x300  }
0x28: {  	[spmem:s2] =	stream.indirect.scatter.add.f32 [tilespmem:s12], [sflag:$0x1], $0x80, s30, s13, $0xb8;
	[tilespmem:$0x1A400] =	vst v63  }
0x29: {  	s31 =	simm.s32 $0x380  }
0x2a: {  	[spmem:s2] =	stream.indirect.scatter.add.f32 [tilespmem:s12], [sflag:$0x1], $0x80, s31, s13, $0xb8;
	[tilespmem:$0x1A400] =	vst v63  }
0x2b: {  	_ =	swait.ge [sflag:s14], $0x4000  }
0x2c: {  	[sflag:s14] =	ssyncset.done $0x0  }
0x2d: {  	[sflag:s14] =	ssyncadd.s32 $0xFFFFC000  }
0x2e: {  	_ =	swait.ge [sflag:s14], $0x4000  }
0x2f: {  	[sflag:s14] =	ssyncset.done $0x0  }
0x30: {  	[sflag:s14] =	ssyncadd.s32 $0xFFFFC000  }
0x31: {  	_ =	swait.ge [sflag:s14], $0x4000  }
0x32: {  	[sflag:s14] =	ssyncset.done $0x0  }
0x33: {  	[sflag:s14] =	ssyncadd.s32 $0xFFFFC000  }
0x34: {  	_ =	swait.ge [sflag:s14], $0x4000  }
0x35: {  	[sflag:s14] =	ssyncset.done $0x0  }
0x36: {  	[sflag:s14] =	ssyncadd.s32 $0xFFFFC000  }
0x37: {  	_ =	swait.ge [sflag:s14], $0x4000  }
0x38: {  	[sflag:s14] =	ssyncset.done $0x0  }
0x39: {  	[sflag:s14] =	ssyncadd.s32 $0xFFFFC000  }
0x3a: {  	_ =	swait.ge [sflag:s14], $0x4000  }
0x3b: {  	[sflag:s14] =	ssyncset.done $0x0  }
0x3c: {  	[sflag:s14] =	ssyncadd.s32 $0xFFFFC000  }
0x3d: {  	_ =	swait.ge [sflag:s14], $0x4000  }
0x3e: {  	[sflag:s14] =	ssyncset.done $0x0  }
0x3f: {  	[sflag:s14] =	ssyncadd.s32 $0xFFFFC000  }
0x40: {  	_ =	swait.ge [sflag:s14], $0x4000  }
0x41: {  	s18 =	simm.s32 $0x2000;
	s16 =	simm.s32 $0x1000;
	[sflag:s14] =	ssyncset.done $0x0  }
.LBB2_2:
0x42: {  	s19 =	sshra.s32 s16, $0x2  }
0x43: {  	[sflag:s14] =	ssyncadd.s32 $0xFFFFC000;
	s16 =	smov.u32 s18;
	s17 =	sadd.s32 $0x1000, s18  }
0x44: {  	[spmem:s2] =	stream.indirect.scatter.add.f32 [tilespmem:s12], [sflag:$0x1], $0x80, s19, s13, $0xb8;
	[tilespmem:$0x1A400] =	vst v63  }
0x45: {  	p0 =	sne.s32 s18, $0x9000;
	s18 =	sadd.s32 $0x80, s19  }
0x46: {  	[spmem:s2] =	stream.indirect.scatter.add.f32 [tilespmem:s12], [sflag:$0x1], $0x80, s18, s13, $0xb8;
	[tilespmem:$0x1A400] =	vst v63  }
0x47: {  	s18 =	sadd.s32 $0x100, s19  }
0x48: {  	[spmem:s2] =	stream.indirect.scatter.add.f32 [tilespmem:s12], [sflag:$0x1], $0x80, s18, s13, $0xb8;
	[tilespmem:$0x1A400] =	vst v63  }
0x49: {  	s18 =	sadd.s32 $0x180, s19  }
0x4a: {  	[spmem:s2] =	stream.indirect.scatter.add.f32 [tilespmem:s12], [sflag:$0x1], $0x80, s18, s13, $0xb8;
	[tilespmem:$0x1A400] =	vst v63  }
0x4b: {  	s18 =	sadd.s32 $0x200, s19  }
0x4c: {  	[spmem:s2] =	stream.indirect.scatter.add.f32 [tilespmem:s12], [sflag:$0x1], $0x80, s18, s13, $0xb8;
	[tilespmem:$0x1A400] =	vst v63  }
0x4d: {  	s18 =	sadd.s32 $0x280, s19  }
0x4e: {  	[spmem:s2] =	stream.indirect.scatter.add.f32 [tilespmem:s12], [sflag:$0x1], $0x80, s18, s13, $0xb8;
	[tilespmem:$0x1A400] =	vst v63  }
0x4f: {  	s18 =	sadd.s32 $0x300, s19  }
0x50: {  	[spmem:s2] =	stream.indirect.scatter.add.f32 [tilespmem:s12], [sflag:$0x1], $0x80, s18, s13, $0xb8;
	[tilespmem:$0x1A400] =	vst v63  }
0x51: {  	s18 =	sadd.s32 $0x380, s19  }
0x52: {  	[spmem:s2] =	stream.indirect.scatter.add.f32 [tilespmem:s12], [sflag:$0x1], $0x80, s18, s13, $0xb8;
	[tilespmem:$0x1A400] =	vst v63  }
0x53: {  	_ =	swait.ge [sflag:s14], $0x4000  }
0x54: {  	[sflag:s14] =	ssyncset.done $0x0  }
0x55: {  	[sflag:s14] =	ssyncadd.s32 $0xFFFFC000  }
0x56: {  	_ =	swait.ge [sflag:s14], $0x4000  }
0x57: {  	[sflag:s14] =	ssyncset.done $0x0  }
0x58: {  	[sflag:s14] =	ssyncadd.s32 $0xFFFFC000  }
0x59: {  	_ =	swait.ge [sflag:s14], $0x4000  }
0x5a: {  	[sflag:s14] =	ssyncset.done $0x0  }
0x5b: {  	[sflag:s14] =	ssyncadd.s32 $0xFFFFC000  }
0x5c: {  	_ =	swait.ge [sflag:s14], $0x4000  }
0x5d: {  	[sflag:s14] =	ssyncset.done $0x0  }
0x5e: {  	[sflag:s14] =	ssyncadd.s32 $0xFFFFC000  }
0x5f: {  	_ =	swait.ge [sflag:s14], $0x4000  }
0x60: {  	[sflag:s14] =	ssyncset.done $0x0  }
0x61: {  	[sflag:s14] =	ssyncadd.s32 $0xFFFFC000  }
0x62: {  	_ =	swait.ge [sflag:s14], $0x4000  }
0x63: {  	[sflag:s14] =	ssyncset.done $0x0  }
0x64: {  	[sflag:s14] =	ssyncadd.s32 $0xFFFFC000  }
.Ltmp0:
0x65: {  	_ =	swait.ge [sflag:s14], $0x4000;
	(pc) =	sbr.rel @p0 .LBB2_2-.Ltmp0, $4  }
0x66: {  	[sflag:s14] =	ssyncset.done $0x0  }
0x67: {  	[sflag:s14] =	ssyncadd.s32 $0xFFFFC000  }
0x68: {  	_ =	swait.ge [sflag:s14], $0x4000  }
0x69: {  	s18 =	smov.u32 s17;
	[sflag:s14] =	ssyncset.done $0x0  }
0x6a: {  	s16 =	sshra.s32 s16, $0x2;
	[sflag:s14] =	ssyncadd.s32 $0xFFFFC000  }
0x6b: {  	[spmem:s2] =	stream.indirect.scatter.add.f32 [tilespmem:s12], [sflag:$0x1], $0x80, s16, s13, $0xb8;
	[tilespmem:$0x1A400] =	vst v63  }
0x6c: {  	s17 =	sadd.s32 $0x80, s16  }
0x6d: {  	[spmem:s2] =	stream.indirect.scatter.add.f32 [tilespmem:s12], [sflag:$0x1], $0x80, s17, s13, $0xb8;
	[tilespmem:$0x1A400] =	vst v63  }
0x6e: {  	s26 =	sadd.s32 $0x100, s16  }
0x6f: {  	[spmem:s2] =	stream.indirect.scatter.add.f32 [tilespmem:s12], [sflag:$0x1], $0x80, s26, s13, $0xb8;
	[tilespmem:$0x1A400] =	vst v63  }
0x70: {  	s28 =	sadd.s32 $0x180, s16  }
0x71: {  	[spmem:s2] =	stream.indirect.scatter.add.f32 [tilespmem:s12], [sflag:$0x1], $0x80, s28, s13, $0xb8;
	[tilespmem:$0x1A400] =	vst v63  }
0x72: {  	s29 =	sadd.s32 $0x200, s16  }
0x73: {  	[spmem:s2] =	stream.indirect.scatter.add.f32 [tilespmem:s12], [sflag:$0x1], $0x80, s29, s13, $0xb8;
	[tilespmem:$0x1A400] =	vst v63  }
0x74: {  	s30 =	sadd.s32 $0x280, s16  }
0x75: {  	[spmem:s2] =	stream.indirect.scatter.add.f32 [tilespmem:s12], [sflag:$0x1], $0x80, s30, s13, $0xb8;
	[tilespmem:$0x1A400] =	vst v63  }
0x76: {  	s31 =	sadd.s32 $0x300, s16  }
0x77: {  	[spmem:s2] =	stream.indirect.scatter.add.f32 [tilespmem:s12], [sflag:$0x1], $0x80, s31, s13, $0xb8;
	[tilespmem:$0x1A400] =	vst v63  }
0x78: {  	s16 =	sadd.s32 $0x380, s16  }
0x79: {  	[spmem:s2] =	stream.indirect.scatter.add.f32 [tilespmem:s12], [sflag:$0x1], $0x80, s16, s13, $0xb8;
	[tilespmem:$0x1A400] =	vst v63  }
0x7a: {  	_ =	swait.ge [sflag:s14], $0x4000  }
0x7b: {  	[sflag:s14] =	ssyncset.done $0x0  }
0x7c: {  	[sflag:s14] =	ssyncadd.s32 $0xFFFFC000  }
0x7d: {  	_ =	swait.ge [sflag:s14], $0x4000  }
0x7e: {  	[sflag:s14] =	ssyncset.done $0x0  }
0x7f: {  	[sflag:s14] =	ssyncadd.s32 $0xFFFFC000  }
0x80: {  	_ =	swait.ge [sflag:s14], $0x4000  }
0x81: {  	[sflag:s14] =	ssyncset.done $0x0  }
0x82: {  	[sflag:s14] =	ssyncadd.s32 $0xFFFFC000  }
0x83: {  	_ =	swait.ge [sflag:s14], $0x4000  }
0x84: {  	[sflag:s14] =	ssyncset.done $0x0  }
0x85: {  	[sflag:s14] =	ssyncadd.s32 $0xFFFFC000  }
0x86: {  	_ =	swait.ge [sflag:s14], $0x4000  }
0x87: {  	[sflag:s14] =	ssyncset.done $0x0  }
0x88: {  	[sflag:s14] =	ssyncadd.s32 $0xFFFFC000  }
0x89: {  	_ =	swait.ge [sflag:s14], $0x4000  }
0x8a: {  	[sflag:s14] =	ssyncset.done $0x0  }
0x8b: {  	[sflag:s14] =	ssyncadd.s32 $0xFFFFC000  }
0x8c: {  	_ =	swait.ge [sflag:s14], $0x4000  }
0x8d: {  	[sflag:s14] =	ssyncset.done $0x0  }
0x8e: {  	[sflag:s14] =	ssyncadd.s32 $0xFFFFC000  }
0x8f: {  	_ =	swait.ge [sflag:s14], $0x4000  }
0x90: {  	s15 =	sadd.s32 $0x1, s15;
	[sflag:s14] =	ssyncset.done $0x0  }
0x91: {  	p0 =	sne.s32 s15, s9;
	[sflag:s14] =	ssyncadd.s32 $0xFFFFC000  }
.Ltmp1:
0x92: {  	[bflag:$0x0] =	sbarrier.arrive $0xFFFF;
	(pc) =	sbr.rel @p0 .LBB2_1-.Ltmp1, $4  }
0x93: {  	[hbm:s8], [sflag:s6] =	dma.local [spmem:s10], $0x2780  }
0x94: {  	_ =	swait.ge [sflag:s11], $0x2780  }
0x95: {  	[sflag:s11] =	ssyncset.done $0x0  }
0x96: {  	[sflag:s11] =	ssyncadd.s32 $0xFFFFD880  }
0x97: {  	_ =	sfence.sel $0x180000  }
0x98: {  	[bflag:$0x0] =	sbarrier.arrive $0xFFFF  }
0x99: {  	p0 =	sne.s32 s1, $0x0;
	_ =	strace $0x90000047  }
0x9a: {  	s0 =	sadd.s32 @!p0 $0x100000, s0;
	[bflag:$0x2] =	sbarrier.arrive $0xFFFF  }
0x9b: {  	[sflag:s0] =	ssyncadd.tile.s32 @!p0 $0x1;
	_ =	shalt  }
.Lfunc_end2:
_tile_overlayer_lowered:
.L_overlay_start_2:
0x9c: {  	(tag) =	ssettag $0x2  }
0x9d: {  	s0 =	rddreg [dreg:$0x0];
	s2 =	stileid.u32  }
0x9e: {  	s1 =	rddreg [dreg:$0x1];
	p0 =	sne.s32 s2, $0x0  }
0x9f: {  	s3 =	rddreg [dreg:$0x2];
	[bflag:$0x3] =	sbarrier.arrive $0xFFFF;
	s2 =	simm.s32 @!p0 $0x1C02  }
0xa0: {  	[timem:s3], [sflag:s2] =	dma.local @!p0 [hbm:s0], s1  }
0xa1: {  	s0 =	simm.s32 @!p0 $0x2  }
0xa2: {  	_ =	swait.ge @!p0 [sflag:s0], s1  }
0xa3: {  	s1 =	ssub.s32 @!p0 $0x0, s1;
	[sflag:s0] =	ssyncset.done @!p0 $0x0  }
0xa4: {  	[sflag:s0] =	ssyncadd.s32 @!p0 s1  }
0xa5: {  	[bflag:$0x3] =	sbarrier.arrive $0xFFFF  }
0xa6: {  	_ =	shalt  }

</sc_bundles>
